<compile_context>
chip_gen: v7x
topology: tpu7x:2x2x1
jax: 0.10.2.dev20260603
libtpu: 0.0.44.dev20260713+nightly
codegen_flags: <defaults>
</compile_context>

<pallas_src>
import functools

import jax
import jax.numpy as jnp
from jax import lax
from jax.experimental import pallas as pl
from jax.experimental.pallas import tpu as pltpu
from jax.experimental.pallas import tpu_sc as plsc

N = 10000
E = 320000
D = 128
H = 32
EPS = 1e-5

NC = 2
NS = 16
NW = NC * NS
EPW = E // NW
CHUNK = 128
NFULL = EPW // CHUNK
REM = EPW - NFULL * CHUNK
RING = 13
RITER = NFULL // RING
LEFT = NFULL - RITER * RING
NA = 10112
ZROWS = NA // NS


def _sc_segment_sum(y, ei, zeros):
    mesh = plsc.VectorSubcoreMesh(core_axis_name="c", subcore_axis_name="s")

    @functools.partial(
        pl.kernel,
        mesh=mesh,
        out_type=jax.ShapeDtypeStruct((NC, NA, H), jnp.float32),
        compiler_params=pltpu.CompilerParams(use_tc_tiling_on_sc=False),
        scratch_types=[
            pltpu.VMEM((EPW,), jnp.int32),
            pltpu.VMEM((NFULL, CHUNK), jnp.int32),
            pltpu.VMEM((REM,), jnp.int32),
            [pltpu.VMEM((CHUNK, H), jnp.float32)] * RING,
            pltpu.VMEM((REM, H), jnp.float32),
            pltpu.VMEM_SHARED((NA, H), jnp.float32),
            pltpu.SemaphoreType.DMA,
            pltpu.SemaphoreType.DMA,
            pltpu.SemaphoreType.DMA,
            [pltpu.SemaphoreType.DMA] * RING,
            [pltpu.SemaphoreType.DMA] * RING,
        ],
    )
    def k(y_hbm, ei_hbm, z_hbm, out_hbm, src_v, dst_v, dstr_v,
          rows, rows_r, acc, semz, semi, semd, sem_g, sem_s):
        cid = lax.axis_index("c")
        sid = lax.axis_index("s")
        wid = cid * NS + sid
        wb = wid * EPW
        zdesc = pltpu.make_async_copy(z_hbm.at[pl.ds(sid * ZROWS, ZROWS)],
                                      acc.at[pl.ds(sid * ZROWS, ZROWS)], semz)
        zdesc.start()
        sdesc = pltpu.make_async_copy(ei_hbm.at[0, pl.ds(wb, EPW)], src_v, semi)
        sdesc.start()

        def dstage(c, carry):
            pltpu.async_copy(ei_hbm.at[1, pl.ds(wb + c * CHUNK, CHUNK)],
                             dst_v.at[c], semd)
            return carry

        lax.fori_loop(0, NFULL, dstage, 0)
        rdesc = pltpu.make_async_copy(
            ei_hbm.at[1, pl.ds(wb + NFULL * CHUNK, REM)], dstr_v, semd)
        rdesc.start()

        def gather(c, b):
            return pltpu.make_async_copy(
                y_hbm.at[src_v.at[pl.ds(c * CHUNK, CHUNK)]], rows[b], sem_g[b])

        def scatter(c, b):
            return pltpu.make_async_copy(rows[b], acc.at[dst_v.at[c]], sem_s[b])

        sdesc.wait()
        for b in range(RING):
            gather(b, b).start()
        rem_g = pltpu.make_async_copy(
            y_hbm.at[src_v.at[pl.ds(NFULL * CHUNK, REM)]], rows_r, semi)
        rem_g.start()

        def dwait(c, carry):
            pltpu.make_async_copy(ei_hbm.at[1, pl.ds(wb + c * CHUNK, CHUNK)],
                                  dst_v.at[c], semd).wait()
            return carry

        lax.fori_loop(0, NFULL, dwait, 0)
        rdesc.wait()
        zdesc.wait()
        plsc.subcore_barrier()

        def body(i, carry):
            c0 = RING * i
            for b in range(RING):
                gather(c0 + b, b).wait()
                scatter(c0 + b, b).start(add=True)
            for b in range(LEFT):
                scatter(c0 + b, b).wait()
                gather(c0 + b + RING, b).start()

            @pl.when(i < RITER - 1)
            def _more():
                for b in range(LEFT, RING):
                    scatter(c0 + b, b).wait()
                    gather(c0 + b + RING, b).start()

            return carry

        lax.fori_loop(0, RITER, body, 0)
        cbase = RITER * RING
        rem_g.wait()
        pltpu.sync_copy(rows_r, acc.at[dstr_v], add=True)
        for b in range(LEFT, RING):
            scatter(cbase - RING + b, b).wait()
        plsc.subcore_barrier()
        pltpu.sync_copy(acc.at[pl.ds(sid * ZROWS, ZROWS)],
                        out_hbm.at[cid, pl.ds(sid * ZROWS, ZROWS)])

    return k(y, ei, zeros)


def _tc_proj(x, W):
    def body(x_ref, w_ref, y_ref):
        y_ref[...] = jnp.dot(x_ref[...], w_ref[...],
                             preferred_element_type=jnp.float32)

    return pl.pallas_call(
        body,
        out_shape=jax.ShapeDtypeStruct((N, H), jnp.float32),
    )(x, W)


def _rsqrt(a):
    r = lax.rsqrt(a)
    r = r * (1.5 - 0.5 * a * r * r)
    r = r * (1.5 - 0.5 * a * r * r)
    return r


def _post(h, g, be):
    m = jnp.mean(h, axis=0, keepdims=True)
    v = jnp.mean((h - m) ** 2, axis=0, keepdims=True)
    h = (h - m) * _rsqrt(v + EPS) * g + be
    h = jnp.where(h >= 0, h, 0.01 * h)
    s = jnp.maximum(jnp.sum(h * h, axis=-1, keepdims=True), 1e-24)
    return h * _rsqrt(s)


def _tc_mid(p, r, bl, g, be, Wl):
    def body(p_ref, r_ref, bl_ref, g_ref, be_ref, wl_ref, y_ref, h_ref):
        h = p_ref[0, :N] + p_ref[1, :N] + r_ref[...] + bl_ref[...]
        h = _post(h, g_ref[...], be_ref[...])
        y_ref[...] = jnp.dot(h, wl_ref[...], preferred_element_type=jnp.float32)
        h_ref[...] = h

    return pl.pallas_call(
        body,
        out_shape=[jax.ShapeDtypeStruct((N, H), jnp.float32),
                   jax.ShapeDtypeStruct((N, H), jnp.float32)],
    )(p, r, bl, g, be, Wl)


def _tc_out(p, r, bl, g, be, Wp, bp):
    def body(p_ref, r_ref, bl_ref, g_ref, be_ref, wp_ref, bp_ref, o_ref):
        h = p_ref[0, :N] + p_ref[1, :N] + r_ref[...] + bl_ref[...]
        h = _post(h, g_ref[...], be_ref[...])
        o_ref[...] = (jnp.dot(h, wp_ref[...], preferred_element_type=jnp.float32)
                      + bp_ref[...])

    return pl.pallas_call(
        body,
        out_shape=jax.ShapeDtypeStruct((N, H), jnp.float32),
    )(p, r, bl, g, be, Wp, bp)


def kernel(x, edge_index, W1l, b1l, W1r, g1, be1, W2l, b2l, W2r, g2, be2, Wp, bp):
    zeros = jnp.zeros((NA, H), jnp.float32)

    b1l_, g1_, be1_ = b1l.reshape(1, H), g1.reshape(1, H), be1.reshape(1, H)
    b2l_, g2_, be2_ = b2l.reshape(1, H), g2.reshape(1, H), be2.reshape(1, H)
    bp_ = bp.reshape(1, H)

    y1 = _tc_proj(x, W1l)
    p1 = _sc_segment_sum(y1, edge_index, zeros)
    r1 = _tc_proj(x, W1r)
    y2, h1 = _tc_mid(p1, r1, b1l_, g1_, be1_, W2l)
    p2 = _sc_segment_sum(y2, edge_index, zeros)
    r2 = _tc_proj(h1, W2r)
    return _tc_out(p2, r2, b2l_, g2_, be2_, Wp, bp_)

# --- scband reference (transcript-rebuilt; emitter-appended) ---
"""Pipeline reference for scband-encoder-33878702031118 (READ-ONLY COPY).

The authoritative reference and input builder live on the scoring server;
editing this copy changes nothing except your own understanding.
"""

import jax, jax.numpy as jnp
import numpy as np

N = 10000
E = 320000
D = 128
H = 32
EPS = 1e-5


def setup_inputs(seed: int = 0) -> dict:
    key = jax.random.key(seed)
    ks = jax.random.split(key, 16)
    inp = {}
    inp["x"] = jax.random.normal(ks[0], (N, D), dtype=jnp.float32)
    inp["edge_index"] = jax.random.randint(ks[1], (2, E), 0, N, dtype=jnp.int32)
    # SAGEConv1 (lazy in_channels resolves to D=128): lin_l (neighbors, with bias), lin_r (root, no bias)
    inp["W1l"] = jax.random.normal(ks[2], (D, H), dtype=jnp.float32) * 0.05
    inp["b1l"] = jnp.zeros((H,), dtype=jnp.float32)
    inp["W1r"] = jax.random.normal(ks[3], (D, H), dtype=jnp.float32) * 0.05
    # BatchNorm1d(32)
    inp["g1"] = jnp.ones((H,), dtype=jnp.float32)
    inp["be1"] = jnp.zeros((H,), dtype=jnp.float32)
    # SAGEConv2 (32 -> 32)
    inp["W2l"] = jax.random.normal(ks[4], (H, H), dtype=jnp.float32) * 0.1
    inp["b2l"] = jnp.zeros((H,), dtype=jnp.float32)
    inp["W2r"] = jax.random.normal(ks[5], (H, H), dtype=jnp.float32) * 0.1
    # BatchNorm1d(32)
    inp["g2"] = jnp.ones((H,), dtype=jnp.float32)
    inp["be2"] = jnp.zeros((H,), dtype=jnp.float32)
    # post_linear
    inp["Wp"] = jax.random.normal(ks[6], (H, H), dtype=jnp.float32) * 0.1
    inp["bp"] = jnp.zeros((H,), dtype=jnp.float32)
    return inp


def _sage(h, edge_index, Wl, bl, Wr):
    # PyG SAGEConv with aggr='sum': out = lin_l(sum_{j in N(i)} x_j) + lin_r(x_i)
    src = edge_index[0]
    dst = edge_index[1]
    msgs = jnp.take(h, src, axis=0)
    agg = jax.ops.segment_sum(msgs, dst, num_segments=N)
    return agg @ Wl + bl + h @ Wr


def _bn(h, g, b):
    # BatchNorm1d forward with batch statistics (train-mode math), eps=1e-5
    m = jnp.mean(h, axis=0)
    v = jnp.var(h, axis=0)
    return (h - m) / jnp.sqrt(v + EPS) * g + b


def _lrelu(h):
    return jnp.where(h >= 0, h, 0.01 * h)


def _l2norm(h):
    n = jnp.sqrt(jnp.sum(h * h, axis=-1, keepdims=True))
    return h / jnp.maximum(n, 1e-12)


def reference(x, edge_index, W1l, b1l, W1r, g1, be1, W2l, b2l, W2r, g2, be2, Wp, bp):
    h = _sage(x, edge_index, W1l, b1l, W1r)
    h = _bn(h, g1, be1)
    # dropout p=0.1 -> identity in eval
    h = _lrelu(h)
    h = _l2norm(h)
    h = _sage(h, edge_index, W2l, b2l, W2r)
    h = _bn(h, g2, be2)
    h = _lrelu(h)
    h = _l2norm(h)
    return h @ Wp + bp

if __name__ == "__main__":
    import jax
    _d = setup_inputs()
    print(jax.jit(kernel)(*tuple(_d.values())))

</pallas_src>

<mosaic_0001>
#map = affine_map<(d0, d1) -> (0, 0)>
#map1 = affine_map<(d0, d1) -> (0, 0, 0)>
module attributes {stable_mosaic.version = 14 : i64} {
  func.func @k(%arg0: i32, %arg1: i32, %arg2: memref<10000x32xf32, #tpu.memory_space<hbm>>, %arg3: memref<2x320000xi32, #tpu.memory_space<hbm>>, %arg4: memref<10112x32xf32, #tpu.memory_space<hbm>>, %arg5: memref<2x10112x32xf32, #tpu.memory_space<hbm>>, %arg6: memref<10000xi32, #tpu.memory_space<vmem>>, %arg7: memref<78x128xi32, #tpu.memory_space<vmem>>, %arg8: memref<16xi32, #tpu.memory_space<vmem>>, %arg9: memref<128x32xf32, #tpu.memory_space<vmem>>, %arg10: memref<128x32xf32, #tpu.memory_space<vmem>>, %arg11: memref<128x32xf32, #tpu.memory_space<vmem>>, %arg12: memref<128x32xf32, #tpu.memory_space<vmem>>, %arg13: memref<128x32xf32, #tpu.memory_space<vmem>>, %arg14: memref<128x32xf32, #tpu.memory_space<vmem>>, %arg15: memref<128x32xf32, #tpu.memory_space<vmem>>, %arg16: memref<128x32xf32, #tpu.memory_space<vmem>>, %arg17: memref<128x32xf32, #tpu.memory_space<vmem>>, %arg18: memref<128x32xf32, #tpu.memory_space<vmem>>, %arg19: memref<128x32xf32, #tpu.memory_space<vmem>>, %arg20: memref<128x32xf32, #tpu.memory_space<vmem>>, %arg21: memref<128x32xf32, #tpu.memory_space<vmem>>, %arg22: memref<16x32xf32, #tpu.memory_space<vmem>>, %arg23: memref<10112x32xf32, #tpu.memory_space<vmem_shared>>, %arg24: memref<!tpu.dma_semaphore, #tpu.memory_space<semaphore_mem>>, %arg25: memref<!tpu.dma_semaphore, #tpu.memory_space<semaphore_mem>>, %arg26: memref<!tpu.dma_semaphore, #tpu.memory_space<semaphore_mem>>, %arg27: memref<!tpu.dma_semaphore, #tpu.memory_space<semaphore_mem>>, %arg28: memref<!tpu.dma_semaphore, #tpu.memory_space<semaphore_mem>>, %arg29: memref<!tpu.dma_semaphore, #tpu.memory_space<semaphore_mem>>, %arg30: memref<!tpu.dma_semaphore, #tpu.memory_space<semaphore_mem>>, %arg31: memref<!tpu.dma_semaphore, #tpu.memory_space<semaphore_mem>>, %arg32: memref<!tpu.dma_semaphore, #tpu.memory_space<semaphore_mem>>, %arg33: memref<!tpu.dma_semaphore, #tpu.memory_space<semaphore_mem>>, %arg34: memref<!tpu.dma_semaphore, #tpu.memory_space<semaphore_mem>>, %arg35: memref<!tpu.dma_semaphore, #tpu.memory_space<semaphore_mem>>, %arg36: memref<!tpu.dma_semaphore, #tpu.memory_space<semaphore_mem>>, %arg37: memref<!tpu.dma_semaphore, #tpu.memory_space<semaphore_mem>>, %arg38: memref<!tpu.dma_semaphore, #tpu.memory_space<semaphore_mem>>, %arg39: memref<!tpu.dma_semaphore, #tpu.memory_space<semaphore_mem>>, %arg40: memref<!tpu.dma_semaphore, #tpu.memory_space<semaphore_mem>>, %arg41: memref<!tpu.dma_semaphore, #tpu.memory_space<semaphore_mem>>, %arg42: memref<!tpu.dma_semaphore, #tpu.memory_space<semaphore_mem>>, %arg43: memref<!tpu.dma_semaphore, #tpu.memory_space<semaphore_mem>>, %arg44: memref<!tpu.dma_semaphore, #tpu.memory_space<semaphore_mem>>, %arg45: memref<!tpu.dma_semaphore, #tpu.memory_space<semaphore_mem>>, %arg46: memref<!tpu.dma_semaphore, #tpu.memory_space<semaphore_mem>>, %arg47: memref<!tpu.dma_semaphore, #tpu.memory_space<semaphore_mem>>, %arg48: memref<!tpu.dma_semaphore, #tpu.memory_space<semaphore_mem>>, %arg49: memref<!tpu.dma_semaphore, #tpu.memory_space<semaphore_mem>>, %arg50: memref<!tpu.dma_semaphore, #tpu.memory_space<semaphore_mem>>, %arg51: memref<!tpu.dma_semaphore, #tpu.memory_space<semaphore_mem>>, %arg52: memref<!tpu.dma_semaphore, #tpu.memory_space<semaphore_mem>>) attributes {dimension_semantics = [#tpu.dimension_semantics<core_parallel>, #tpu.dimension_semantics<subcore_parallel>], iteration_bounds = array<i64: 2, 16>, scalar_prefetch = 0 : i64, scratch_operands = 47 : i64, tpu.core_type = #tpu.core_type<sc_vector_subcore>, window_params = [{transform_indices = #map}, {transform_indices = #map}, {transform_indices = #map}, {transform_indices = #map1}]} {
    %mul3A = arith.constant 16 : i32
    %mul3A_0 = arith.muli %arg0, %mul3A : i32
    %add3A = arith.addi %mul3A_0, %arg1 : i32
    %mul3A_1 = arith.constant 10000 : i32
    %mul3A_2 = arith.muli %add3A, %mul3A_1 : i32
    %mul3A_3 = arith.constant 632 : i32
    %mul3A_4 = arith.muli %arg1, %mul3A_3 : i32
    %mul3A_5 = arith.constant 632 : i32
    %mul3A_6 = arith.muli %arg1, %mul3A_5 : i32
    %dma_start3A = arith.constant 0 : i32
    %dma_start3A_7 = tpu.memref_slice %arg23[%mul3A_6, %dma_start3A] : memref<10112x32xf32, #tpu.memory_space<vmem_shared>> -> memref<632x32xf32, #tpu.memory_space<vmem_shared>>
    %dma_start3A_8 = arith.constant 0 : i32
    %dma_start3A_9 = tpu.memref_slice %arg4[%mul3A_4, %dma_start3A_8] : memref<10112x32xf32, #tpu.memory_space<hbm>> -> memref<632x32xf32, #tpu.memory_space<hbm>>
    tpu.enqueue_dma source(%dma_start3A_9 : memref<632x32xf32, #tpu.memory_space<hbm>>) target(%dma_start3A_7 : memref<632x32xf32, #tpu.memory_space<vmem_shared>>) target_semaphore(%arg24 : memref<!tpu.dma_semaphore, #tpu.memory_space<semaphore_mem>>)
    %dma_start3A_10 = arith.constant 0 : i32
    %dma_start3A_11 = tpu.memref_slice %arg3[%dma_start3A_10, %mul3A_2] : memref<2x320000xi32, #tpu.memory_space<hbm>> -> memref<1x10000xi32, #tpu.memory_space<hbm>>
    %dma_start3A_12 = tpu.memref_squeeze %dma_start3A_11 : memref<1x10000xi32, #tpu.memory_space<hbm>> -> memref<10000xi32, #tpu.memory_space<hbm>>
    %dma_start3A_13 = tpu.memref_slice %arg3[%dma_start3A_10, %mul3A_2] : memref<2x320000xi32, #tpu.memory_space<hbm>> -> memref<1x10000xi32, #tpu.memory_space<hbm>>
    %dma_start3A_14 = tpu.memref_squeeze %dma_start3A_13 : memref<1x10000xi32, #tpu.memory_space<hbm>> -> memref<10000xi32, #tpu.memory_space<hbm>>
    tpu.enqueue_dma source(%dma_start3A_14 : memref<10000xi32, #tpu.memory_space<hbm>>) target(%arg6 : memref<10000xi32, #tpu.memory_space<vmem>>) target_semaphore(%arg25 : memref<!tpu.dma_semaphore, #tpu.memory_space<semaphore_mem>>)
    %scan3A = arith.constant 0 : i32
    %scan3A_15 = arith.constant 0 : i32
    %scan3A_16 = arith.constant 78 : i32
    %scan3A_17 = arith.addi %scan3A_15, %scan3A_16 : i32
    %scan3A_18 = arith.constant 1 : i32
    scf.for %scan3A_223 = %scan3A_15 to %scan3A_17 step %scan3A_18  : i32 {
      %mul3A_224 = arith.constant 128 : i32
      %mul3A_225 = arith.muli %scan3A_223, %mul3A_224 : i32
      %add3A_226 = arith.addi %mul3A_2, %mul3A_225 : i32
      %dma_start3A_227 = arith.constant 1 : i32
      %dma_start3A_228 = arith.constant 0 : i32
      %dma_start3A_229 = tpu.memref_slice %arg7[%scan3A_223, %dma_start3A_228] : memref<78x128xi32, #tpu.memory_space<vmem>> -> memref<1x128xi32, #tpu.memory_space<vmem>>
      %dma_start3A_230 = tpu.memref_squeeze %dma_start3A_229 : memref<1x128xi32, #tpu.memory_space<vmem>> -> memref<128xi32, #tpu.memory_space<vmem>>
      %dma_start3A_231 = tpu.memref_slice %arg3[%dma_start3A_227, %add3A_226] : memref<2x320000xi32, #tpu.memory_space<hbm>> -> memref<1x128xi32, #tpu.memory_space<hbm>>
      %dma_start3A_232 = tpu.memref_squeeze %dma_start3A_231 : memref<1x128xi32, #tpu.memory_space<hbm>> -> memref<128xi32, #tpu.memory_space<hbm>>
      %dma_start3A_233 = arith.constant 0 : i32
      %dma_start3A_234 = tpu.memref_slice %arg7[%scan3A_223, %dma_start3A_233] : memref<78x128xi32, #tpu.memory_space<vmem>> -> memref<1x128xi32, #tpu.memory_space<vmem>>
      %dma_start3A_235 = tpu.memref_squeeze %dma_start3A_234 : memref<1x128xi32, #tpu.memory_space<vmem>> -> memref<128xi32, #tpu.memory_space<vmem>>
      %dma_start3A_236 = tpu.memref_slice %arg3[%dma_start3A_227, %add3A_226] : memref<2x320000xi32, #tpu.memory_space<hbm>> -> memref<1x128xi32, #tpu.memory_space<hbm>>
      %dma_start3A_237 = tpu.memref_squeeze %dma_start3A_236 : memref<1x128xi32, #tpu.memory_space<hbm>> -> memref<128xi32, #tpu.memory_space<hbm>>
      tpu.enqueue_dma source(%dma_start3A_237 : memref<128xi32, #tpu.memory_space<hbm>>) target(%dma_start3A_235 : memref<128xi32, #tpu.memory_space<vmem>>) target_semaphore(%arg26 : memref<!tpu.dma_semaphore, #tpu.memory_space<semaphore_mem>>)
    }
    %scan3A_19 = arith.constant 78 : i32
    %add3A_20 = arith.constant 9984 : i32
    %add3A_21 = arith.addi %mul3A_2, %add3A_20 : i32
    %dma_start3A_22 = arith.constant 1 : i32
    %dma_start3A_23 = tpu.memref_slice %arg3[%dma_start3A_22, %add3A_21] : memref<2x320000xi32, #tpu.memory_space<hbm>> -> memref<1x16xi32, #tpu.memory_space<hbm>>
    %dma_start3A_24 = tpu.memref_squeeze %dma_start3A_23 : memref<1x16xi32, #tpu.memory_space<hbm>> -> memref<16xi32, #tpu.memory_space<hbm>>
    %dma_start3A_25 = tpu.memref_slice %arg3[%dma_start3A_22, %add3A_21] : memref<2x320000xi32, #tpu.memory_space<hbm>> -> memref<1x16xi32, #tpu.memory_space<hbm>>
    %dma_start3A_26 = tpu.memref_squeeze %dma_start3A_25 : memref<1x16xi32, #tpu.memory_space<hbm>> -> memref<16xi32, #tpu.memory_space<hbm>>
    tpu.enqueue_dma source(%dma_start3A_26 : memref<16xi32, #tpu.memory_space<hbm>>) target(%arg8 : memref<16xi32, #tpu.memory_space<vmem>>) target_semaphore(%arg26 : memref<!tpu.dma_semaphore, #tpu.memory_space<semaphore_mem>>)
    %dma_wait3A = arith.constant 0 : i32
    %dma_wait3A_27 = tpu.memref_slice %arg3[%dma_wait3A, %mul3A_2] : memref<2x320000xi32, #tpu.memory_space<hbm>> -> memref<1x10000xi32, #tpu.memory_space<hbm>>
    %dma_wait3A_28 = tpu.memref_squeeze %dma_wait3A_27 : memref<1x10000xi32, #tpu.memory_space<hbm>> -> memref<10000xi32, #tpu.memory_space<hbm>>
    %dma_wait3A_29 = tpu.memref_slice %arg3[%dma_wait3A, %mul3A_2] : memref<2x320000xi32, #tpu.memory_space<hbm>> -> memref<1x10000xi32, #tpu.memory_space<hbm>>
    %dma_wait3A_30 = tpu.memref_squeeze %dma_wait3A_29 : memref<1x10000xi32, #tpu.memory_space<hbm>> -> memref<10000xi32, #tpu.memory_space<hbm>>
    tpu.wait_dma2 semaphore(%arg25 : memref<!tpu.dma_semaphore, #tpu.memory_space<semaphore_mem>>) src(%dma_wait3A_30 : memref<10000xi32, #tpu.memory_space<hbm>>) dst(%arg6 : memref<10000xi32, #tpu.memory_space<vmem>>)
    %dma_start3A_31 = arith.constant 0 : i32
    %dma_start3A_32 = tpu.memref_slice %arg6[%dma_start3A_31] : memref<10000xi32, #tpu.memory_space<vmem>> -> memref<128xi32, #tpu.memory_space<vmem>>
    %dma_start3A_33 = arith.constant 0 : i32
    %dma_start3A_34 = arith.constant 0 : i32
    %dma_start3A_35 = tpu.memref_slice %arg2[%dma_start3A_33, %dma_start3A_34] : memref<10000x32xf32, #tpu.memory_space<hbm>> -> memref<10000x32xf32, #tpu.memory_space<hbm>>
    tpu.enqueue_indirect_dma source(%dma_start3A_35 : memref<10000x32xf32, #tpu.memory_space<hbm>>) target(%arg9 : memref<128x32xf32, #tpu.memory_space<vmem>>) offsets(%dma_start3A_32 : memref<128xi32, #tpu.memory_space<vmem>>) semaphore(%arg27 : memref<!tpu.dma_semaphore, #tpu.memory_space<semaphore_mem>>)
    %dma_start3A_36 = arith.constant 128 : i32
    %dma_start3A_37 = tpu.memref_slice %arg6[%dma_start3A_36] : memref<10000xi32, #tpu.memory_space<vmem>> -> memref<128xi32, #tpu.memory_space<vmem>>
    %dma_start3A_38 = arith.constant 0 : i32
    %dma_start3A_39 = arith.constant 0 : i32
    %dma_start3A_40 = tpu.memref_slice %arg2[%dma_start3A_38, %dma_start3A_39] : memref<10000x32xf32, #tpu.memory_space<hbm>> -> memref<10000x32xf32, #tpu.memory_space<hbm>>
    tpu.enqueue_indirect_dma source(%dma_start3A_40 : memref<10000x32xf32, #tpu.memory_space<hbm>>) target(%arg10 : memref<128x32xf32, #tpu.memory_space<vmem>>) offsets(%dma_start3A_37 : memref<128xi32, #tpu.memory_space<vmem>>) semaphore(%arg28 : memref<!tpu.dma_semaphore, #tpu.memory_space<semaphore_mem>>)
    %dma_start3A_41 = arith.constant 256 : i32
    %dma_start3A_42 = tpu.memref_slice %arg6[%dma_start3A_41] : memref<10000xi32, #tpu.memory_space<vmem>> -> memref<128xi32, #tpu.memory_space<vmem>>
    %dma_start3A_43 = arith.constant 0 : i32
    %dma_start3A_44 = arith.constant 0 : i32
    %dma_start3A_45 = tpu.memref_slice %arg2[%dma_start3A_43, %dma_start3A_44] : memref<10000x32xf32, #tpu.memory_space<hbm>> -> memref<10000x32xf32, #tpu.memory_space<hbm>>
    tpu.enqueue_indirect_dma source(%dma_start3A_45 : memref<10000x32xf32, #tpu.memory_space<hbm>>) target(%arg11 : memref<128x32xf32, #tpu.memory_space<vmem>>) offsets(%dma_start3A_42 : memref<128xi32, #tpu.memory_space<vmem>>) semaphore(%arg29 : memref<!tpu.dma_semaphore, #tpu.memory_space<semaphore_mem>>)
    %dma_start3A_46 = arith.constant 384 : i32
    %dma_start3A_47 = tpu.memref_slice %arg6[%dma_start3A_46] : memref<10000xi32, #tpu.memory_space<vmem>> -> memref<128xi32, #tpu.memory_space<vmem>>
    %dma_start3A_48 = arith.constant 0 : i32
    %dma_start3A_49 = arith.constant 0 : i32
    %dma_start3A_50 = tpu.memref_slice %arg2[%dma_start3A_48, %dma_start3A_49] : memref<10000x32xf32, #tpu.memory_space<hbm>> -> memref<10000x32xf32, #tpu.memory_space<hbm>>
    tpu.enqueue_indirect_dma source(%dma_start3A_50 : memref<10000x32xf32, #tpu.memory_space<hbm>>) target(%arg12 : memref<128x32xf32, #tpu.memory_space<vmem>>) offsets(%dma_start3A_47 : memref<128xi32, #tpu.memory_space<vmem>>) semaphore(%arg30 : memref<!tpu.dma_semaphore, #tpu.memory_space<semaphore_mem>>)
    %dma_start3A_51 = arith.constant 512 : i32
    %dma_start3A_52 = tpu.memref_slice %arg6[%dma_start3A_51] : memref<10000xi32, #tpu.memory_space<vmem>> -> memref<128xi32, #tpu.memory_space<vmem>>
    %dma_start3A_53 = arith.constant 0 : i32
    %dma_start3A_54 = arith.constant 0 : i32
    %dma_start3A_55 = tpu.memref_slice %arg2[%dma_start3A_53, %dma_start3A_54] : memref<10000x32xf32, #tpu.memory_space<hbm>> -> memref<10000x32xf32, #tpu.memory_space<hbm>>
    tpu.enqueue_indirect_dma source(%dma_start3A_55 : memref<10000x32xf32, #tpu.memory_space<hbm>>) target(%arg13 : memref<128x32xf32, #tpu.memory_space<vmem>>) offsets(%dma_start3A_52 : memref<128xi32, #tpu.memory_space<vmem>>) semaphore(%arg31 : memref<!tpu.dma_semaphore, #tpu.memory_space<semaphore_mem>>)
    %dma_start3A_56 = arith.constant 640 : i32
    %dma_start3A_57 = tpu.memref_slice %arg6[%dma_start3A_56] : memref<10000xi32, #tpu.memory_space<vmem>> -> memref<128xi32, #tpu.memory_space<vmem>>
    %dma_start3A_58 = arith.constant 0 : i32
    %dma_start3A_59 = arith.constant 0 : i32
    %dma_start3A_60 = tpu.memref_slice %arg2[%dma_start3A_58, %dma_start3A_59] : memref<10000x32xf32, #tpu.memory_space<hbm>> -> memref<10000x32xf32, #tpu.memory_space<hbm>>
    tpu.enqueue_indirect_dma source(%dma_start3A_60 : memref<10000x32xf32, #tpu.memory_space<hbm>>) target(%arg14 : memref<128x32xf32, #tpu.memory_space<vmem>>) offsets(%dma_start3A_57 : memref<128xi32, #tpu.memory_space<vmem>>) semaphore(%arg32 : memref<!tpu.dma_semaphore, #tpu.memory_space<semaphore_mem>>)
    %dma_start3A_61 = arith.constant 768 : i32
    %dma_start3A_62 = tpu.memref_slice %arg6[%dma_start3A_61] : memref<10000xi32, #tpu.memory_space<vmem>> -> memref<128xi32, #tpu.memory_space<vmem>>
    %dma_start3A_63 = arith.constant 0 : i32
    %dma_start3A_64 = arith.constant 0 : i32
    %dma_start3A_65 = tpu.memref_slice %arg2[%dma_start3A_63, %dma_start3A_64] : memref<10000x32xf32, #tpu.memory_space<hbm>> -> memref<10000x32xf32, #tpu.memory_space<hbm>>
    tpu.enqueue_indirect_dma source(%dma_start3A_65 : memref<10000x32xf32, #tpu.memory_space<hbm>>) target(%arg15 : memref<128x32xf32, #tpu.memory_space<vmem>>) offsets(%dma_start3A_62 : memref<128xi32, #tpu.memory_space<vmem>>) semaphore(%arg33 : memref<!tpu.dma_semaphore, #tpu.memory_space<semaphore_mem>>)
    %dma_start3A_66 = arith.constant 896 : i32
    %dma_start3A_67 = tpu.memref_slice %arg6[%dma_start3A_66] : memref<10000xi32, #tpu.memory_space<vmem>> -> memref<128xi32, #tpu.memory_space<vmem>>
    %dma_start3A_68 = arith.constant 0 : i32
    %dma_start3A_69 = arith.constant 0 : i32
    %dma_start3A_70 = tpu.memref_slice %arg2[%dma_start3A_68, %dma_start3A_69] : memref<10000x32xf32, #tpu.memory_space<hbm>> -> memref<10000x32xf32, #tpu.memory_space<hbm>>
    tpu.enqueue_indirect_dma source(%dma_start3A_70 : memref<10000x32xf32, #tpu.memory_space<hbm>>) target(%arg16 : memref<128x32xf32, #tpu.memory_space<vmem>>) offsets(%dma_start3A_67 : memref<128xi32, #tpu.memory_space<vmem>>) semaphore(%arg34 : memref<!tpu.dma_semaphore, #tpu.memory_space<semaphore_mem>>)
    %dma_start3A_71 = arith.constant 1024 : i32
    %dma_start3A_72 = tpu.memref_slice %arg6[%dma_start3A_71] : memref<10000xi32, #tpu.memory_space<vmem>> -> memref<128xi32, #tpu.memory_space<vmem>>
    %dma_start3A_73 = arith.constant 0 : i32
    %dma_start3A_74 = arith.constant 0 : i32
    %dma_start3A_75 = tpu.memref_slice %arg2[%dma_start3A_73, %dma_start3A_74] : memref<10000x32xf32, #tpu.memory_space<hbm>> -> memref<10000x32xf32, #tpu.memory_space<hbm>>
    tpu.enqueue_indirect_dma source(%dma_start3A_75 : memref<10000x32xf32, #tpu.memory_space<hbm>>) target(%arg17 : memref<128x32xf32, #tpu.memory_space<vmem>>) offsets(%dma_start3A_72 : memref<128xi32, #tpu.memory_space<vmem>>) semaphore(%arg35 : memref<!tpu.dma_semaphore, #tpu.memory_space<semaphore_mem>>)
    %dma_start3A_76 = arith.constant 1152 : i32
    %dma_start3A_77 = tpu.memref_slice %arg6[%dma_start3A_76] : memref<10000xi32, #tpu.memory_space<vmem>> -> memref<128xi32, #tpu.memory_space<vmem>>
    %dma_start3A_78 = arith.constant 0 : i32
    %dma_start3A_79 = arith.constant 0 : i32
    %dma_start3A_80 = tpu.memref_slice %arg2[%dma_start3A_78, %dma_start3A_79] : memref<10000x32xf32, #tpu.memory_space<hbm>> -> memref<10000x32xf32, #tpu.memory_space<hbm>>
    tpu.enqueue_indirect_dma source(%dma_start3A_80 : memref<10000x32xf32, #tpu.memory_space<hbm>>) target(%arg18 : memref<128x32xf32, #tpu.memory_space<vmem>>) offsets(%dma_start3A_77 : memref<128xi32, #tpu.memory_space<vmem>>) semaphore(%arg36 : memref<!tpu.dma_semaphore, #tpu.memory_space<semaphore_mem>>)
    %dma_start3A_81 = arith.constant 1280 : i32
    %dma_start3A_82 = tpu.memref_slice %arg6[%dma_start3A_81] : memref<10000xi32, #tpu.memory_space<vmem>> -> memref<128xi32, #tpu.memory_space<vmem>>
    %dma_start3A_83 = arith.constant 0 : i32
    %dma_start3A_84 = arith.constant 0 : i32
    %dma_start3A_85 = tpu.memref_slice %arg2[%dma_start3A_83, %dma_start3A_84] : memref<10000x32xf32, #tpu.memory_space<hbm>> -> memref<10000x32xf32, #tpu.memory_space<hbm>>
    tpu.enqueue_indirect_dma source(%dma_start3A_85 : memref<10000x32xf32, #tpu.memory_space<hbm>>) target(%arg19 : memref<128x32xf32, #tpu.memory_space<vmem>>) offsets(%dma_start3A_82 : memref<128xi32, #tpu.memory_space<vmem>>) semaphore(%arg37 : memref<!tpu.dma_semaphore, #tpu.memory_space<semaphore_mem>>)
    %dma_start3A_86 = arith.constant 1408 : i32
    %dma_start3A_87 = tpu.memref_slice %arg6[%dma_start3A_86] : memref<10000xi32, #tpu.memory_space<vmem>> -> memref<128xi32, #tpu.memory_space<vmem>>
    %dma_start3A_88 = arith.constant 0 : i32
    %dma_start3A_89 = arith.constant 0 : i32
    %dma_start3A_90 = tpu.memref_slice %arg2[%dma_start3A_88, %dma_start3A_89] : memref<10000x32xf32, #tpu.memory_space<hbm>> -> memref<10000x32xf32, #tpu.memory_space<hbm>>
    tpu.enqueue_indirect_dma source(%dma_start3A_90 : memref<10000x32xf32, #tpu.memory_space<hbm>>) target(%arg20 : memref<128x32xf32, #tpu.memory_space<vmem>>) offsets(%dma_start3A_87 : memref<128xi32, #tpu.memory_space<vmem>>) semaphore(%arg38 : memref<!tpu.dma_semaphore, #tpu.memory_space<semaphore_mem>>)
    %dma_start3A_91 = arith.constant 1536 : i32
    %dma_start3A_92 = tpu.memref_slice %arg6[%dma_start3A_91] : memref<10000xi32, #tpu.memory_space<vmem>> -> memref<128xi32, #tpu.memory_space<vmem>>
    %dma_start3A_93 = arith.constant 0 : i32
    %dma_start3A_94 = arith.constant 0 : i32
    %dma_start3A_95 = tpu.memref_slice %arg2[%dma_start3A_93, %dma_start3A_94] : memref<10000x32xf32, #tpu.memory_space<hbm>> -> memref<10000x32xf32, #tpu.memory_space<hbm>>
    tpu.enqueue_indirect_dma source(%dma_start3A_95 : memref<10000x32xf32, #tpu.memory_space<hbm>>) target(%arg21 : memref<128x32xf32, #tpu.memory_space<vmem>>) offsets(%dma_start3A_92 : memref<128xi32, #tpu.memory_space<vmem>>) semaphore(%arg39 : memref<!tpu.dma_semaphore, #tpu.memory_space<semaphore_mem>>)
    %dma_start3A_96 = arith.constant 9984 : i32
    %dma_start3A_97 = tpu.memref_slice %arg6[%dma_start3A_96] : memref<10000xi32, #tpu.memory_space<vmem>> -> memref<16xi32, #tpu.memory_space<vmem>>
    %dma_start3A_98 = arith.constant 0 : i32
    %dma_start3A_99 = arith.constant 0 : i32
    %dma_start3A_100 = tpu.memref_slice %arg2[%dma_start3A_98, %dma_start3A_99] : memref<10000x32xf32, #tpu.memory_space<hbm>> -> memref<10000x32xf32, #tpu.memory_space<hbm>>
    tpu.enqueue_indirect_dma source(%dma_start3A_100 : memref<10000x32xf32, #tpu.memory_space<hbm>>) target(%arg22 : memref<16x32xf32, #tpu.memory_space<vmem>>) offsets(%dma_start3A_97 : memref<16xi32, #tpu.memory_space<vmem>>) semaphore(%arg25 : memref<!tpu.dma_semaphore, #tpu.memory_space<semaphore_mem>>)
    %scan3A_101 = arith.constant 0 : i32
    %scan3A_102 = arith.constant 0 : i32
    %scan3A_103 = arith.constant 78 : i32
    %scan3A_104 = arith.addi %scan3A_102, %scan3A_103 : i32
    %scan3A_105 = arith.constant 1 : i32
    scf.for %scan3A_223 = %scan3A_102 to %scan3A_104 step %scan3A_105  : i32 {
      %mul3A_224 = arith.constant 128 : i32
      %mul3A_225 = arith.muli %scan3A_223, %mul3A_224 : i32
      %add3A_226 = arith.addi %mul3A_2, %mul3A_225 : i32
      %dma_wait3A_227 = arith.constant 1 : i32
      %dma_wait3A_228 = arith.constant 0 : i32
      %dma_wait3A_229 = tpu.memref_slice %arg7[%scan3A_223, %dma_wait3A_228] : memref<78x128xi32, #tpu.memory_space<vmem>> -> memref<1x128xi32, #tpu.memory_space<vmem>>
      %dma_wait3A_230 = tpu.memref_squeeze %dma_wait3A_229 : memref<1x128xi32, #tpu.memory_space<vmem>> -> memref<128xi32, #tpu.memory_space<vmem>>
      %dma_wait3A_231 = tpu.memref_slice %arg3[%dma_wait3A_227, %add3A_226] : memref<2x320000xi32, #tpu.memory_space<hbm>> -> memref<1x128xi32, #tpu.memory_space<hbm>>
      %dma_wait3A_232 = tpu.memref_squeeze %dma_wait3A_231 : memref<1x128xi32, #tpu.memory_space<hbm>> -> memref<128xi32, #tpu.memory_space<hbm>>
      %dma_wait3A_233 = arith.constant 0 : i32
      %dma_wait3A_234 = tpu.memref_slice %arg7[%scan3A_223, %dma_wait3A_233] : memref<78x128xi32, #tpu.memory_space<vmem>> -> memref<1x128xi32, #tpu.memory_space<vmem>>
      %dma_wait3A_235 = tpu.memref_squeeze %dma_wait3A_234 : memref<1x128xi32, #tpu.memory_space<vmem>> -> memref<128xi32, #tpu.memory_space<vmem>>
      %dma_wait3A_236 = tpu.memref_slice %arg3[%dma_wait3A_227, %add3A_226] : memref<2x320000xi32, #tpu.memory_space<hbm>> -> memref<1x128xi32, #tpu.memory_space<hbm>>
      %dma_wait3A_237 = tpu.memref_squeeze %dma_wait3A_236 : memref<1x128xi32, #tpu.memory_space<hbm>> -> memref<128xi32, #tpu.memory_space<hbm>>
      tpu.wait_dma2 semaphore(%arg26 : memref<!tpu.dma_semaphore, #tpu.memory_space<semaphore_mem>>) src(%dma_wait3A_237 : memref<128xi32, #tpu.memory_space<hbm>>) dst(%dma_wait3A_235 : memref<128xi32, #tpu.memory_space<vmem>>)
    }
    %scan3A_106 = arith.constant 78 : i32
    %dma_wait3A_107 = arith.constant 1 : i32
    %dma_wait3A_108 = tpu.memref_slice %arg3[%dma_wait3A_107, %add3A_21] : memref<2x320000xi32, #tpu.memory_space<hbm>> -> memref<1x16xi32, #tpu.memory_space<hbm>>
    %dma_wait3A_109 = tpu.memref_squeeze %dma_wait3A_108 : memref<1x16xi32, #tpu.memory_space<hbm>> -> memref<16xi32, #tpu.memory_space<hbm>>
    %dma_wait3A_110 = tpu.memref_slice %arg3[%dma_wait3A_107, %add3A_21] : memref<2x320000xi32, #tpu.memory_space<hbm>> -> memref<1x16xi32, #tpu.memory_space<hbm>>
    %dma_wait3A_111 = tpu.memref_squeeze %dma_wait3A_110 : memref<1x16xi32, #tpu.memory_space<hbm>> -> memref<16xi32, #tpu.memory_space<hbm>>
    tpu.wait_dma2 semaphore(%arg26 : memref<!tpu.dma_semaphore, #tpu.memory_space<semaphore_mem>>) src(%dma_wait3A_111 : memref<16xi32, #tpu.memory_space<hbm>>) dst(%arg8 : memref<16xi32, #tpu.memory_space<vmem>>)
    %dma_wait3A_112 = arith.constant 0 : i32
    %dma_wait3A_113 = tpu.memref_slice %arg23[%mul3A_6, %dma_wait3A_112] : memref<10112x32xf32, #tpu.memory_space<vmem_shared>> -> memref<632x32xf32, #tpu.memory_space<vmem_shared>>
    %dma_wait3A_114 = arith.constant 0 : i32
    %dma_wait3A_115 = tpu.memref_slice %arg4[%mul3A_4, %dma_wait3A_114] : memref<10112x32xf32, #tpu.memory_space<hbm>> -> memref<632x32xf32, #tpu.memory_space<hbm>>
    tpu.wait_dma2 semaphore(%arg24 : memref<!tpu.dma_semaphore, #tpu.memory_space<semaphore_mem>>) src(%dma_wait3A_115 : memref<632x32xf32, #tpu.memory_space<hbm>>) dst(%dma_wait3A_113 : memref<632x32xf32, #tpu.memory_space<vmem_shared>>)
    %barrier3A = arith.constant 0 : index
    tpu.barrier barrier_id(%barrier3A)
    %scan3A_116 = arith.constant 0 : i32
    %scan3A_117 = arith.constant 0 : i32
    %scan3A_118 = arith.constant 6 : i32
    %scan3A_119 = arith.addi %scan3A_117, %scan3A_118 : i32
    %scan3A_120 = arith.constant 1 : i32
    scf.for %scan3A_223 = %scan3A_117 to %scan3A_119 step %scan3A_120  : i32 {
      %mul3A_224 = arith.constant 13 : i32
      %mul3A_225 = arith.muli %mul3A_224, %scan3A_223 : i32
      %add3A_226 = arith.constant 0 : i32
      %add3A_227 = arith.addi %mul3A_225, %add3A_226 : i32
      %mul3A_228 = arith.constant 128 : i32
      %mul3A_229 = arith.muli %add3A_227, %mul3A_228 : i32
      %dma_wait3A_230 = tpu.memref_slice %arg6[%mul3A_229] : memref<10000xi32, #tpu.memory_space<vmem>> -> memref<128xi32, #tpu.memory_space<vmem>>
      %dma_wait3A_231 = arith.constant 0 : i32
      %dma_wait3A_232 = arith.constant 0 : i32
      %dma_wait3A_233 = tpu.memref_slice %arg2[%dma_wait3A_231, %dma_wait3A_232] : memref<10000x32xf32, #tpu.memory_space<hbm>> -> memref<10000x32xf32, #tpu.memory_space<hbm>>
      tpu.wait_indirect_dma semaphore(%arg27 : memref<!tpu.dma_semaphore, #tpu.memory_space<semaphore_mem>>) src(%dma_wait3A_233 : memref<10000x32xf32, #tpu.memory_space<hbm>>) dst(%arg9 : memref<128x32xf32, #tpu.memory_space<vmem>>)
      %add3A_234 = arith.constant 0 : i32
      %add3A_235 = arith.addi %mul3A_225, %add3A_234 : i32
      %dma_start3A_236 = arith.constant 0 : i32
      %dma_start3A_237 = tpu.memref_slice %arg7[%add3A_235, %dma_start3A_236] : memref<78x128xi32, #tpu.memory_space<vmem>> -> memref<1x128xi32, #tpu.memory_space<vmem>>
      %dma_start3A_238 = tpu.memref_squeeze %dma_start3A_237 : memref<1x128xi32, #tpu.memory_space<vmem>> -> memref<128xi32, #tpu.memory_space<vmem>>
      %dma_start3A_239 = arith.constant 0 : i32
      %dma_start3A_240 = arith.constant 0 : i32
      %dma_start3A_241 = tpu.memref_slice %arg23[%dma_start3A_239, %dma_start3A_240] : memref<10112x32xf32, #tpu.memory_space<vmem_shared>> -> memref<10112x32xf32, #tpu.memory_space<vmem_shared>>
      tpu.enqueue_indirect_dma source(%arg9 : memref<128x32xf32, #tpu.memory_space<vmem>>) target(%dma_start3A_241 : memref<10112x32xf32, #tpu.memory_space<vmem_shared>>) offsets(%dma_start3A_238 : memref<128xi32, #tpu.memory_space<vmem>>) semaphore(%arg40 : memref<!tpu.dma_semaphore, #tpu.memory_space<semaphore_mem>>) {add = true}
      %add3A_242 = arith.constant 1 : i32
      %add3A_243 = arith.addi %mul3A_225, %add3A_242 : i32
      %mul3A_244 = arith.constant 128 : i32
      %mul3A_245 = arith.muli %add3A_243, %mul3A_244 : i32
      %dma_wait3A_246 = tpu.memref_slice %arg6[%mul3A_245] : memref<10000xi32, #tpu.memory_space<vmem>> -> memref<128xi32, #tpu.memory_space<vmem>>
      %dma_wait3A_247 = arith.constant 0 : i32
      %dma_wait3A_248 = arith.constant 0 : i32
      %dma_wait3A_249 = tpu.memref_slice %arg2[%dma_wait3A_247, %dma_wait3A_248] : memref<10000x32xf32, #tpu.memory_space<hbm>> -> memref<10000x32xf32, #tpu.memory_space<hbm>>
      tpu.wait_indirect_dma semaphore(%arg28 : memref<!tpu.dma_semaphore, #tpu.memory_space<semaphore_mem>>) src(%dma_wait3A_249 : memref<10000x32xf32, #tpu.memory_space<hbm>>) dst(%arg10 : memref<128x32xf32, #tpu.memory_space<vmem>>)
      %add3A_250 = arith.constant 1 : i32
      %add3A_251 = arith.addi %mul3A_225, %add3A_250 : i32
      %dma_start3A_252 = arith.constant 0 : i32
      %dma_start3A_253 = tpu.memref_slice %arg7[%add3A_251, %dma_start3A_252] : memref<78x128xi32, #tpu.memory_space<vmem>> -> memref<1x128xi32, #tpu.memory_space<vmem>>
      %dma_start3A_254 = tpu.memref_squeeze %dma_start3A_253 : memref<1x128xi32, #tpu.memory_space<vmem>> -> memref<128xi32, #tpu.memory_space<vmem>>
      %dma_start3A_255 = arith.constant 0 : i32
      %dma_start3A_256 = arith.constant 0 : i32
      %dma_start3A_257 = tpu.memref_slice %arg23[%dma_start3A_255, %dma_start3A_256] : memref<10112x32xf32, #tpu.memory_space<vmem_shared>> -> memref<10112x32xf32, #tpu.memory_space<vmem_shared>>
      tpu.enqueue_indirect_dma source(%arg10 : memref<128x32xf32, #tpu.memory_space<vmem>>) target(%dma_start3A_257 : memref<10112x32xf32, #tpu.memory_space<vmem_shared>>) offsets(%dma_start3A_254 : memref<128xi32, #tpu.memory_space<vmem>>) semaphore(%arg41 : memref<!tpu.dma_semaphore, #tpu.memory_space<semaphore_mem>>) {add = true}
      %add3A_258 = arith.constant 2 : i32
      %add3A_259 = arith.addi %mul3A_225, %add3A_258 : i32
      %mul3A_260 = arith.constant 128 : i32
      %mul3A_261 = arith.muli %add3A_259, %mul3A_260 : i32
      %dma_wait3A_262 = tpu.memref_slice %arg6[%mul3A_261] : memref<10000xi32, #tpu.memory_space<vmem>> -> memref<128xi32, #tpu.memory_space<vmem>>
      %dma_wait3A_263 = arith.constant 0 : i32
      %dma_wait3A_264 = arith.constant 0 : i32
      %dma_wait3A_265 = tpu.memref_slice %arg2[%dma_wait3A_263, %dma_wait3A_264] : memref<10000x32xf32, #tpu.memory_space<hbm>> -> memref<10000x32xf32, #tpu.memory_space<hbm>>
      tpu.wait_indirect_dma semaphore(%arg29 : memref<!tpu.dma_semaphore, #tpu.memory_space<semaphore_mem>>) src(%dma_wait3A_265 : memref<10000x32xf32, #tpu.memory_space<hbm>>) dst(%arg11 : memref<128x32xf32, #tpu.memory_space<vmem>>)
      %add3A_266 = arith.constant 2 : i32
      %add3A_267 = arith.addi %mul3A_225, %add3A_266 : i32
      %dma_start3A_268 = arith.constant 0 : i32
      %dma_start3A_269 = tpu.memref_slice %arg7[%add3A_267, %dma_start3A_268] : memref<78x128xi32, #tpu.memory_space<vmem>> -> memref<1x128xi32, #tpu.memory_space<vmem>>
      %dma_start3A_270 = tpu.memref_squeeze %dma_start3A_269 : memref<1x128xi32, #tpu.memory_space<vmem>> -> memref<128xi32, #tpu.memory_space<vmem>>
      %dma_start3A_271 = arith.constant 0 : i32
      %dma_start3A_272 = arith.constant 0 : i32
      %dma_start3A_273 = tpu.memref_slice %arg23[%dma_start3A_271, %dma_start3A_272] : memref<10112x32xf32, #tpu.memory_space<vmem_shared>> -> memref<10112x32xf32, #tpu.memory_space<vmem_shared>>
      tpu.enqueue_indirect_dma source(%arg11 : memref<128x32xf32, #tpu.memory_space<vmem>>) target(%dma_start3A_273 : memref<10112x32xf32, #tpu.memory_space<vmem_shared>>) offsets(%dma_start3A_270 : memref<128xi32, #tpu.memory_space<vmem>>) semaphore(%arg42 : memref<!tpu.dma_semaphore, #tpu.memory_space<semaphore_mem>>) {add = true}
      %add3A_274 = arith.constant 3 : i32
      %add3A_275 = arith.addi %mul3A_225, %add3A_274 : i32
      %mul3A_276 = arith.constant 128 : i32
      %mul3A_277 = arith.muli %add3A_275, %mul3A_276 : i32
      %dma_wait3A_278 = tpu.memref_slice %arg6[%mul3A_277] : memref<10000xi32, #tpu.memory_space<vmem>> -> memref<128xi32, #tpu.memory_space<vmem>>
      %dma_wait3A_279 = arith.constant 0 : i32
      %dma_wait3A_280 = arith.constant 0 : i32
      %dma_wait3A_281 = tpu.memref_slice %arg2[%dma_wait3A_279, %dma_wait3A_280] : memref<10000x32xf32, #tpu.memory_space<hbm>> -> memref<10000x32xf32, #tpu.memory_space<hbm>>
      tpu.wait_indirect_dma semaphore(%arg30 : memref<!tpu.dma_semaphore, #tpu.memory_space<semaphore_mem>>) src(%dma_wait3A_281 : memref<10000x32xf32, #tpu.memory_space<hbm>>) dst(%arg12 : memref<128x32xf32, #tpu.memory_space<vmem>>)
      %add3A_282 = arith.constant 3 : i32
      %add3A_283 = arith.addi %mul3A_225, %add3A_282 : i32
      %dma_start3A_284 = arith.constant 0 : i32
      %dma_start3A_285 = tpu.memref_slice %arg7[%add3A_283, %dma_start3A_284] : memref<78x128xi32, #tpu.memory_space<vmem>> -> memref<1x128xi32, #tpu.memory_space<vmem>>
      %dma_start3A_286 = tpu.memref_squeeze %dma_start3A_285 : memref<1x128xi32, #tpu.memory_space<vmem>> -> memref<128xi32, #tpu.memory_space<vmem>>
      %dma_start3A_287 = arith.constant 0 : i32
      %dma_start3A_288 = arith.constant 0 : i32
      %dma_start3A_289 = tpu.memref_slice %arg23[%dma_start3A_287, %dma_start3A_288] : memref<10112x32xf32, #tpu.memory_space<vmem_shared>> -> memref<10112x32xf32, #tpu.memory_space<vmem_shared>>
      tpu.enqueue_indirect_dma source(%arg12 : memref<128x32xf32, #tpu.memory_space<vmem>>) target(%dma_start3A_289 : memref<10112x32xf32, #tpu.memory_space<vmem_shared>>) offsets(%dma_start3A_286 : memref<128xi32, #tpu.memory_space<vmem>>) semaphore(%arg43 : memref<!tpu.dma_semaphore, #tpu.memory_space<semaphore_mem>>) {add = true}
      %add3A_290 = arith.constant 4 : i32
      %add3A_291 = arith.addi %mul3A_225, %add3A_290 : i32
      %mul3A_292 = arith.constant 128 : i32
      %mul3A_293 = arith.muli %add3A_291, %mul3A_292 : i32
      %dma_wait3A_294 = tpu.memref_slice %arg6[%mul3A_293] : memref<10000xi32, #tpu.memory_space<vmem>> -> memref<128xi32, #tpu.memory_space<vmem>>
      %dma_wait3A_295 = arith.constant 0 : i32
      %dma_wait3A_296 = arith.constant 0 : i32
      %dma_wait3A_297 = tpu.memref_slice %arg2[%dma_wait3A_295, %dma_wait3A_296] : memref<10000x32xf32, #tpu.memory_space<hbm>> -> memref<10000x32xf32, #tpu.memory_space<hbm>>
      tpu.wait_indirect_dma semaphore(%arg31 : memref<!tpu.dma_semaphore, #tpu.memory_space<semaphore_mem>>) src(%dma_wait3A_297 : memref<10000x32xf32, #tpu.memory_space<hbm>>) dst(%arg13 : memref<128x32xf32, #tpu.memory_space<vmem>>)
      %add3A_298 = arith.constant 4 : i32
      %add3A_299 = arith.addi %mul3A_225, %add3A_298 : i32
      %dma_start3A_300 = arith.constant 0 : i32
      %dma_start3A_301 = tpu.memref_slice %arg7[%add3A_299, %dma_start3A_300] : memref<78x128xi32, #tpu.memory_space<vmem>> -> memref<1x128xi32, #tpu.memory_space<vmem>>
      %dma_start3A_302 = tpu.memref_squeeze %dma_start3A_301 : memref<1x128xi32, #tpu.memory_space<vmem>> -> memref<128xi32, #tpu.memory_space<vmem>>
      %dma_start3A_303 = arith.constant 0 : i32
      %dma_start3A_304 = arith.constant 0 : i32
      %dma_start3A_305 = tpu.memref_slice %arg23[%dma_start3A_303, %dma_start3A_304] : memref<10112x32xf32, #tpu.memory_space<vmem_shared>> -> memref<10112x32xf32, #tpu.memory_space<vmem_shared>>
      tpu.enqueue_indirect_dma source(%arg13 : memref<128x32xf32, #tpu.memory_space<vmem>>) target(%dma_start3A_305 : memref<10112x32xf32, #tpu.memory_space<vmem_shared>>) offsets(%dma_start3A_302 : memref<128xi32, #tpu.memory_space<vmem>>) semaphore(%arg44 : memref<!tpu.dma_semaphore, #tpu.memory_space<semaphore_mem>>) {add = true}
      %add3A_306 = arith.constant 5 : i32
      %add3A_307 = arith.addi %mul3A_225, %add3A_306 : i32
      %mul3A_308 = arith.constant 128 : i32
      %mul3A_309 = arith.muli %add3A_307, %mul3A_308 : i32
      %dma_wait3A_310 = tpu.memref_slice %arg6[%mul3A_309] : memref<10000xi32, #tpu.memory_space<vmem>> -> memref<128xi32, #tpu.memory_space<vmem>>
      %dma_wait3A_311 = arith.constant 0 : i32
      %dma_wait3A_312 = arith.constant 0 : i32
      %dma_wait3A_313 = tpu.memref_slice %arg2[%dma_wait3A_311, %dma_wait3A_312] : memref<10000x32xf32, #tpu.memory_space<hbm>> -> memref<10000x32xf32, #tpu.memory_space<hbm>>
      tpu.wait_indirect_dma semaphore(%arg32 : memref<!tpu.dma_semaphore, #tpu.memory_space<semaphore_mem>>) src(%dma_wait3A_313 : memref<10000x32xf32, #tpu.memory_space<hbm>>) dst(%arg14 : memref<128x32xf32, #tpu.memory_space<vmem>>)
      %add3A_314 = arith.constant 5 : i32
      %add3A_315 = arith.addi %mul3A_225, %add3A_314 : i32
      %dma_start3A_316 = arith.constant 0 : i32
      %dma_start3A_317 = tpu.memref_slice %arg7[%add3A_315, %dma_start3A_316] : memref<78x128xi32, #tpu.memory_space<vmem>> -> memref<1x128xi32, #tpu.memory_space<vmem>>
      %dma_start3A_318 = tpu.memref_squeeze %dma_start3A_317 : memref<1x128xi32, #tpu.memory_space<vmem>> -> memref<128xi32, #tpu.memory_space<vmem>>
      %dma_start3A_319 = arith.constant 0 : i32
      %dma_start3A_320 = arith.constant 0 : i32
      %dma_start3A_321 = tpu.memref_slice %arg23[%dma_start3A_319, %dma_start3A_320] : memref<10112x32xf32, #tpu.memory_space<vmem_shared>> -> memref<10112x32xf32, #tpu.memory_space<vmem_shared>>
      tpu.enqueue_indirect_dma source(%arg14 : memref<128x32xf32, #tpu.memory_space<vmem>>) target(%dma_start3A_321 : memref<10112x32xf32, #tpu.memory_space<vmem_shared>>) offsets(%dma_start3A_318 : memref<128xi32, #tpu.memory_space<vmem>>) semaphore(%arg45 : memref<!tpu.dma_semaphore, #tpu.memory_space<semaphore_mem>>) {add = true}
      %add3A_322 = arith.constant 6 : i32
      %add3A_323 = arith.addi %mul3A_225, %add3A_322 : i32
      %mul3A_324 = arith.constant 128 : i32
      %mul3A_325 = arith.muli %add3A_323, %mul3A_324 : i32
      %dma_wait3A_326 = tpu.memref_slice %arg6[%mul3A_325] : memref<10000xi32, #tpu.memory_space<vmem>> -> memref<128xi32, #tpu.memory_space<vmem>>
      %dma_wait3A_327 = arith.constant 0 : i32
      %dma_wait3A_328 = arith.constant 0 : i32
      %dma_wait3A_329 = tpu.memref_slice %arg2[%dma_wait3A_327, %dma_wait3A_328] : memref<10000x32xf32, #tpu.memory_space<hbm>> -> memref<10000x32xf32, #tpu.memory_space<hbm>>
      tpu.wait_indirect_dma semaphore(%arg33 : memref<!tpu.dma_semaphore, #tpu.memory_space<semaphore_mem>>) src(%dma_wait3A_329 : memref<10000x32xf32, #tpu.memory_space<hbm>>) dst(%arg15 : memref<128x32xf32, #tpu.memory_space<vmem>>)
      %add3A_330 = arith.constant 6 : i32
      %add3A_331 = arith.addi %mul3A_225, %add3A_330 : i32
      %dma_start3A_332 = arith.constant 0 : i32
      %dma_start3A_333 = tpu.memref_slice %arg7[%add3A_331, %dma_start3A_332] : memref<78x128xi32, #tpu.memory_space<vmem>> -> memref<1x128xi32, #tpu.memory_space<vmem>>
      %dma_start3A_334 = tpu.memref_squeeze %dma_start3A_333 : memref<1x128xi32, #tpu.memory_space<vmem>> -> memref<128xi32, #tpu.memory_space<vmem>>
      %dma_start3A_335 = arith.constant 0 : i32
      %dma_start3A_336 = arith.constant 0 : i32
      %dma_start3A_337 = tpu.memref_slice %arg23[%dma_start3A_335, %dma_start3A_336] : memref<10112x32xf32, #tpu.memory_space<vmem_shared>> -> memref<10112x32xf32, #tpu.memory_space<vmem_shared>>
      tpu.enqueue_indirect_dma source(%arg15 : memref<128x32xf32, #tpu.memory_space<vmem>>) target(%dma_start3A_337 : memref<10112x32xf32, #tpu.memory_space<vmem_shared>>) offsets(%dma_start3A_334 : memref<128xi32, #tpu.memory_space<vmem>>) semaphore(%arg46 : memref<!tpu.dma_semaphore, #tpu.memory_space<semaphore_mem>>) {add = true}
      %add3A_338 = arith.constant 7 : i32
      %add3A_339 = arith.addi %mul3A_225, %add3A_338 : i32
      %mul3A_340 = arith.constant 128 : i32
      %mul3A_341 = arith.muli %add3A_339, %mul3A_340 : i32
      %dma_wait3A_342 = tpu.memref_slice %arg6[%mul3A_341] : memref<10000xi32, #tpu.memory_space<vmem>> -> memref<128xi32, #tpu.memory_space<vmem>>
      %dma_wait3A_343 = arith.constant 0 : i32
      %dma_wait3A_344 = arith.constant 0 : i32
      %dma_wait3A_345 = tpu.memref_slice %arg2[%dma_wait3A_343, %dma_wait3A_344] : memref<10000x32xf32, #tpu.memory_space<hbm>> -> memref<10000x32xf32, #tpu.memory_space<hbm>>
      tpu.wait_indirect_dma semaphore(%arg34 : memref<!tpu.dma_semaphore, #tpu.memory_space<semaphore_mem>>) src(%dma_wait3A_345 : memref<10000x32xf32, #tpu.memory_space<hbm>>) dst(%arg16 : memref<128x32xf32, #tpu.memory_space<vmem>>)
      %add3A_346 = arith.constant 7 : i32
      %add3A_347 = arith.addi %mul3A_225, %add3A_346 : i32
      %dma_start3A_348 = arith.constant 0 : i32
      %dma_start3A_349 = tpu.memref_slice %arg7[%add3A_347, %dma_start3A_348] : memref<78x128xi32, #tpu.memory_space<vmem>> -> memref<1x128xi32, #tpu.memory_space<vmem>>
      %dma_start3A_350 = tpu.memref_squeeze %dma_start3A_349 : memref<1x128xi32, #tpu.memory_space<vmem>> -> memref<128xi32, #tpu.memory_space<vmem>>
      %dma_start3A_351 = arith.constant 0 : i32
      %dma_start3A_352 = arith.constant 0 : i32
      %dma_start3A_353 = tpu.memref_slice %arg23[%dma_start3A_351, %dma_start3A_352] : memref<10112x32xf32, #tpu.memory_space<vmem_shared>> -> memref<10112x32xf32, #tpu.memory_space<vmem_shared>>
      tpu.enqueue_indirect_dma source(%arg16 : memref<128x32xf32, #tpu.memory_space<vmem>>) target(%dma_start3A_353 : memref<10112x32xf32, #tpu.memory_space<vmem_shared>>) offsets(%dma_start3A_350 : memref<128xi32, #tpu.memory_space<vmem>>) semaphore(%arg47 : memref<!tpu.dma_semaphore, #tpu.memory_space<semaphore_mem>>) {add = true}
      %add3A_354 = arith.constant 8 : i32
      %add3A_355 = arith.addi %mul3A_225, %add3A_354 : i32
      %mul3A_356 = arith.constant 128 : i32
      %mul3A_357 = arith.muli %add3A_355, %mul3A_356 : i32
      %dma_wait3A_358 = tpu.memref_slice %arg6[%mul3A_357] : memref<10000xi32, #tpu.memory_space<vmem>> -> memref<128xi32, #tpu.memory_space<vmem>>
      %dma_wait3A_359 = arith.constant 0 : i32
      %dma_wait3A_360 = arith.constant 0 : i32
      %dma_wait3A_361 = tpu.memref_slice %arg2[%dma_wait3A_359, %dma_wait3A_360] : memref<10000x32xf32, #tpu.memory_space<hbm>> -> memref<10000x32xf32, #tpu.memory_space<hbm>>
      tpu.wait_indirect_dma semaphore(%arg35 : memref<!tpu.dma_semaphore, #tpu.memory_space<semaphore_mem>>) src(%dma_wait3A_361 : memref<10000x32xf32, #tpu.memory_space<hbm>>) dst(%arg17 : memref<128x32xf32, #tpu.memory_space<vmem>>)
      %add3A_362 = arith.constant 8 : i32
      %add3A_363 = arith.addi %mul3A_225, %add3A_362 : i32
      %dma_start3A_364 = arith.constant 0 : i32
      %dma_start3A_365 = tpu.memref_slice %arg7[%add3A_363, %dma_start3A_364] : memref<78x128xi32, #tpu.memory_space<vmem>> -> memref<1x128xi32, #tpu.memory_space<vmem>>
      %dma_start3A_366 = tpu.memref_squeeze %dma_start3A_365 : memref<1x128xi32, #tpu.memory_space<vmem>> -> memref<128xi32, #tpu.memory_space<vmem>>
      %dma_start3A_367 = arith.constant 0 : i32
      %dma_start3A_368 = arith.constant 0 : i32
      %dma_start3A_369 = tpu.memref_slice %arg23[%dma_start3A_367, %dma_start3A_368] : memref<10112x32xf32, #tpu.memory_space<vmem_shared>> -> memref<10112x32xf32, #tpu.memory_space<vmem_shared>>
      tpu.enqueue_indirect_dma source(%arg17 : memref<128x32xf32, #tpu.memory_space<vmem>>) target(%dma_start3A_369 : memref<10112x32xf32, #tpu.memory_space<vmem_shared>>) offsets(%dma_start3A_366 : memref<128xi32, #tpu.memory_space<vmem>>) semaphore(%arg48 : memref<!tpu.dma_semaphore, #tpu.memory_space<semaphore_mem>>) {add = true}
      %add3A_370 = arith.constant 9 : i32
      %add3A_371 = arith.addi %mul3A_225, %add3A_370 : i32
      %mul3A_372 = arith.constant 128 : i32
      %mul3A_373 = arith.muli %add3A_371, %mul3A_372 : i32
      %dma_wait3A_374 = tpu.memref_slice %arg6[%mul3A_373] : memref<10000xi32, #tpu.memory_space<vmem>> -> memref<128xi32, #tpu.memory_space<vmem>>
      %dma_wait3A_375 = arith.constant 0 : i32
      %dma_wait3A_376 = arith.constant 0 : i32
      %dma_wait3A_377 = tpu.memref_slice %arg2[%dma_wait3A_375, %dma_wait3A_376] : memref<10000x32xf32, #tpu.memory_space<hbm>> -> memref<10000x32xf32, #tpu.memory_space<hbm>>
      tpu.wait_indirect_dma semaphore(%arg36 : memref<!tpu.dma_semaphore, #tpu.memory_space<semaphore_mem>>) src(%dma_wait3A_377 : memref<10000x32xf32, #tpu.memory_space<hbm>>) dst(%arg18 : memref<128x32xf32, #tpu.memory_space<vmem>>)
      %add3A_378 = arith.constant 9 : i32
      %add3A_379 = arith.addi %mul3A_225, %add3A_378 : i32
      %dma_start3A_380 = arith.constant 0 : i32
      %dma_start3A_381 = tpu.memref_slice %arg7[%add3A_379, %dma_start3A_380] : memref<78x128xi32, #tpu.memory_space<vmem>> -> memref<1x128xi32, #tpu.memory_space<vmem>>
      %dma_start3A_382 = tpu.memref_squeeze %dma_start3A_381 : memref<1x128xi32, #tpu.memory_space<vmem>> -> memref<128xi32, #tpu.memory_space<vmem>>
      %dma_start3A_383 = arith.constant 0 : i32
      %dma_start3A_384 = arith.constant 0 : i32
      %dma_start3A_385 = tpu.memref_slice %arg23[%dma_start3A_383, %dma_start3A_384] : memref<10112x32xf32, #tpu.memory_space<vmem_shared>> -> memref<10112x32xf32, #tpu.memory_space<vmem_shared>>
      tpu.enqueue_indirect_dma source(%arg18 : memref<128x32xf32, #tpu.memory_space<vmem>>) target(%dma_start3A_385 : memref<10112x32xf32, #tpu.memory_space<vmem_shared>>) offsets(%dma_start3A_382 : memref<128xi32, #tpu.memory_space<vmem>>) semaphore(%arg49 : memref<!tpu.dma_semaphore, #tpu.memory_space<semaphore_mem>>) {add = true}
      %add3A_386 = arith.constant 10 : i32
      %add3A_387 = arith.addi %mul3A_225, %add3A_386 : i32
      %mul3A_388 = arith.constant 128 : i32
      %mul3A_389 = arith.muli %add3A_387, %mul3A_388 : i32
      %dma_wait3A_390 = tpu.memref_slice %arg6[%mul3A_389] : memref<10000xi32, #tpu.memory_space<vmem>> -> memref<128xi32, #tpu.memory_space<vmem>>
      %dma_wait3A_391 = arith.constant 0 : i32
      %dma_wait3A_392 = arith.constant 0 : i32
      %dma_wait3A_393 = tpu.memref_slice %arg2[%dma_wait3A_391, %dma_wait3A_392] : memref<10000x32xf32, #tpu.memory_space<hbm>> -> memref<10000x32xf32, #tpu.memory_space<hbm>>
      tpu.wait_indirect_dma semaphore(%arg37 : memref<!tpu.dma_semaphore, #tpu.memory_space<semaphore_mem>>) src(%dma_wait3A_393 : memref<10000x32xf32, #tpu.memory_space<hbm>>) dst(%arg19 : memref<128x32xf32, #tpu.memory_space<vmem>>)
      %add3A_394 = arith.constant 10 : i32
      %add3A_395 = arith.addi %mul3A_225, %add3A_394 : i32
      %dma_start3A_396 = arith.constant 0 : i32
      %dma_start3A_397 = tpu.memref_slice %arg7[%add3A_395, %dma_start3A_396] : memref<78x128xi32, #tpu.memory_space<vmem>> -> memref<1x128xi32, #tpu.memory_space<vmem>>
      %dma_start3A_398 = tpu.memref_squeeze %dma_start3A_397 : memref<1x128xi32, #tpu.memory_space<vmem>> -> memref<128xi32, #tpu.memory_space<vmem>>
      %dma_start3A_399 = arith.constant 0 : i32
      %dma_start3A_400 = arith.constant 0 : i32
      %dma_start3A_401 = tpu.memref_slice %arg23[%dma_start3A_399, %dma_start3A_400] : memref<10112x32xf32, #tpu.memory_space<vmem_shared>> -> memref<10112x32xf32, #tpu.memory_space<vmem_shared>>
      tpu.enqueue_indirect_dma source(%arg19 : memref<128x32xf32, #tpu.memory_space<vmem>>) target(%dma_start3A_401 : memref<10112x32xf32, #tpu.memory_space<vmem_shared>>) offsets(%dma_start3A_398 : memref<128xi32, #tpu.memory_space<vmem>>) semaphore(%arg50 : memref<!tpu.dma_semaphore, #tpu.memory_space<semaphore_mem>>) {add = true}
      %add3A_402 = arith.constant 11 : i32
      %add3A_403 = arith.addi %mul3A_225, %add3A_402 : i32
      %mul3A_404 = arith.constant 128 : i32
      %mul3A_405 = arith.muli %add3A_403, %mul3A_404 : i32
      %dma_wait3A_406 = tpu.memref_slice %arg6[%mul3A_405] : memref<10000xi32, #tpu.memory_space<vmem>> -> memref<128xi32, #tpu.memory_space<vmem>>
      %dma_wait3A_407 = arith.constant 0 : i32
      %dma_wait3A_408 = arith.constant 0 : i32
      %dma_wait3A_409 = tpu.memref_slice %arg2[%dma_wait3A_407, %dma_wait3A_408] : memref<10000x32xf32, #tpu.memory_space<hbm>> -> memref<10000x32xf32, #tpu.memory_space<hbm>>
      tpu.wait_indirect_dma semaphore(%arg38 : memref<!tpu.dma_semaphore, #tpu.memory_space<semaphore_mem>>) src(%dma_wait3A_409 : memref<10000x32xf32, #tpu.memory_space<hbm>>) dst(%arg20 : memref<128x32xf32, #tpu.memory_space<vmem>>)
      %add3A_410 = arith.constant 11 : i32
      %add3A_411 = arith.addi %mul3A_225, %add3A_410 : i32
      %dma_start3A_412 = arith.constant 0 : i32
      %dma_start3A_413 = tpu.memref_slice %arg7[%add3A_411, %dma_start3A_412] : memref<78x128xi32, #tpu.memory_space<vmem>> -> memref<1x128xi32, #tpu.memory_space<vmem>>
      %dma_start3A_414 = tpu.memref_squeeze %dma_start3A_413 : memref<1x128xi32, #tpu.memory_space<vmem>> -> memref<128xi32, #tpu.memory_space<vmem>>
      %dma_start3A_415 = arith.constant 0 : i32
      %dma_start3A_416 = arith.constant 0 : i32
      %dma_start3A_417 = tpu.memref_slice %arg23[%dma_start3A_415, %dma_start3A_416] : memref<10112x32xf32, #tpu.memory_space<vmem_shared>> -> memref<10112x32xf32, #tpu.memory_space<vmem_shared>>
      tpu.enqueue_indirect_dma source(%arg20 : memref<128x32xf32, #tpu.memory_space<vmem>>) target(%dma_start3A_417 : memref<10112x32xf32, #tpu.memory_space<vmem_shared>>) offsets(%dma_start3A_414 : memref<128xi32, #tpu.memory_space<vmem>>) semaphore(%arg51 : memref<!tpu.dma_semaphore, #tpu.memory_space<semaphore_mem>>) {add = true}
      %add3A_418 = arith.constant 12 : i32
      %add3A_419 = arith.addi %mul3A_225, %add3A_418 : i32
      %mul3A_420 = arith.constant 128 : i32
      %mul3A_421 = arith.muli %add3A_419, %mul3A_420 : i32
      %dma_wait3A_422 = tpu.memref_slice %arg6[%mul3A_421] : memref<10000xi32, #tpu.memory_space<vmem>> -> memref<128xi32, #tpu.memory_space<vmem>>
      %dma_wait3A_423 = arith.constant 0 : i32
      %dma_wait3A_424 = arith.constant 0 : i32
      %dma_wait3A_425 = tpu.memref_slice %arg2[%dma_wait3A_423, %dma_wait3A_424] : memref<10000x32xf32, #tpu.memory_space<hbm>> -> memref<10000x32xf32, #tpu.memory_space<hbm>>
      tpu.wait_indirect_dma semaphore(%arg39 : memref<!tpu.dma_semaphore, #tpu.memory_space<semaphore_mem>>) src(%dma_wait3A_425 : memref<10000x32xf32, #tpu.memory_space<hbm>>) dst(%arg21 : memref<128x32xf32, #tpu.memory_space<vmem>>)
      %add3A_426 = arith.constant 12 : i32
      %add3A_427 = arith.addi %mul3A_225, %add3A_426 : i32
      %dma_start3A_428 = arith.constant 0 : i32
      %dma_start3A_429 = tpu.memref_slice %arg7[%add3A_427, %dma_start3A_428] : memref<78x128xi32, #tpu.memory_space<vmem>> -> memref<1x128xi32, #tpu.memory_space<vmem>>
      %dma_start3A_430 = tpu.memref_squeeze %dma_start3A_429 : memref<1x128xi32, #tpu.memory_space<vmem>> -> memref<128xi32, #tpu.memory_space<vmem>>
      %dma_start3A_431 = arith.constant 0 : i32
      %dma_start3A_432 = arith.constant 0 : i32
      %dma_start3A_433 = tpu.memref_slice %arg23[%dma_start3A_431, %dma_start3A_432] : memref<10112x32xf32, #tpu.memory_space<vmem_shared>> -> memref<10112x32xf32, #tpu.memory_space<vmem_shared>>
      tpu.enqueue_indirect_dma source(%arg21 : memref<128x32xf32, #tpu.memory_space<vmem>>) target(%dma_start3A_433 : memref<10112x32xf32, #tpu.memory_space<vmem_shared>>) offsets(%dma_start3A_430 : memref<128xi32, #tpu.memory_space<vmem>>) semaphore(%arg52 : memref<!tpu.dma_semaphore, #tpu.memory_space<semaphore_mem>>) {add = true}
      %lt3A = arith.constant 5 : i32
      %lt3A_434 = arith.cmpi slt, %scan3A_223, %lt3A : i32
      %convert_element_type3A = arith.extui %lt3A_434 : i1 to i32
      %cond3A = arith.constant 0 : i32
      %cond3A_435 = arith.cmpi ne, %convert_element_type3A, %cond3A : i32
      scf.if %cond3A_435 {
        %add3A_436 = arith.constant 0 : i32
        %add3A_437 = arith.addi %mul3A_225, %add3A_436 : i32
        %dma_wait3A_438 = arith.constant 0 : i32
        %dma_wait3A_439 = tpu.memref_slice %arg7[%add3A_437, %dma_wait3A_438] : memref<78x128xi32, #tpu.memory_space<vmem>> -> memref<1x128xi32, #tpu.memory_space<vmem>>
        %dma_wait3A_440 = tpu.memref_squeeze %dma_wait3A_439 : memref<1x128xi32, #tpu.memory_space<vmem>> -> memref<128xi32, #tpu.memory_space<vmem>>
        %dma_wait3A_441 = arith.constant 0 : i32
        %dma_wait3A_442 = arith.constant 0 : i32
        %dma_wait3A_443 = tpu.memref_slice %arg23[%dma_wait3A_441, %dma_wait3A_442] : memref<10112x32xf32, #tpu.memory_space<vmem_shared>> -> memref<10112x32xf32, #tpu.memory_space<vmem_shared>>
        tpu.wait_indirect_dma semaphore(%arg40 : memref<!tpu.dma_semaphore, #tpu.memory_space<semaphore_mem>>) src(%arg9 : memref<128x32xf32, #tpu.memory_space<vmem>>) dst(%dma_wait3A_443 : memref<10112x32xf32, #tpu.memory_space<vmem_shared>>)
        %add3A_444 = arith.constant 0 : i32
        %add3A_445 = arith.addi %mul3A_225, %add3A_444 : i32
        %add3A_446 = arith.constant 13 : i32
        %add3A_447 = arith.addi %add3A_445, %add3A_446 : i32
        %mul3A_448 = arith.constant 128 : i32
        %mul3A_449 = arith.muli %add3A_447, %mul3A_448 : i32
        %dma_start3A_450 = tpu.memref_slice %arg6[%mul3A_449] : memref<10000xi32, #tpu.memory_space<vmem>> -> memref<128xi32, #tpu.memory_space<vmem>>
        %dma_start3A_451 = arith.constant 0 : i32
        %dma_start3A_452 = arith.constant 0 : i32
        %dma_start3A_453 = tpu.memref_slice %arg2[%dma_start3A_451, %dma_start3A_452] : memref<10000x32xf32, #tpu.memory_space<hbm>> -> memref<10000x32xf32, #tpu.memory_space<hbm>>
        tpu.enqueue_indirect_dma source(%dma_start3A_453 : memref<10000x32xf32, #tpu.memory_space<hbm>>) target(%arg9 : memref<128x32xf32, #tpu.memory_space<vmem>>) offsets(%dma_start3A_450 : memref<128xi32, #tpu.memory_space<vmem>>) semaphore(%arg27 : memref<!tpu.dma_semaphore, #tpu.memory_space<semaphore_mem>>)
        %add3A_454 = arith.constant 1 : i32
        %add3A_455 = arith.addi %mul3A_225, %add3A_454 : i32
        %dma_wait3A_456 = arith.constant 0 : i32
        %dma_wait3A_457 = tpu.memref_slice %arg7[%add3A_455, %dma_wait3A_456] : memref<78x128xi32, #tpu.memory_space<vmem>> -> memref<1x128xi32, #tpu.memory_space<vmem>>
        %dma_wait3A_458 = tpu.memref_squeeze %dma_wait3A_457 : memref<1x128xi32, #tpu.memory_space<vmem>> -> memref<128xi32, #tpu.memory_space<vmem>>
        %dma_wait3A_459 = arith.constant 0 : i32
        %dma_wait3A_460 = arith.constant 0 : i32
        %dma_wait3A_461 = tpu.memref_slice %arg23[%dma_wait3A_459, %dma_wait3A_460] : memref<10112x32xf32, #tpu.memory_space<vmem_shared>> -> memref<10112x32xf32, #tpu.memory_space<vmem_shared>>
        tpu.wait_indirect_dma semaphore(%arg41 : memref<!tpu.dma_semaphore, #tpu.memory_space<semaphore_mem>>) src(%arg10 : memref<128x32xf32, #tpu.memory_space<vmem>>) dst(%dma_wait3A_461 : memref<10112x32xf32, #tpu.memory_space<vmem_shared>>)
        %add3A_462 = arith.constant 1 : i32
        %add3A_463 = arith.addi %mul3A_225, %add3A_462 : i32
        %add3A_464 = arith.constant 13 : i32
        %add3A_465 = arith.addi %add3A_463, %add3A_464 : i32
        %mul3A_466 = arith.constant 128 : i32
        %mul3A_467 = arith.muli %add3A_465, %mul3A_466 : i32
        %dma_start3A_468 = tpu.memref_slice %arg6[%mul3A_467] : memref<10000xi32, #tpu.memory_space<vmem>> -> memref<128xi32, #tpu.memory_space<vmem>>
        %dma_start3A_469 = arith.constant 0 : i32
        %dma_start3A_470 = arith.constant 0 : i32
        %dma_start3A_471 = tpu.memref_slice %arg2[%dma_start3A_469, %dma_start3A_470] : memref<10000x32xf32, #tpu.memory_space<hbm>> -> memref<10000x32xf32, #tpu.memory_space<hbm>>
        tpu.enqueue_indirect_dma source(%dma_start3A_471 : memref<10000x32xf32, #tpu.memory_space<hbm>>) target(%arg10 : memref<128x32xf32, #tpu.memory_space<vmem>>) offsets(%dma_start3A_468 : memref<128xi32, #tpu.memory_space<vmem>>) semaphore(%arg28 : memref<!tpu.dma_semaphore, #tpu.memory_space<semaphore_mem>>)
        %add3A_472 = arith.constant 2 : i32
        %add3A_473 = arith.addi %mul3A_225, %add3A_472 : i32
        %dma_wait3A_474 = arith.constant 0 : i32
        %dma_wait3A_475 = tpu.memref_slice %arg7[%add3A_473, %dma_wait3A_474] : memref<78x128xi32, #tpu.memory_space<vmem>> -> memref<1x128xi32, #tpu.memory_space<vmem>>
        %dma_wait3A_476 = tpu.memref_squeeze %dma_wait3A_475 : memref<1x128xi32, #tpu.memory_space<vmem>> -> memref<128xi32, #tpu.memory_space<vmem>>
        %dma_wait3A_477 = arith.constant 0 : i32
        %dma_wait3A_478 = arith.constant 0 : i32
        %dma_wait3A_479 = tpu.memref_slice %arg23[%dma_wait3A_477, %dma_wait3A_478] : memref<10112x32xf32, #tpu.memory_space<vmem_shared>> -> memref<10112x32xf32, #tpu.memory_space<vmem_shared>>
        tpu.wait_indirect_dma semaphore(%arg42 : memref<!tpu.dma_semaphore, #tpu.memory_space<semaphore_mem>>) src(%arg11 : memref<128x32xf32, #tpu.memory_space<vmem>>) dst(%dma_wait3A_479 : memref<10112x32xf32, #tpu.memory_space<vmem_shared>>)
        %add3A_480 = arith.constant 2 : i32
        %add3A_481 = arith.addi %mul3A_225, %add3A_480 : i32
        %add3A_482 = arith.constant 13 : i32
        %add3A_483 = arith.addi %add3A_481, %add3A_482 : i32
        %mul3A_484 = arith.constant 128 : i32
        %mul3A_485 = arith.muli %add3A_483, %mul3A_484 : i32
        %dma_start3A_486 = tpu.memref_slice %arg6[%mul3A_485] : memref<10000xi32, #tpu.memory_space<vmem>> -> memref<128xi32, #tpu.memory_space<vmem>>
        %dma_start3A_487 = arith.constant 0 : i32
        %dma_start3A_488 = arith.constant 0 : i32
        %dma_start3A_489 = tpu.memref_slice %arg2[%dma_start3A_487, %dma_start3A_488] : memref<10000x32xf32, #tpu.memory_space<hbm>> -> memref<10000x32xf32, #tpu.memory_space<hbm>>
        tpu.enqueue_indirect_dma source(%dma_start3A_489 : memref<10000x32xf32, #tpu.memory_space<hbm>>) target(%arg11 : memref<128x32xf32, #tpu.memory_space<vmem>>) offsets(%dma_start3A_486 : memref<128xi32, #tpu.memory_space<vmem>>) semaphore(%arg29 : memref<!tpu.dma_semaphore, #tpu.memory_space<semaphore_mem>>)
        %add3A_490 = arith.constant 3 : i32
        %add3A_491 = arith.addi %mul3A_225, %add3A_490 : i32
        %dma_wait3A_492 = arith.constant 0 : i32
        %dma_wait3A_493 = tpu.memref_slice %arg7[%add3A_491, %dma_wait3A_492] : memref<78x128xi32, #tpu.memory_space<vmem>> -> memref<1x128xi32, #tpu.memory_space<vmem>>
        %dma_wait3A_494 = tpu.memref_squeeze %dma_wait3A_493 : memref<1x128xi32, #tpu.memory_space<vmem>> -> memref<128xi32, #tpu.memory_space<vmem>>
        %dma_wait3A_495 = arith.constant 0 : i32
        %dma_wait3A_496 = arith.constant 0 : i32
        %dma_wait3A_497 = tpu.memref_slice %arg23[%dma_wait3A_495, %dma_wait3A_496] : memref<10112x32xf32, #tpu.memory_space<vmem_shared>> -> memref<10112x32xf32, #tpu.memory_space<vmem_shared>>
        tpu.wait_indirect_dma semaphore(%arg43 : memref<!tpu.dma_semaphore, #tpu.memory_space<semaphore_mem>>) src(%arg12 : memref<128x32xf32, #tpu.memory_space<vmem>>) dst(%dma_wait3A_497 : memref<10112x32xf32, #tpu.memory_space<vmem_shared>>)
        %add3A_498 = arith.constant 3 : i32
        %add3A_499 = arith.addi %mul3A_225, %add3A_498 : i32
        %add3A_500 = arith.constant 13 : i32
        %add3A_501 = arith.addi %add3A_499, %add3A_500 : i32
        %mul3A_502 = arith.constant 128 : i32
        %mul3A_503 = arith.muli %add3A_501, %mul3A_502 : i32
        %dma_start3A_504 = tpu.memref_slice %arg6[%mul3A_503] : memref<10000xi32, #tpu.memory_space<vmem>> -> memref<128xi32, #tpu.memory_space<vmem>>
        %dma_start3A_505 = arith.constant 0 : i32
        %dma_start3A_506 = arith.constant 0 : i32
        %dma_start3A_507 = tpu.memref_slice %arg2[%dma_start3A_505, %dma_start3A_506] : memref<10000x32xf32, #tpu.memory_space<hbm>> -> memref<10000x32xf32, #tpu.memory_space<hbm>>
        tpu.enqueue_indirect_dma source(%dma_start3A_507 : memref<10000x32xf32, #tpu.memory_space<hbm>>) target(%arg12 : memref<128x32xf32, #tpu.memory_space<vmem>>) offsets(%dma_start3A_504 : memref<128xi32, #tpu.memory_space<vmem>>) semaphore(%arg30 : memref<!tpu.dma_semaphore, #tpu.memory_space<semaphore_mem>>)
        %add3A_508 = arith.constant 4 : i32
        %add3A_509 = arith.addi %mul3A_225, %add3A_508 : i32
        %dma_wait3A_510 = arith.constant 0 : i32
        %dma_wait3A_511 = tpu.memref_slice %arg7[%add3A_509, %dma_wait3A_510] : memref<78x128xi32, #tpu.memory_space<vmem>> -> memref<1x128xi32, #tpu.memory_space<vmem>>
        %dma_wait3A_512 = tpu.memref_squeeze %dma_wait3A_511 : memref<1x128xi32, #tpu.memory_space<vmem>> -> memref<128xi32, #tpu.memory_space<vmem>>
        %dma_wait3A_513 = arith.constant 0 : i32
        %dma_wait3A_514 = arith.constant 0 : i32
        %dma_wait3A_515 = tpu.memref_slice %arg23[%dma_wait3A_513, %dma_wait3A_514] : memref<10112x32xf32, #tpu.memory_space<vmem_shared>> -> memref<10112x32xf32, #tpu.memory_space<vmem_shared>>
        tpu.wait_indirect_dma semaphore(%arg44 : memref<!tpu.dma_semaphore, #tpu.memory_space<semaphore_mem>>) src(%arg13 : memref<128x32xf32, #tpu.memory_space<vmem>>) dst(%dma_wait3A_515 : memref<10112x32xf32, #tpu.memory_space<vmem_shared>>)
        %add3A_516 = arith.constant 4 : i32
        %add3A_517 = arith.addi %mul3A_225, %add3A_516 : i32
        %add3A_518 = arith.constant 13 : i32
        %add3A_519 = arith.addi %add3A_517, %add3A_518 : i32
        %mul3A_520 = arith.constant 128 : i32
        %mul3A_521 = arith.muli %add3A_519, %mul3A_520 : i32
        %dma_start3A_522 = tpu.memref_slice %arg6[%mul3A_521] : memref<10000xi32, #tpu.memory_space<vmem>> -> memref<128xi32, #tpu.memory_space<vmem>>
        %dma_start3A_523 = arith.constant 0 : i32
        %dma_start3A_524 = arith.constant 0 : i32
        %dma_start3A_525 = tpu.memref_slice %arg2[%dma_start3A_523, %dma_start3A_524] : memref<10000x32xf32, #tpu.memory_space<hbm>> -> memref<10000x32xf32, #tpu.memory_space<hbm>>
        tpu.enqueue_indirect_dma source(%dma_start3A_525 : memref<10000x32xf32, #tpu.memory_space<hbm>>) target(%arg13 : memref<128x32xf32, #tpu.memory_space<vmem>>) offsets(%dma_start3A_522 : memref<128xi32, #tpu.memory_space<vmem>>) semaphore(%arg31 : memref<!tpu.dma_semaphore, #tpu.memory_space<semaphore_mem>>)
        %add3A_526 = arith.constant 5 : i32
        %add3A_527 = arith.addi %mul3A_225, %add3A_526 : i32
        %dma_wait3A_528 = arith.constant 0 : i32
        %dma_wait3A_529 = tpu.memref_slice %arg7[%add3A_527, %dma_wait3A_528] : memref<78x128xi32, #tpu.memory_space<vmem>> -> memref<1x128xi32, #tpu.memory_space<vmem>>
        %dma_wait3A_530 = tpu.memref_squeeze %dma_wait3A_529 : memref<1x128xi32, #tpu.memory_space<vmem>> -> memref<128xi32, #tpu.memory_space<vmem>>
        %dma_wait3A_531 = arith.constant 0 : i32
        %dma_wait3A_532 = arith.constant 0 : i32
        %dma_wait3A_533 = tpu.memref_slice %arg23[%dma_wait3A_531, %dma_wait3A_532] : memref<10112x32xf32, #tpu.memory_space<vmem_shared>> -> memref<10112x32xf32, #tpu.memory_space<vmem_shared>>
        tpu.wait_indirect_dma semaphore(%arg45 : memref<!tpu.dma_semaphore, #tpu.memory_space<semaphore_mem>>) src(%arg14 : memref<128x32xf32, #tpu.memory_space<vmem>>) dst(%dma_wait3A_533 : memref<10112x32xf32, #tpu.memory_space<vmem_shared>>)
        %add3A_534 = arith.constant 5 : i32
        %add3A_535 = arith.addi %mul3A_225, %add3A_534 : i32
        %add3A_536 = arith.constant 13 : i32
        %add3A_537 = arith.addi %add3A_535, %add3A_536 : i32
        %mul3A_538 = arith.constant 128 : i32
        %mul3A_539 = arith.muli %add3A_537, %mul3A_538 : i32
        %dma_start3A_540 = tpu.memref_slice %arg6[%mul3A_539] : memref<10000xi32, #tpu.memory_space<vmem>> -> memref<128xi32, #tpu.memory_space<vmem>>
        %dma_start3A_541 = arith.constant 0 : i32
        %dma_start3A_542 = arith.constant 0 : i32
        %dma_start3A_543 = tpu.memref_slice %arg2[%dma_start3A_541, %dma_start3A_542] : memref<10000x32xf32, #tpu.memory_space<hbm>> -> memref<10000x32xf32, #tpu.memory_space<hbm>>
        tpu.enqueue_indirect_dma source(%dma_start3A_543 : memref<10000x32xf32, #tpu.memory_space<hbm>>) target(%arg14 : memref<128x32xf32, #tpu.memory_space<vmem>>) offsets(%dma_start3A_540 : memref<128xi32, #tpu.memory_space<vmem>>) semaphore(%arg32 : memref<!tpu.dma_semaphore, #tpu.memory_space<semaphore_mem>>)
        %add3A_544 = arith.constant 6 : i32
        %add3A_545 = arith.addi %mul3A_225, %add3A_544 : i32
        %dma_wait3A_546 = arith.constant 0 : i32
        %dma_wait3A_547 = tpu.memref_slice %arg7[%add3A_545, %dma_wait3A_546] : memref<78x128xi32, #tpu.memory_space<vmem>> -> memref<1x128xi32, #tpu.memory_space<vmem>>
        %dma_wait3A_548 = tpu.memref_squeeze %dma_wait3A_547 : memref<1x128xi32, #tpu.memory_space<vmem>> -> memref<128xi32, #tpu.memory_space<vmem>>
        %dma_wait3A_549 = arith.constant 0 : i32
        %dma_wait3A_550 = arith.constant 0 : i32
        %dma_wait3A_551 = tpu.memref_slice %arg23[%dma_wait3A_549, %dma_wait3A_550] : memref<10112x32xf32, #tpu.memory_space<vmem_shared>> -> memref<10112x32xf32, #tpu.memory_space<vmem_shared>>
        tpu.wait_indirect_dma semaphore(%arg46 : memref<!tpu.dma_semaphore, #tpu.memory_space<semaphore_mem>>) src(%arg15 : memref<128x32xf32, #tpu.memory_space<vmem>>) dst(%dma_wait3A_551 : memref<10112x32xf32, #tpu.memory_space<vmem_shared>>)
        %add3A_552 = arith.constant 6 : i32
        %add3A_553 = arith.addi %mul3A_225, %add3A_552 : i32
        %add3A_554 = arith.constant 13 : i32
        %add3A_555 = arith.addi %add3A_553, %add3A_554 : i32
        %mul3A_556 = arith.constant 128 : i32
        %mul3A_557 = arith.muli %add3A_555, %mul3A_556 : i32
        %dma_start3A_558 = tpu.memref_slice %arg6[%mul3A_557] : memref<10000xi32, #tpu.memory_space<vmem>> -> memref<128xi32, #tpu.memory_space<vmem>>
        %dma_start3A_559 = arith.constant 0 : i32
        %dma_start3A_560 = arith.constant 0 : i32
        %dma_start3A_561 = tpu.memref_slice %arg2[%dma_start3A_559, %dma_start3A_560] : memref<10000x32xf32, #tpu.memory_space<hbm>> -> memref<10000x32xf32, #tpu.memory_space<hbm>>
        tpu.enqueue_indirect_dma source(%dma_start3A_561 : memref<10000x32xf32, #tpu.memory_space<hbm>>) target(%arg15 : memref<128x32xf32, #tpu.memory_space<vmem>>) offsets(%dma_start3A_558 : memref<128xi32, #tpu.memory_space<vmem>>) semaphore(%arg33 : memref<!tpu.dma_semaphore, #tpu.memory_space<semaphore_mem>>)
        %add3A_562 = arith.constant 7 : i32
        %add3A_563 = arith.addi %mul3A_225, %add3A_562 : i32
        %dma_wait3A_564 = arith.constant 0 : i32
        %dma_wait3A_565 = tpu.memref_slice %arg7[%add3A_563, %dma_wait3A_564] : memref<78x128xi32, #tpu.memory_space<vmem>> -> memref<1x128xi32, #tpu.memory_space<vmem>>
        %dma_wait3A_566 = tpu.memref_squeeze %dma_wait3A_565 : memref<1x128xi32, #tpu.memory_space<vmem>> -> memref<128xi32, #tpu.memory_space<vmem>>
        %dma_wait3A_567 = arith.constant 0 : i32
        %dma_wait3A_568 = arith.constant 0 : i32
        %dma_wait3A_569 = tpu.memref_slice %arg23[%dma_wait3A_567, %dma_wait3A_568] : memref<10112x32xf32, #tpu.memory_space<vmem_shared>> -> memref<10112x32xf32, #tpu.memory_space<vmem_shared>>
        tpu.wait_indirect_dma semaphore(%arg47 : memref<!tpu.dma_semaphore, #tpu.memory_space<semaphore_mem>>) src(%arg16 : memref<128x32xf32, #tpu.memory_space<vmem>>) dst(%dma_wait3A_569 : memref<10112x32xf32, #tpu.memory_space<vmem_shared>>)
        %add3A_570 = arith.constant 7 : i32
        %add3A_571 = arith.addi %mul3A_225, %add3A_570 : i32
        %add3A_572 = arith.constant 13 : i32
        %add3A_573 = arith.addi %add3A_571, %add3A_572 : i32
        %mul3A_574 = arith.constant 128 : i32
        %mul3A_575 = arith.muli %add3A_573, %mul3A_574 : i32
        %dma_start3A_576 = tpu.memref_slice %arg6[%mul3A_575] : memref<10000xi32, #tpu.memory_space<vmem>> -> memref<128xi32, #tpu.memory_space<vmem>>
        %dma_start3A_577 = arith.constant 0 : i32
        %dma_start3A_578 = arith.constant 0 : i32
        %dma_start3A_579 = tpu.memref_slice %arg2[%dma_start3A_577, %dma_start3A_578] : memref<10000x32xf32, #tpu.memory_space<hbm>> -> memref<10000x32xf32, #tpu.memory_space<hbm>>
        tpu.enqueue_indirect_dma source(%dma_start3A_579 : memref<10000x32xf32, #tpu.memory_space<hbm>>) target(%arg16 : memref<128x32xf32, #tpu.memory_space<vmem>>) offsets(%dma_start3A_576 : memref<128xi32, #tpu.memory_space<vmem>>) semaphore(%arg34 : memref<!tpu.dma_semaphore, #tpu.memory_space<semaphore_mem>>)
        %add3A_580 = arith.constant 8 : i32
        %add3A_581 = arith.addi %mul3A_225, %add3A_580 : i32
        %dma_wait3A_582 = arith.constant 0 : i32
        %dma_wait3A_583 = tpu.memref_slice %arg7[%add3A_581, %dma_wait3A_582] : memref<78x128xi32, #tpu.memory_space<vmem>> -> memref<1x128xi32, #tpu.memory_space<vmem>>
        %dma_wait3A_584 = tpu.memref_squeeze %dma_wait3A_583 : memref<1x128xi32, #tpu.memory_space<vmem>> -> memref<128xi32, #tpu.memory_space<vmem>>
        %dma_wait3A_585 = arith.constant 0 : i32
        %dma_wait3A_586 = arith.constant 0 : i32
        %dma_wait3A_587 = tpu.memref_slice %arg23[%dma_wait3A_585, %dma_wait3A_586] : memref<10112x32xf32, #tpu.memory_space<vmem_shared>> -> memref<10112x32xf32, #tpu.memory_space<vmem_shared>>
        tpu.wait_indirect_dma semaphore(%arg48 : memref<!tpu.dma_semaphore, #tpu.memory_space<semaphore_mem>>) src(%arg17 : memref<128x32xf32, #tpu.memory_space<vmem>>) dst(%dma_wait3A_587 : memref<10112x32xf32, #tpu.memory_space<vmem_shared>>)
        %add3A_588 = arith.constant 8 : i32
        %add3A_589 = arith.addi %mul3A_225, %add3A_588 : i32
        %add3A_590 = arith.constant 13 : i32
        %add3A_591 = arith.addi %add3A_589, %add3A_590 : i32
        %mul3A_592 = arith.constant 128 : i32
        %mul3A_593 = arith.muli %add3A_591, %mul3A_592 : i32
        %dma_start3A_594 = tpu.memref_slice %arg6[%mul3A_593] : memref<10000xi32, #tpu.memory_space<vmem>> -> memref<128xi32, #tpu.memory_space<vmem>>
        %dma_start3A_595 = arith.constant 0 : i32
        %dma_start3A_596 = arith.constant 0 : i32
        %dma_start3A_597 = tpu.memref_slice %arg2[%dma_start3A_595, %dma_start3A_596] : memref<10000x32xf32, #tpu.memory_space<hbm>> -> memref<10000x32xf32, #tpu.memory_space<hbm>>
        tpu.enqueue_indirect_dma source(%dma_start3A_597 : memref<10000x32xf32, #tpu.memory_space<hbm>>) target(%arg17 : memref<128x32xf32, #tpu.memory_space<vmem>>) offsets(%dma_start3A_594 : memref<128xi32, #tpu.memory_space<vmem>>) semaphore(%arg35 : memref<!tpu.dma_semaphore, #tpu.memory_space<semaphore_mem>>)
        %add3A_598 = arith.constant 9 : i32
        %add3A_599 = arith.addi %mul3A_225, %add3A_598 : i32
        %dma_wait3A_600 = arith.constant 0 : i32
        %dma_wait3A_601 = tpu.memref_slice %arg7[%add3A_599, %dma_wait3A_600] : memref<78x128xi32, #tpu.memory_space<vmem>> -> memref<1x128xi32, #tpu.memory_space<vmem>>
        %dma_wait3A_602 = tpu.memref_squeeze %dma_wait3A_601 : memref<1x128xi32, #tpu.memory_space<vmem>> -> memref<128xi32, #tpu.memory_space<vmem>>
        %dma_wait3A_603 = arith.constant 0 : i32
        %dma_wait3A_604 = arith.constant 0 : i32
        %dma_wait3A_605 = tpu.memref_slice %arg23[%dma_wait3A_603, %dma_wait3A_604] : memref<10112x32xf32, #tpu.memory_space<vmem_shared>> -> memref<10112x32xf32, #tpu.memory_space<vmem_shared>>
        tpu.wait_indirect_dma semaphore(%arg49 : memref<!tpu.dma_semaphore, #tpu.memory_space<semaphore_mem>>) src(%arg18 : memref<128x32xf32, #tpu.memory_space<vmem>>) dst(%dma_wait3A_605 : memref<10112x32xf32, #tpu.memory_space<vmem_shared>>)
        %add3A_606 = arith.constant 9 : i32
        %add3A_607 = arith.addi %mul3A_225, %add3A_606 : i32
        %add3A_608 = arith.constant 13 : i32
        %add3A_609 = arith.addi %add3A_607, %add3A_608 : i32
        %mul3A_610 = arith.constant 128 : i32
        %mul3A_611 = arith.muli %add3A_609, %mul3A_610 : i32
        %dma_start3A_612 = tpu.memref_slice %arg6[%mul3A_611] : memref<10000xi32, #tpu.memory_space<vmem>> -> memref<128xi32, #tpu.memory_space<vmem>>
        %dma_start3A_613 = arith.constant 0 : i32
        %dma_start3A_614 = arith.constant 0 : i32
        %dma_start3A_615 = tpu.memref_slice %arg2[%dma_start3A_613, %dma_start3A_614] : memref<10000x32xf32, #tpu.memory_space<hbm>> -> memref<10000x32xf32, #tpu.memory_space<hbm>>
        tpu.enqueue_indirect_dma source(%dma_start3A_615 : memref<10000x32xf32, #tpu.memory_space<hbm>>) target(%arg18 : memref<128x32xf32, #tpu.memory_space<vmem>>) offsets(%dma_start3A_612 : memref<128xi32, #tpu.memory_space<vmem>>) semaphore(%arg36 : memref<!tpu.dma_semaphore, #tpu.memory_space<semaphore_mem>>)
        %add3A_616 = arith.constant 10 : i32
        %add3A_617 = arith.addi %mul3A_225, %add3A_616 : i32
        %dma_wait3A_618 = arith.constant 0 : i32
        %dma_wait3A_619 = tpu.memref_slice %arg7[%add3A_617, %dma_wait3A_618] : memref<78x128xi32, #tpu.memory_space<vmem>> -> memref<1x128xi32, #tpu.memory_space<vmem>>
        %dma_wait3A_620 = tpu.memref_squeeze %dma_wait3A_619 : memref<1x128xi32, #tpu.memory_space<vmem>> -> memref<128xi32, #tpu.memory_space<vmem>>
        %dma_wait3A_621 = arith.constant 0 : i32
        %dma_wait3A_622 = arith.constant 0 : i32
        %dma_wait3A_623 = tpu.memref_slice %arg23[%dma_wait3A_621, %dma_wait3A_622] : memref<10112x32xf32, #tpu.memory_space<vmem_shared>> -> memref<10112x32xf32, #tpu.memory_space<vmem_shared>>
        tpu.wait_indirect_dma semaphore(%arg50 : memref<!tpu.dma_semaphore, #tpu.memory_space<semaphore_mem>>) src(%arg19 : memref<128x32xf32, #tpu.memory_space<vmem>>) dst(%dma_wait3A_623 : memref<10112x32xf32, #tpu.memory_space<vmem_shared>>)
        %add3A_624 = arith.constant 10 : i32
        %add3A_625 = arith.addi %mul3A_225, %add3A_624 : i32
        %add3A_626 = arith.constant 13 : i32
        %add3A_627 = arith.addi %add3A_625, %add3A_626 : i32
        %mul3A_628 = arith.constant 128 : i32
        %mul3A_629 = arith.muli %add3A_627, %mul3A_628 : i32
        %dma_start3A_630 = tpu.memref_slice %arg6[%mul3A_629] : memref<10000xi32, #tpu.memory_space<vmem>> -> memref<128xi32, #tpu.memory_space<vmem>>
        %dma_start3A_631 = arith.constant 0 : i32
        %dma_start3A_632 = arith.constant 0 : i32
        %dma_start3A_633 = tpu.memref_slice %arg2[%dma_start3A_631, %dma_start3A_632] : memref<10000x32xf32, #tpu.memory_space<hbm>> -> memref<10000x32xf32, #tpu.memory_space<hbm>>
        tpu.enqueue_indirect_dma source(%dma_start3A_633 : memref<10000x32xf32, #tpu.memory_space<hbm>>) target(%arg19 : memref<128x32xf32, #tpu.memory_space<vmem>>) offsets(%dma_start3A_630 : memref<128xi32, #tpu.memory_space<vmem>>) semaphore(%arg37 : memref<!tpu.dma_semaphore, #tpu.memory_space<semaphore_mem>>)
        %add3A_634 = arith.constant 11 : i32
        %add3A_635 = arith.addi %mul3A_225, %add3A_634 : i32
        %dma_wait3A_636 = arith.constant 0 : i32
        %dma_wait3A_637 = tpu.memref_slice %arg7[%add3A_635, %dma_wait3A_636] : memref<78x128xi32, #tpu.memory_space<vmem>> -> memref<1x128xi32, #tpu.memory_space<vmem>>
        %dma_wait3A_638 = tpu.memref_squeeze %dma_wait3A_637 : memref<1x128xi32, #tpu.memory_space<vmem>> -> memref<128xi32, #tpu.memory_space<vmem>>
        %dma_wait3A_639 = arith.constant 0 : i32
        %dma_wait3A_640 = arith.constant 0 : i32
        %dma_wait3A_641 = tpu.memref_slice %arg23[%dma_wait3A_639, %dma_wait3A_640] : memref<10112x32xf32, #tpu.memory_space<vmem_shared>> -> memref<10112x32xf32, #tpu.memory_space<vmem_shared>>
        tpu.wait_indirect_dma semaphore(%arg51 : memref<!tpu.dma_semaphore, #tpu.memory_space<semaphore_mem>>) src(%arg20 : memref<128x32xf32, #tpu.memory_space<vmem>>) dst(%dma_wait3A_641 : memref<10112x32xf32, #tpu.memory_space<vmem_shared>>)
        %add3A_642 = arith.constant 11 : i32
        %add3A_643 = arith.addi %mul3A_225, %add3A_642 : i32
        %add3A_644 = arith.constant 13 : i32
        %add3A_645 = arith.addi %add3A_643, %add3A_644 : i32
        %mul3A_646 = arith.constant 128 : i32
        %mul3A_647 = arith.muli %add3A_645, %mul3A_646 : i32
        %dma_start3A_648 = tpu.memref_slice %arg6[%mul3A_647] : memref<10000xi32, #tpu.memory_space<vmem>> -> memref<128xi32, #tpu.memory_space<vmem>>
        %dma_start3A_649 = arith.constant 0 : i32
        %dma_start3A_650 = arith.constant 0 : i32
        %dma_start3A_651 = tpu.memref_slice %arg2[%dma_start3A_649, %dma_start3A_650] : memref<10000x32xf32, #tpu.memory_space<hbm>> -> memref<10000x32xf32, #tpu.memory_space<hbm>>
        tpu.enqueue_indirect_dma source(%dma_start3A_651 : memref<10000x32xf32, #tpu.memory_space<hbm>>) target(%arg20 : memref<128x32xf32, #tpu.memory_space<vmem>>) offsets(%dma_start3A_648 : memref<128xi32, #tpu.memory_space<vmem>>) semaphore(%arg38 : memref<!tpu.dma_semaphore, #tpu.memory_space<semaphore_mem>>)
        %add3A_652 = arith.constant 12 : i32
        %add3A_653 = arith.addi %mul3A_225, %add3A_652 : i32
        %dma_wait3A_654 = arith.constant 0 : i32
        %dma_wait3A_655 = tpu.memref_slice %arg7[%add3A_653, %dma_wait3A_654] : memref<78x128xi32, #tpu.memory_space<vmem>> -> memref<1x128xi32, #tpu.memory_space<vmem>>
        %dma_wait3A_656 = tpu.memref_squeeze %dma_wait3A_655 : memref<1x128xi32, #tpu.memory_space<vmem>> -> memref<128xi32, #tpu.memory_space<vmem>>
        %dma_wait3A_657 = arith.constant 0 : i32
        %dma_wait3A_658 = arith.constant 0 : i32
        %dma_wait3A_659 = tpu.memref_slice %arg23[%dma_wait3A_657, %dma_wait3A_658] : memref<10112x32xf32, #tpu.memory_space<vmem_shared>> -> memref<10112x32xf32, #tpu.memory_space<vmem_shared>>
        tpu.wait_indirect_dma semaphore(%arg52 : memref<!tpu.dma_semaphore, #tpu.memory_space<semaphore_mem>>) src(%arg21 : memref<128x32xf32, #tpu.memory_space<vmem>>) dst(%dma_wait3A_659 : memref<10112x32xf32, #tpu.memory_space<vmem_shared>>)
        %add3A_660 = arith.constant 12 : i32
        %add3A_661 = arith.addi %mul3A_225, %add3A_660 : i32
        %add3A_662 = arith.constant 13 : i32
        %add3A_663 = arith.addi %add3A_661, %add3A_662 : i32
        %mul3A_664 = arith.constant 128 : i32
        %mul3A_665 = arith.muli %add3A_663, %mul3A_664 : i32
        %dma_start3A_666 = tpu.memref_slice %arg6[%mul3A_665] : memref<10000xi32, #tpu.memory_space<vmem>> -> memref<128xi32, #tpu.memory_space<vmem>>
        %dma_start3A_667 = arith.constant 0 : i32
        %dma_start3A_668 = arith.constant 0 : i32
        %dma_start3A_669 = tpu.memref_slice %arg2[%dma_start3A_667, %dma_start3A_668] : memref<10000x32xf32, #tpu.memory_space<hbm>> -> memref<10000x32xf32, #tpu.memory_space<hbm>>
        tpu.enqueue_indirect_dma source(%dma_start3A_669 : memref<10000x32xf32, #tpu.memory_space<hbm>>) target(%arg21 : memref<128x32xf32, #tpu.memory_space<vmem>>) offsets(%dma_start3A_666 : memref<128xi32, #tpu.memory_space<vmem>>) semaphore(%arg39 : memref<!tpu.dma_semaphore, #tpu.memory_space<semaphore_mem>>)
      } else {
      }
    }
    %scan3A_121 = arith.constant 6 : i32
    %dma_wait3A_122 = arith.constant 9984 : i32
    %dma_wait3A_123 = tpu.memref_slice %arg6[%dma_wait3A_122] : memref<10000xi32, #tpu.memory_space<vmem>> -> memref<16xi32, #tpu.memory_space<vmem>>
    %dma_wait3A_124 = arith.constant 0 : i32
    %dma_wait3A_125 = arith.constant 0 : i32
    %dma_wait3A_126 = tpu.memref_slice %arg2[%dma_wait3A_124, %dma_wait3A_125] : memref<10000x32xf32, #tpu.memory_space<hbm>> -> memref<10000x32xf32, #tpu.memory_space<hbm>>
    tpu.wait_indirect_dma semaphore(%arg25 : memref<!tpu.dma_semaphore, #tpu.memory_space<semaphore_mem>>) src(%dma_wait3A_126 : memref<10000x32xf32, #tpu.memory_space<hbm>>) dst(%arg22 : memref<16x32xf32, #tpu.memory_space<vmem>>)
    "tpu.region"() ({
      %run_scoped3A = tpu.sem_alloc : memref<!tpu.dma_semaphore, #tpu.memory_space<semaphore_mem>>
      %dma_start3A_223 = arith.constant 0 : i32
      %dma_start3A_224 = arith.constant 0 : i32
      %dma_start3A_225 = tpu.memref_slice %arg23[%dma_start3A_223, %dma_start3A_224] : memref<10112x32xf32, #tpu.memory_space<vmem_shared>> -> memref<10112x32xf32, #tpu.memory_space<vmem_shared>>
      tpu.enqueue_indirect_dma source(%arg22 : memref<16x32xf32, #tpu.memory_space<vmem>>) target(%dma_start3A_225 : memref<10112x32xf32, #tpu.memory_space<vmem_shared>>) offsets(%arg8 : memref<16xi32, #tpu.memory_space<vmem>>) semaphore(%run_scoped3A : memref<!tpu.dma_semaphore, #tpu.memory_space<semaphore_mem>>) {add = true}
      %dma_wait3A_226 = arith.constant 0 : i32
      %dma_wait3A_227 = arith.constant 0 : i32
      %dma_wait3A_228 = tpu.memref_slice %arg23[%dma_wait3A_226, %dma_wait3A_227] : memref<10112x32xf32, #tpu.memory_space<vmem_shared>> -> memref<10112x32xf32, #tpu.memory_space<vmem_shared>>
      tpu.wait_indirect_dma semaphore(%run_scoped3A : memref<!tpu.dma_semaphore, #tpu.memory_space<semaphore_mem>>) src(%arg22 : memref<16x32xf32, #tpu.memory_space<vmem>>) dst(%dma_wait3A_228 : memref<10112x32xf32, #tpu.memory_space<vmem_shared>>)
      tpu.yield
    }) : () -> ()
    %dma_wait3A_127 = arith.constant 65 : i32
    %dma_wait3A_128 = arith.constant 0 : i32
    %dma_wait3A_129 = tpu.memref_slice %arg7[%dma_wait3A_127, %dma_wait3A_128] : memref<78x128xi32, #tpu.memory_space<vmem>> -> memref<1x128xi32, #tpu.memory_space<vmem>>
    %dma_wait3A_130 = tpu.memref_squeeze %dma_wait3A_129 : memref<1x128xi32, #tpu.memory_space<vmem>> -> memref<128xi32, #tpu.memory_space<vmem>>
    %dma_wait3A_131 = arith.constant 0 : i32
    %dma_wait3A_132 = arith.constant 0 : i32
    %dma_wait3A_133 = tpu.memref_slice %arg23[%dma_wait3A_131, %dma_wait3A_132] : memref<10112x32xf32, #tpu.memory_space<vmem_shared>> -> memref<10112x32xf32, #tpu.memory_space<vmem_shared>>
    tpu.wait_indirect_dma semaphore(%arg40 : memref<!tpu.dma_semaphore, #tpu.memory_space<semaphore_mem>>) src(%arg9 : memref<128x32xf32, #tpu.memory_space<vmem>>) dst(%dma_wait3A_133 : memref<10112x32xf32, #tpu.memory_space<vmem_shared>>)
    %dma_wait3A_134 = arith.constant 66 : i32
    %dma_wait3A_135 = arith.constant 0 : i32
    %dma_wait3A_136 = tpu.memref_slice %arg7[%dma_wait3A_134, %dma_wait3A_135] : memref<78x128xi32, #tpu.memory_space<vmem>> -> memref<1x128xi32, #tpu.memory_space<vmem>>
    %dma_wait3A_137 = tpu.memref_squeeze %dma_wait3A_136 : memref<1x128xi32, #tpu.memory_space<vmem>> -> memref<128xi32, #tpu.memory_space<vmem>>
    %dma_wait3A_138 = arith.constant 0 : i32
    %dma_wait3A_139 = arith.constant 0 : i32
    %dma_wait3A_140 = tpu.memref_slice %arg23[%dma_wait3A_138, %dma_wait3A_139] : memref<10112x32xf32, #tpu.memory_space<vmem_shared>> -> memref<10112x32xf32, #tpu.memory_space<vmem_shared>>
    tpu.wait_indirect_dma semaphore(%arg41 : memref<!tpu.dma_semaphore, #tpu.memory_space<semaphore_mem>>) src(%arg10 : memref<128x32xf32, #tpu.memory_space<vmem>>) dst(%dma_wait3A_140 : memref<10112x32xf32, #tpu.memory_space<vmem_shared>>)
    %dma_wait3A_141 = arith.constant 67 : i32
    %dma_wait3A_142 = arith.constant 0 : i32
    %dma_wait3A_143 = tpu.memref_slice %arg7[%dma_wait3A_141, %dma_wait3A_142] : memref<78x128xi32, #tpu.memory_space<vmem>> -> memref<1x128xi32, #tpu.memory_space<vmem>>
    %dma_wait3A_144 = tpu.memref_squeeze %dma_wait3A_143 : memref<1x128xi32, #tpu.memory_space<vmem>> -> memref<128xi32, #tpu.memory_space<vmem>>
    %dma_wait3A_145 = arith.constant 0 : i32
    %dma_wait3A_146 = arith.constant 0 : i32
    %dma_wait3A_147 = tpu.memref_slice %arg23[%dma_wait3A_145, %dma_wait3A_146] : memref<10112x32xf32, #tpu.memory_space<vmem_shared>> -> memref<10112x32xf32, #tpu.memory_space<vmem_shared>>
    tpu.wait_indirect_dma semaphore(%arg42 : memref<!tpu.dma_semaphore, #tpu.memory_space<semaphore_mem>>) src(%arg11 : memref<128x32xf32, #tpu.memory_space<vmem>>) dst(%dma_wait3A_147 : memref<10112x32xf32, #tpu.memory_space<vmem_shared>>)
    %dma_wait3A_148 = arith.constant 68 : i32
    %dma_wait3A_149 = arith.constant 0 : i32
    %dma_wait3A_150 = tpu.memref_slice %arg7[%dma_wait3A_148, %dma_wait3A_149] : memref<78x128xi32, #tpu.memory_space<vmem>> -> memref<1x128xi32, #tpu.memory_space<vmem>>
    %dma_wait3A_151 = tpu.memref_squeeze %dma_wait3A_150 : memref<1x128xi32, #tpu.memory_space<vmem>> -> memref<128xi32, #tpu.memory_space<vmem>>
    %dma_wait3A_152 = arith.constant 0 : i32
    %dma_wait3A_153 = arith.constant 0 : i32
    %dma_wait3A_154 = tpu.memref_slice %arg23[%dma_wait3A_152, %dma_wait3A_153] : memref<10112x32xf32, #tpu.memory_space<vmem_shared>> -> memref<10112x32xf32, #tpu.memory_space<vmem_shared>>
    tpu.wait_indirect_dma semaphore(%arg43 : memref<!tpu.dma_semaphore, #tpu.memory_space<semaphore_mem>>) src(%arg12 : memref<128x32xf32, #tpu.memory_space<vmem>>) dst(%dma_wait3A_154 : memref<10112x32xf32, #tpu.memory_space<vmem_shared>>)
    %dma_wait3A_155 = arith.constant 69 : i32
    %dma_wait3A_156 = arith.constant 0 : i32
    %dma_wait3A_157 = tpu.memref_slice %arg7[%dma_wait3A_155, %dma_wait3A_156] : memref<78x128xi32, #tpu.memory_space<vmem>> -> memref<1x128xi32, #tpu.memory_space<vmem>>
    %dma_wait3A_158 = tpu.memref_squeeze %dma_wait3A_157 : memref<1x128xi32, #tpu.memory_space<vmem>> -> memref<128xi32, #tpu.memory_space<vmem>>
    %dma_wait3A_159 = arith.constant 0 : i32
    %dma_wait3A_160 = arith.constant 0 : i32
    %dma_wait3A_161 = tpu.memref_slice %arg23[%dma_wait3A_159, %dma_wait3A_160] : memref<10112x32xf32, #tpu.memory_space<vmem_shared>> -> memref<10112x32xf32, #tpu.memory_space<vmem_shared>>
    tpu.wait_indirect_dma semaphore(%arg44 : memref<!tpu.dma_semaphore, #tpu.memory_space<semaphore_mem>>) src(%arg13 : memref<128x32xf32, #tpu.memory_space<vmem>>) dst(%dma_wait3A_161 : memref<10112x32xf32, #tpu.memory_space<vmem_shared>>)
    %dma_wait3A_162 = arith.constant 70 : i32
    %dma_wait3A_163 = arith.constant 0 : i32
    %dma_wait3A_164 = tpu.memref_slice %arg7[%dma_wait3A_162, %dma_wait3A_163] : memref<78x128xi32, #tpu.memory_space<vmem>> -> memref<1x128xi32, #tpu.memory_space<vmem>>
    %dma_wait3A_165 = tpu.memref_squeeze %dma_wait3A_164 : memref<1x128xi32, #tpu.memory_space<vmem>> -> memref<128xi32, #tpu.memory_space<vmem>>
    %dma_wait3A_166 = arith.constant 0 : i32
    %dma_wait3A_167 = arith.constant 0 : i32
    %dma_wait3A_168 = tpu.memref_slice %arg23[%dma_wait3A_166, %dma_wait3A_167] : memref<10112x32xf32, #tpu.memory_space<vmem_shared>> -> memref<10112x32xf32, #tpu.memory_space<vmem_shared>>
    tpu.wait_indirect_dma semaphore(%arg45 : memref<!tpu.dma_semaphore, #tpu.memory_space<semaphore_mem>>) src(%arg14 : memref<128x32xf32, #tpu.memory_space<vmem>>) dst(%dma_wait3A_168 : memref<10112x32xf32, #tpu.memory_space<vmem_shared>>)
    %dma_wait3A_169 = arith.constant 71 : i32
    %dma_wait3A_170 = arith.constant 0 : i32
    %dma_wait3A_171 = tpu.memref_slice %arg7[%dma_wait3A_169, %dma_wait3A_170] : memref<78x128xi32, #tpu.memory_space<vmem>> -> memref<1x128xi32, #tpu.memory_space<vmem>>
    %dma_wait3A_172 = tpu.memref_squeeze %dma_wait3A_171 : memref<1x128xi32, #tpu.memory_space<vmem>> -> memref<128xi32, #tpu.memory_space<vmem>>
    %dma_wait3A_173 = arith.constant 0 : i32
    %dma_wait3A_174 = arith.constant 0 : i32
    %dma_wait3A_175 = tpu.memref_slice %arg23[%dma_wait3A_173, %dma_wait3A_174] : memref<10112x32xf32, #tpu.memory_space<vmem_shared>> -> memref<10112x32xf32, #tpu.memory_space<vmem_shared>>
    tpu.wait_indirect_dma semaphore(%arg46 : memref<!tpu.dma_semaphore, #tpu.memory_space<semaphore_mem>>) src(%arg15 : memref<128x32xf32, #tpu.memory_space<vmem>>) dst(%dma_wait3A_175 : memref<10112x32xf32, #tpu.memory_space<vmem_shared>>)
    %dma_wait3A_176 = arith.constant 72 : i32
    %dma_wait3A_177 = arith.constant 0 : i32
    %dma_wait3A_178 = tpu.memref_slice %arg7[%dma_wait3A_176, %dma_wait3A_177] : memref<78x128xi32, #tpu.memory_space<vmem>> -> memref<1x128xi32, #tpu.memory_space<vmem>>
    %dma_wait3A_179 = tpu.memref_squeeze %dma_wait3A_178 : memref<1x128xi32, #tpu.memory_space<vmem>> -> memref<128xi32, #tpu.memory_space<vmem>>
    %dma_wait3A_180 = arith.constant 0 : i32
    %dma_wait3A_181 = arith.constant 0 : i32
    %dma_wait3A_182 = tpu.memref_slice %arg23[%dma_wait3A_180, %dma_wait3A_181] : memref<10112x32xf32, #tpu.memory_space<vmem_shared>> -> memref<10112x32xf32, #tpu.memory_space<vmem_shared>>
    tpu.wait_indirect_dma semaphore(%arg47 : memref<!tpu.dma_semaphore, #tpu.memory_space<semaphore_mem>>) src(%arg16 : memref<128x32xf32, #tpu.memory_space<vmem>>) dst(%dma_wait3A_182 : memref<10112x32xf32, #tpu.memory_space<vmem_shared>>)
    %dma_wait3A_183 = arith.constant 73 : i32
    %dma_wait3A_184 = arith.constant 0 : i32
    %dma_wait3A_185 = tpu.memref_slice %arg7[%dma_wait3A_183, %dma_wait3A_184] : memref<78x128xi32, #tpu.memory_space<vmem>> -> memref<1x128xi32, #tpu.memory_space<vmem>>
    %dma_wait3A_186 = tpu.memref_squeeze %dma_wait3A_185 : memref<1x128xi32, #tpu.memory_space<vmem>> -> memref<128xi32, #tpu.memory_space<vmem>>
    %dma_wait3A_187 = arith.constant 0 : i32
    %dma_wait3A_188 = arith.constant 0 : i32
    %dma_wait3A_189 = tpu.memref_slice %arg23[%dma_wait3A_187, %dma_wait3A_188] : memref<10112x32xf32, #tpu.memory_space<vmem_shared>> -> memref<10112x32xf32, #tpu.memory_space<vmem_shared>>
    tpu.wait_indirect_dma semaphore(%arg48 : memref<!tpu.dma_semaphore, #tpu.memory_space<semaphore_mem>>) src(%arg17 : memref<128x32xf32, #tpu.memory_space<vmem>>) dst(%dma_wait3A_189 : memref<10112x32xf32, #tpu.memory_space<vmem_shared>>)
    %dma_wait3A_190 = arith.constant 74 : i32
    %dma_wait3A_191 = arith.constant 0 : i32
    %dma_wait3A_192 = tpu.memref_slice %arg7[%dma_wait3A_190, %dma_wait3A_191] : memref<78x128xi32, #tpu.memory_space<vmem>> -> memref<1x128xi32, #tpu.memory_space<vmem>>
    %dma_wait3A_193 = tpu.memref_squeeze %dma_wait3A_192 : memref<1x128xi32, #tpu.memory_space<vmem>> -> memref<128xi32, #tpu.memory_space<vmem>>
    %dma_wait3A_194 = arith.constant 0 : i32
    %dma_wait3A_195 = arith.constant 0 : i32
    %dma_wait3A_196 = tpu.memref_slice %arg23[%dma_wait3A_194, %dma_wait3A_195] : memref<10112x32xf32, #tpu.memory_space<vmem_shared>> -> memref<10112x32xf32, #tpu.memory_space<vmem_shared>>
    tpu.wait_indirect_dma semaphore(%arg49 : memref<!tpu.dma_semaphore, #tpu.memory_space<semaphore_mem>>) src(%arg18 : memref<128x32xf32, #tpu.memory_space<vmem>>) dst(%dma_wait3A_196 : memref<10112x32xf32, #tpu.memory_space<vmem_shared>>)
    %dma_wait3A_197 = arith.constant 75 : i32
    %dma_wait3A_198 = arith.constant 0 : i32
    %dma_wait3A_199 = tpu.memref_slice %arg7[%dma_wait3A_197, %dma_wait3A_198] : memref<78x128xi32, #tpu.memory_space<vmem>> -> memref<1x128xi32, #tpu.memory_space<vmem>>
    %dma_wait3A_200 = tpu.memref_squeeze %dma_wait3A_199 : memref<1x128xi32, #tpu.memory_space<vmem>> -> memref<128xi32, #tpu.memory_space<vmem>>
    %dma_wait3A_201 = arith.constant 0 : i32
    %dma_wait3A_202 = arith.constant 0 : i32
    %dma_wait3A_203 = tpu.memref_slice %arg23[%dma_wait3A_201, %dma_wait3A_202] : memref<10112x32xf32, #tpu.memory_space<vmem_shared>> -> memref<10112x32xf32, #tpu.memory_space<vmem_shared>>
    tpu.wait_indirect_dma semaphore(%arg50 : memref<!tpu.dma_semaphore, #tpu.memory_space<semaphore_mem>>) src(%arg19 : memref<128x32xf32, #tpu.memory_space<vmem>>) dst(%dma_wait3A_203 : memref<10112x32xf32, #tpu.memory_space<vmem_shared>>)
    %dma_wait3A_204 = arith.constant 76 : i32
    %dma_wait3A_205 = arith.constant 0 : i32
    %dma_wait3A_206 = tpu.memref_slice %arg7[%dma_wait3A_204, %dma_wait3A_205] : memref<78x128xi32, #tpu.memory_space<vmem>> -> memref<1x128xi32, #tpu.memory_space<vmem>>
    %dma_wait3A_207 = tpu.memref_squeeze %dma_wait3A_206 : memref<1x128xi32, #tpu.memory_space<vmem>> -> memref<128xi32, #tpu.memory_space<vmem>>
    %dma_wait3A_208 = arith.constant 0 : i32
    %dma_wait3A_209 = arith.constant 0 : i32
    %dma_wait3A_210 = tpu.memref_slice %arg23[%dma_wait3A_208, %dma_wait3A_209] : memref<10112x32xf32, #tpu.memory_space<vmem_shared>> -> memref<10112x32xf32, #tpu.memory_space<vmem_shared>>
    tpu.wait_indirect_dma semaphore(%arg51 : memref<!tpu.dma_semaphore, #tpu.memory_space<semaphore_mem>>) src(%arg20 : memref<128x32xf32, #tpu.memory_space<vmem>>) dst(%dma_wait3A_210 : memref<10112x32xf32, #tpu.memory_space<vmem_shared>>)
    %dma_wait3A_211 = arith.constant 77 : i32
    %dma_wait3A_212 = arith.constant 0 : i32
    %dma_wait3A_213 = tpu.memref_slice %arg7[%dma_wait3A_211, %dma_wait3A_212] : memref<78x128xi32, #tpu.memory_space<vmem>> -> memref<1x128xi32, #tpu.memory_space<vmem>>
    %dma_wait3A_214 = tpu.memref_squeeze %dma_wait3A_213 : memref<1x128xi32, #tpu.memory_space<vmem>> -> memref<128xi32, #tpu.memory_space<vmem>>
    %dma_wait3A_215 = arith.constant 0 : i32
    %dma_wait3A_216 = arith.constant 0 : i32
    %dma_wait3A_217 = tpu.memref_slice %arg23[%dma_wait3A_215, %dma_wait3A_216] : memref<10112x32xf32, #tpu.memory_space<vmem_shared>> -> memref<10112x32xf32, #tpu.memory_space<vmem_shared>>
    tpu.wait_indirect_dma semaphore(%arg52 : memref<!tpu.dma_semaphore, #tpu.memory_space<semaphore_mem>>) src(%arg21 : memref<128x32xf32, #tpu.memory_space<vmem>>) dst(%dma_wait3A_217 : memref<10112x32xf32, #tpu.memory_space<vmem_shared>>)
    %barrier3A_218 = arith.constant 0 : index
    tpu.barrier barrier_id(%barrier3A_218)
    %mul3A_219 = arith.constant 632 : i32
    %mul3A_220 = arith.muli %arg1, %mul3A_219 : i32
    %mul3A_221 = arith.constant 632 : i32
    %mul3A_222 = arith.muli %arg1, %mul3A_221 : i32
    "tpu.region"() ({
      %run_scoped3A = tpu.sem_alloc : memref<!tpu.dma_semaphore, #tpu.memory_space<semaphore_mem>>
      %dma_start3A_223 = arith.constant 0 : i32
      %dma_start3A_224 = tpu.memref_slice %arg5[%arg0, %mul3A_222, %dma_start3A_223] : memref<2x10112x32xf32, #tpu.memory_space<hbm>> -> memref<1x632x32xf32, #tpu.memory_space<hbm>>
      %dma_start3A_225 = tpu.memref_squeeze %dma_start3A_224 : memref<1x632x32xf32, #tpu.memory_space<hbm>> -> memref<632x32xf32, #tpu.memory_space<hbm>>
      %dma_start3A_226 = arith.constant 0 : i32
      %dma_start3A_227 = tpu.memref_slice %arg23[%mul3A_220, %dma_start3A_226] : memref<10112x32xf32, #tpu.memory_space<vmem_shared>> -> memref<632x32xf32, #tpu.memory_space<vmem_shared>>
      tpu.enqueue_dma source(%dma_start3A_227 : memref<632x32xf32, #tpu.memory_space<vmem_shared>>) target(%dma_start3A_225 : memref<632x32xf32, #tpu.memory_space<hbm>>) target_semaphore(%run_scoped3A : memref<!tpu.dma_semaphore, #tpu.memory_space<semaphore_mem>>)
      %dma_wait3A_228 = arith.constant 0 : i32
      %dma_wait3A_229 = tpu.memref_slice %arg5[%arg0, %mul3A_222, %dma_wait3A_228] : memref<2x10112x32xf32, #tpu.memory_space<hbm>> -> memref<1x632x32xf32, #tpu.memory_space<hbm>>
      %dma_wait3A_230 = tpu.memref_squeeze %dma_wait3A_229 : memref<1x632x32xf32, #tpu.memory_space<hbm>> -> memref<632x32xf32, #tpu.memory_space<hbm>>
      %dma_wait3A_231 = arith.constant 0 : i32
      %dma_wait3A_232 = tpu.memref_slice %arg23[%mul3A_220, %dma_wait3A_231] : memref<10112x32xf32, #tpu.memory_space<vmem_shared>> -> memref<632x32xf32, #tpu.memory_space<vmem_shared>>
      tpu.wait_dma2 semaphore(%run_scoped3A : memref<!tpu.dma_semaphore, #tpu.memory_space<semaphore_mem>>) src(%dma_wait3A_232 : memref<632x32xf32, #tpu.memory_space<vmem_shared>>) dst(%dma_wait3A_230 : memref<632x32xf32, #tpu.memory_space<hbm>>)
      tpu.yield
    }) : () -> ()
    return
  }
}

#map = affine_map<(d0, d1) -> (0, 0)>
#map1 = affine_map<(d0, d1) -> (0, 0, 0)>
module attributes {stable_mosaic.version = 14 : i64} {
  func.func @k(%arg0: i32, %arg1: i32, %arg2: memref<10000x32xf32, #tpu.memory_space<hbm>>, %arg3: memref<2x320000xi32, #tpu.memory_space<hbm>>, %arg4: memref<10112x32xf32, #tpu.memory_space<hbm>>, %arg5: memref<2x10112x32xf32, #tpu.memory_space<hbm>>, %arg6: memref<10000xi32, #tpu.memory_space<vmem>>, %arg7: memref<78x128xi32, #tpu.memory_space<vmem>>, %arg8: memref<16xi32, #tpu.memory_space<vmem>>, %arg9: memref<128x32xf32, #tpu.memory_space<vmem>>, %arg10: memref<128x32xf32, #tpu.memory_space<vmem>>, %arg11: memref<128x32xf32, #tpu.memory_space<vmem>>, %arg12: memref<128x32xf32, #tpu.memory_space<vmem>>, %arg13: memref<128x32xf32, #tpu.memory_space<vmem>>, %arg14: memref<128x32xf32, #tpu.memory_space<vmem>>, %arg15: memref<128x32xf32, #tpu.memory_space<vmem>>, %arg16: memref<128x32xf32, #tpu.memory_space<vmem>>, %arg17: memref<128x32xf32, #tpu.memory_space<vmem>>, %arg18: memref<128x32xf32, #tpu.memory_space<vmem>>, %arg19: memref<128x32xf32, #tpu.memory_space<vmem>>, %arg20: memref<128x32xf32, #tpu.memory_space<vmem>>, %arg21: memref<128x32xf32, #tpu.memory_space<vmem>>, %arg22: memref<16x32xf32, #tpu.memory_space<vmem>>, %arg23: memref<10112x32xf32, #tpu.memory_space<vmem_shared>>, %arg24: memref<!tpu.dma_semaphore, #tpu.memory_space<semaphore_mem>>, %arg25: memref<!tpu.dma_semaphore, #tpu.memory_space<semaphore_mem>>, %arg26: memref<!tpu.dma_semaphore, #tpu.memory_space<semaphore_mem>>, %arg27: memref<!tpu.dma_semaphore, #tpu.memory_space<semaphore_mem>>, %arg28: memref<!tpu.dma_semaphore, #tpu.memory_space<semaphore_mem>>, %arg29: memref<!tpu.dma_semaphore, #tpu.memory_space<semaphore_mem>>, %arg30: memref<!tpu.dma_semaphore, #tpu.memory_space<semaphore_mem>>, %arg31: memref<!tpu.dma_semaphore, #tpu.memory_space<semaphore_mem>>, %arg32: memref<!tpu.dma_semaphore, #tpu.memory_space<semaphore_mem>>, %arg33: memref<!tpu.dma_semaphore, #tpu.memory_space<semaphore_mem>>, %arg34: memref<!tpu.dma_semaphore, #tpu.memory_space<semaphore_mem>>, %arg35: memref<!tpu.dma_semaphore, #tpu.memory_space<semaphore_mem>>, %arg36: memref<!tpu.dma_semaphore, #tpu.memory_space<semaphore_mem>>, %arg37: memref<!tpu.dma_semaphore, #tpu.memory_space<semaphore_mem>>, %arg38: memref<!tpu.dma_semaphore, #tpu.memory_space<semaphore_mem>>, %arg39: memref<!tpu.dma_semaphore, #tpu.memory_space<semaphore_mem>>, %arg40: memref<!tpu.dma_semaphore, #tpu.memory_space<semaphore_mem>>, %arg41: memref<!tpu.dma_semaphore, #tpu.memory_space<semaphore_mem>>, %arg42: memref<!tpu.dma_semaphore, #tpu.memory_space<semaphore_mem>>, %arg43: memref<!tpu.dma_semaphore, #tpu.memory_space<semaphore_mem>>, %arg44: memref<!tpu.dma_semaphore, #tpu.memory_space<semaphore_mem>>, %arg45: memref<!tpu.dma_semaphore, #tpu.memory_space<semaphore_mem>>, %arg46: memref<!tpu.dma_semaphore, #tpu.memory_space<semaphore_mem>>, %arg47: memref<!tpu.dma_semaphore, #tpu.memory_space<semaphore_mem>>, %arg48: memref<!tpu.dma_semaphore, #tpu.memory_space<semaphore_mem>>, %arg49: memref<!tpu.dma_semaphore, #tpu.memory_space<semaphore_mem>>, %arg50: memref<!tpu.dma_semaphore, #tpu.memory_space<semaphore_mem>>, %arg51: memref<!tpu.dma_semaphore, #tpu.memory_space<semaphore_mem>>, %arg52: memref<!tpu.dma_semaphore, #tpu.memory_space<semaphore_mem>>) attributes {dimension_semantics = [#tpu.dimension_semantics<core_parallel>, #tpu.dimension_semantics<subcore_parallel>], iteration_bounds = array<i64: 2, 16>, scalar_prefetch = 0 : i64, scratch_operands = 47 : i64, tpu.core_type = #tpu.core_type<sc_vector_subcore>, window_params = [{transform_indices = #map}, {transform_indices = #map}, {transform_indices = #map}, {transform_indices = #map1}]} {
    %mul3A = arith.constant 16 : i32
    %mul3A_0 = arith.muli %arg0, %mul3A : i32
    %add3A = arith.addi %mul3A_0, %arg1 : i32
    %mul3A_1 = arith.constant 10000 : i32
    %mul3A_2 = arith.muli %add3A, %mul3A_1 : i32
    %mul3A_3 = arith.constant 632 : i32
    %mul3A_4 = arith.muli %arg1, %mul3A_3 : i32
    %mul3A_5 = arith.constant 632 : i32
    %mul3A_6 = arith.muli %arg1, %mul3A_5 : i32
    %dma_start3A = arith.constant 0 : i32
    %dma_start3A_7 = tpu.memref_slice %arg23[%mul3A_6, %dma_start3A] : memref<10112x32xf32, #tpu.memory_space<vmem_shared>> -> memref<632x32xf32, #tpu.memory_space<vmem_shared>>
    %dma_start3A_8 = arith.constant 0 : i32
    %dma_start3A_9 = tpu.memref_slice %arg4[%mul3A_4, %dma_start3A_8] : memref<10112x32xf32, #tpu.memory_space<hbm>> -> memref<632x32xf32, #tpu.memory_space<hbm>>
    tpu.enqueue_dma source(%dma_start3A_9 : memref<632x32xf32, #tpu.memory_space<hbm>>) target(%dma_start3A_7 : memref<632x32xf32, #tpu.memory_space<vmem_shared>>) target_semaphore(%arg24 : memref<!tpu.dma_semaphore, #tpu.memory_space<semaphore_mem>>)
    %dma_start3A_10 = arith.constant 0 : i32
    %dma_start3A_11 = tpu.memref_slice %arg3[%dma_start3A_10, %mul3A_2] : memref<2x320000xi32, #tpu.memory_space<hbm>> -> memref<1x10000xi32, #tpu.memory_space<hbm>>
    %dma_start3A_12 = tpu.memref_squeeze %dma_start3A_11 : memref<1x10000xi32, #tpu.memory_space<hbm>> -> memref<10000xi32, #tpu.memory_space<hbm>>
    %dma_start3A_13 = tpu.memref_slice %arg3[%dma_start3A_10, %mul3A_2] : memref<2x320000xi32, #tpu.memory_space<hbm>> -> memref<1x10000xi32, #tpu.memory_space<hbm>>
    %dma_start3A_14 = tpu.memref_squeeze %dma_start3A_13 : memref<1x10000xi32, #tpu.memory_space<hbm>> -> memref<10000xi32, #tpu.memory_space<hbm>>
    tpu.enqueue_dma source(%dma_start3A_14 : memref<10000xi32, #tpu.memory_space<hbm>>) target(%arg6 : memref<10000xi32, #tpu.memory_space<vmem>>) target_semaphore(%arg25 : memref<!tpu.dma_semaphore, #tpu.memory_space<semaphore_mem>>)
    %scan3A = arith.constant 0 : i32
    %scan3A_15 = arith.constant 0 : i32
    %scan3A_16 = arith.constant 78 : i32
    %scan3A_17 = arith.addi %scan3A_15, %scan3A_16 : i32
    %scan3A_18 = arith.constant 1 : i32
    scf.for %scan3A_223 = %scan3A_15 to %scan3A_17 step %scan3A_18  : i32 {
      %mul3A_224 = arith.constant 128 : i32
      %mul3A_225 = arith.muli %scan3A_223, %mul3A_224 : i32
      %add3A_226 = arith.addi %mul3A_2, %mul3A_225 : i32
      %dma_start3A_227 = arith.constant 1 : i32
      %dma_start3A_228 = arith.constant 0 : i32
      %dma_start3A_229 = tpu.memref_slice %arg7[%scan3A_223, %dma_start3A_228] : memref<78x128xi32, #tpu.memory_space<vmem>> -> memref<1x128xi32, #tpu.memory_space<vmem>>
      %dma_start3A_230 = tpu.memref_squeeze %dma_start3A_229 : memref<1x128xi32, #tpu.memory_space<vmem>> -> memref<128xi32, #tpu.memory_space<vmem>>
      %dma_start3A_231 = tpu.memref_slice %arg3[%dma_start3A_227, %add3A_226] : memref<2x320000xi32, #tpu.memory_space<hbm>> -> memref<1x128xi32, #tpu.memory_space<hbm>>
      %dma_start3A_232 = tpu.memref_squeeze %dma_start3A_231 : memref<1x128xi32, #tpu.memory_space<hbm>> -> memref<128xi32, #tpu.memory_space<hbm>>
      %dma_start3A_233 = arith.constant 0 : i32
      %dma_start3A_234 = tpu.memref_slice %arg7[%scan3A_223, %dma_start3A_233] : memref<78x128xi32, #tpu.memory_space<vmem>> -> memref<1x128xi32, #tpu.memory_space<vmem>>
      %dma_start3A_235 = tpu.memref_squeeze %dma_start3A_234 : memref<1x128xi32, #tpu.memory_space<vmem>> -> memref<128xi32, #tpu.memory_space<vmem>>
      %dma_start3A_236 = tpu.memref_slice %arg3[%dma_start3A_227, %add3A_226] : memref<2x320000xi32, #tpu.memory_space<hbm>> -> memref<1x128xi32, #tpu.memory_space<hbm>>
      %dma_start3A_237 = tpu.memref_squeeze %dma_start3A_236 : memref<1x128xi32, #tpu.memory_space<hbm>> -> memref<128xi32, #tpu.memory_space<hbm>>
      tpu.enqueue_dma source(%dma_start3A_237 : memref<128xi32, #tpu.memory_space<hbm>>) target(%dma_start3A_235 : memref<128xi32, #tpu.memory_space<vmem>>) target_semaphore(%arg26 : memref<!tpu.dma_semaphore, #tpu.memory_space<semaphore_mem>>)
    }
    %scan3A_19 = arith.constant 78 : i32
    %add3A_20 = arith.constant 9984 : i32
    %add3A_21 = arith.addi %mul3A_2, %add3A_20 : i32
    %dma_start3A_22 = arith.constant 1 : i32
    %dma_start3A_23 = tpu.memref_slice %arg3[%dma_start3A_22, %add3A_21] : memref<2x320000xi32, #tpu.memory_space<hbm>> -> memref<1x16xi32, #tpu.memory_space<hbm>>
    %dma_start3A_24 = tpu.memref_squeeze %dma_start3A_23 : memref<1x16xi32, #tpu.memory_space<hbm>> -> memref<16xi32, #tpu.memory_space<hbm>>
    %dma_start3A_25 = tpu.memref_slice %arg3[%dma_start3A_22, %add3A_21] : memref<2x320000xi32, #tpu.memory_space<hbm>> -> memref<1x16xi32, #tpu.memory_space<hbm>>
    %dma_start3A_26 = tpu.memref_squeeze %dma_start3A_25 : memref<1x16xi32, #tpu.memory_space<hbm>> -> memref<16xi32, #tpu.memory_space<hbm>>
    tpu.enqueue_dma source(%dma_start3A_26 : memref<16xi32, #tpu.memory_space<hbm>>) target(%arg8 : memref<16xi32, #tpu.memory_space<vmem>>) target_semaphore(%arg26 : memref<!tpu.dma_semaphore, #tpu.memory_space<semaphore_mem>>)
    %dma_wait3A = arith.constant 0 : i32
    %dma_wait3A_27 = tpu.memref_slice %arg3[%dma_wait3A, %mul3A_2] : memref<2x320000xi32, #tpu.memory_space<hbm>> -> memref<1x10000xi32, #tpu.memory_space<hbm>>
    %dma_wait3A_28 = tpu.memref_squeeze %dma_wait3A_27 : memref<1x10000xi32, #tpu.memory_space<hbm>> -> memref<10000xi32, #tpu.memory_space<hbm>>
    %dma_wait3A_29 = tpu.memref_slice %arg3[%dma_wait3A, %mul3A_2] : memref<2x320000xi32, #tpu.memory_space<hbm>> -> memref<1x10000xi32, #tpu.memory_space<hbm>>
    %dma_wait3A_30 = tpu.memref_squeeze %dma_wait3A_29 : memref<1x10000xi32, #tpu.memory_space<hbm>> -> memref<10000xi32, #tpu.memory_space<hbm>>
    tpu.wait_dma2 semaphore(%arg25 : memref<!tpu.dma_semaphore, #tpu.memory_space<semaphore_mem>>) src(%dma_wait3A_30 : memref<10000xi32, #tpu.memory_space<hbm>>) dst(%arg6 : memref<10000xi32, #tpu.memory_space<vmem>>)
    %dma_start3A_31 = arith.constant 0 : i32
    %dma_start3A_32 = tpu.memref_slice %arg6[%dma_start3A_31] : memref<10000xi32, #tpu.memory_space<vmem>> -> memref<128xi32, #tpu.memory_space<vmem>>
    %dma_start3A_33 = arith.constant 0 : i32
    %dma_start3A_34 = arith.constant 0 : i32
    %dma_start3A_35 = tpu.memref_slice %arg2[%dma_start3A_33, %dma_start3A_34] : memref<10000x32xf32, #tpu.memory_space<hbm>> -> memref<10000x32xf32, #tpu.memory_space<hbm>>
    tpu.enqueue_indirect_dma source(%dma_start3A_35 : memref<10000x32xf32, #tpu.memory_space<hbm>>) target(%arg9 : memref<128x32xf32, #tpu.memory_space<vmem>>) offsets(%dma_start3A_32 : memref<128xi32, #tpu.memory_space<vmem>>) semaphore(%arg27 : memref<!tpu.dma_semaphore, #tpu.memory_space<semaphore_mem>>)
    %dma_start3A_36 = arith.constant 128 : i32
    %dma_start3A_37 = tpu.memref_slice %arg6[%dma_start3A_36] : memref<10000xi32, #tpu.memory_space<vmem>> -> memref<128xi32, #tpu.memory_space<vmem>>
    %dma_start3A_38 = arith.constant 0 : i32
    %dma_start3A_39 = arith.constant 0 : i32
    %dma_start3A_40 = tpu.memref_slice %arg2[%dma_start3A_38, %dma_start3A_39] : memref<10000x32xf32, #tpu.memory_space<hbm>> -> memref<10000x32xf32, #tpu.memory_space<hbm>>
    tpu.enqueue_indirect_dma source(%dma_start3A_40 : memref<10000x32xf32, #tpu.memory_space<hbm>>) target(%arg10 : memref<128x32xf32, #tpu.memory_space<vmem>>) offsets(%dma_start3A_37 : memref<128xi32, #tpu.memory_space<vmem>>) semaphore(%arg28 : memref<!tpu.dma_semaphore, #tpu.memory_space<semaphore_mem>>)
    %dma_start3A_41 = arith.constant 256 : i32
    %dma_start3A_42 = tpu.memref_slice %arg6[%dma_start3A_41] : memref<10000xi32, #tpu.memory_space<vmem>> -> memref<128xi32, #tpu.memory_space<vmem>>
    %dma_start3A_43 = arith.constant 0 : i32
    %dma_start3A_44 = arith.constant 0 : i32
    %dma_start3A_45 = tpu.memref_slice %arg2[%dma_start3A_43, %dma_start3A_44] : memref<10000x32xf32, #tpu.memory_space<hbm>> -> memref<10000x32xf32, #tpu.memory_space<hbm>>
    tpu.enqueue_indirect_dma source(%dma_start3A_45 : memref<10000x32xf32, #tpu.memory_space<hbm>>) target(%arg11 : memref<128x32xf32, #tpu.memory_space<vmem>>) offsets(%dma_start3A_42 : memref<128xi32, #tpu.memory_space<vmem>>) semaphore(%arg29 : memref<!tpu.dma_semaphore, #tpu.memory_space<semaphore_mem>>)
    %dma_start3A_46 = arith.constant 384 : i32
    %dma_start3A_47 = tpu.memref_slice %arg6[%dma_start3A_46] : memref<10000xi32, #tpu.memory_space<vmem>> -> memref<128xi32, #tpu.memory_space<vmem>>
    %dma_start3A_48 = arith.constant 0 : i32
    %dma_start3A_49 = arith.constant 0 : i32
    %dma_start3A_50 = tpu.memref_slice %arg2[%dma_start3A_48, %dma_start3A_49] : memref<10000x32xf32, #tpu.memory_space<hbm>> -> memref<10000x32xf32, #tpu.memory_space<hbm>>
    tpu.enqueue_indirect_dma source(%dma_start3A_50 : memref<10000x32xf32, #tpu.memory_space<hbm>>) target(%arg12 : memref<128x32xf32, #tpu.memory_space<vmem>>) offsets(%dma_start3A_47 : memref<128xi32, #tpu.memory_space<vmem>>) semaphore(%arg30 : memref<!tpu.dma_semaphore, #tpu.memory_space<semaphore_mem>>)
    %dma_start3A_51 = arith.constant 512 : i32
    %dma_start3A_52 = tpu.memref_slice %arg6[%dma_start3A_51] : memref<10000xi32, #tpu.memory_space<vmem>> -> memref<128xi32, #tpu.memory_space<vmem>>
    %dma_start3A_53 = arith.constant 0 : i32
    %dma_start3A_54 = arith.constant 0 : i32
    %dma_start3A_55 = tpu.memref_slice %arg2[%dma_start3A_53, %dma_start3A_54] : memref<10000x32xf32, #tpu.memory_space<hbm>> -> memref<10000x32xf32, #tpu.memory_space<hbm>>
    tpu.enqueue_indirect_dma source(%dma_start3A_55 : memref<10000x32xf32, #tpu.memory_space<hbm>>) target(%arg13 : memref<128x32xf32, #tpu.memory_space<vmem>>) offsets(%dma_start3A_52 : memref<128xi32, #tpu.memory_space<vmem>>) semaphore(%arg31 : memref<!tpu.dma_semaphore, #tpu.memory_space<semaphore_mem>>)
    %dma_start3A_56 = arith.constant 640 : i32
    %dma_start3A_57 = tpu.memref_slice %arg6[%dma_start3A_56] : memref<10000xi32, #tpu.memory_space<vmem>> -> memref<128xi32, #tpu.memory_space<vmem>>
    %dma_start3A_58 = arith.constant 0 : i32
    %dma_start3A_59 = arith.constant 0 : i32
    %dma_start3A_60 = tpu.memref_slice %arg2[%dma_start3A_58, %dma_start3A_59] : memref<10000x32xf32, #tpu.memory_space<hbm>> -> memref<10000x32xf32, #tpu.memory_space<hbm>>
    tpu.enqueue_indirect_dma source(%dma_start3A_60 : memref<10000x32xf32, #tpu.memory_space<hbm>>) target(%arg14 : memref<128x32xf32, #tpu.memory_space<vmem>>) offsets(%dma_start3A_57 : memref<128xi32, #tpu.memory_space<vmem>>) semaphore(%arg32 : memref<!tpu.dma_semaphore, #tpu.memory_space<semaphore_mem>>)
    %dma_start3A_61 = arith.constant 768 : i32
    %dma_start3A_62 = tpu.memref_slice %arg6[%dma_start3A_61] : memref<10000xi32, #tpu.memory_space<vmem>> -> memref<128xi32, #tpu.memory_space<vmem>>
    %dma_start3A_63 = arith.constant 0 : i32
    %dma_start3A_64 = arith.constant 0 : i32
    %dma_start3A_65 = tpu.memref_slice %arg2[%dma_start3A_63, %dma_start3A_64] : memref<10000x32xf32, #tpu.memory_space<hbm>> -> memref<10000x32xf32, #tpu.memory_space<hbm>>
    tpu.enqueue_indirect_dma source(%dma_start3A_65 : memref<10000x32xf32, #tpu.memory_space<hbm>>) target(%arg15 : memref<128x32xf32, #tpu.memory_space<vmem>>) offsets(%dma_start3A_62 : memref<128xi32, #tpu.memory_space<vmem>>) semaphore(%arg33 : memref<!tpu.dma_semaphore, #tpu.memory_space<semaphore_mem>>)
    %dma_start3A_66 = arith.constant 896 : i32
    %dma_start3A_67 = tpu.memref_slice %arg6[%dma_start3A_66] : memref<10000xi32, #tpu.memory_space<vmem>> -> memref<128xi32, #tpu.memory_space<vmem>>
    %dma_start3A_68 = arith.constant 0 : i32
    %dma_start3A_69 = arith.constant 0 : i32
    %dma_start3A_70 = tpu.memref_slice %arg2[%dma_start3A_68, %dma_start3A_69] : memref<10000x32xf32, #tpu.memory_space<hbm>> -> memref<10000x32xf32, #tpu.memory_space<hbm>>
    tpu.enqueue_indirect_dma source(%dma_start3A_70 : memref<10000x32xf32, #tpu.memory_space<hbm>>) target(%arg16 : memref<128x32xf32, #tpu.memory_space<vmem>>) offsets(%dma_start3A_67 : memref<128xi32, #tpu.memory_space<vmem>>) semaphore(%arg34 : memref<!tpu.dma_semaphore, #tpu.memory_space<semaphore_mem>>)
    %dma_start3A_71 = arith.constant 1024 : i32
    %dma_start3A_72 = tpu.memref_slice %arg6[%dma_start3A_71] : memref<10000xi32, #tpu.memory_space<vmem>> -> memref<128xi32, #tpu.memory_space<vmem>>
    %dma_start3A_73 = arith.constant 0 : i32
    %dma_start3A_74 = arith.constant 0 : i32
    %dma_start3A_75 = tpu.memref_slice %arg2[%dma_start3A_73, %dma_start3A_74] : memref<10000x32xf32, #tpu.memory_space<hbm>> -> memref<10000x32xf32, #tpu.memory_space<hbm>>
    tpu.enqueue_indirect_dma source(%dma_start3A_75 : memref<10000x32xf32, #tpu.memory_space<hbm>>) target(%arg17 : memref<128x32xf32, #tpu.memory_space<vmem>>) offsets(%dma_start3A_72 : memref<128xi32, #tpu.memory_space<vmem>>) semaphore(%arg35 : memref<!tpu.dma_semaphore, #tpu.memory_space<semaphore_mem>>)
    %dma_start3A_76 = arith.constant 1152 : i32
    %dma_start3A_77 = tpu.memref_slice %arg6[%dma_start3A_76] : memref<10000xi32, #tpu.memory_space<vmem>> -> memref<128xi32, #tpu.memory_space<vmem>>
    %dma_start3A_78 = arith.constant 0 : i32
    %dma_start3A_79 = arith.constant 0 : i32
    %dma_start3A_80 = tpu.memref_slice %arg2[%dma_start3A_78, %dma_start3A_79] : memref<10000x32xf32, #tpu.memory_space<hbm>> -> memref<10000x32xf32, #tpu.memory_space<hbm>>
    tpu.enqueue_indirect_dma source(%dma_start3A_80 : memref<10000x32xf32, #tpu.memory_space<hbm>>) target(%arg18 : memref<128x32xf32, #tpu.memory_space<vmem>>) offsets(%dma_start3A_77 : memref<128xi32, #tpu.memory_space<vmem>>) semaphore(%arg36 : memref<!tpu.dma_semaphore, #tpu.memory_space<semaphore_mem>>)
    %dma_start3A_81 = arith.constant 1280 : i32
    %dma_start3A_82 = tpu.memref_slice %arg6[%dma_start3A_81] : memref<10000xi32, #tpu.memory_space<vmem>> -> memref<128xi32, #tpu.memory_space<vmem>>
    %dma_start3A_83 = arith.constant 0 : i32
    %dma_start3A_84 = arith.constant 0 : i32
    %dma_start3A_85 = tpu.memref_slice %arg2[%dma_start3A_83, %dma_start3A_84] : memref<10000x32xf32, #tpu.memory_space<hbm>> -> memref<10000x32xf32, #tpu.memory_space<hbm>>
    tpu.enqueue_indirect_dma source(%dma_start3A_85 : memref<10000x32xf32, #tpu.memory_space<hbm>>) target(%arg19 : memref<128x32xf32, #tpu.memory_space<vmem>>) offsets(%dma_start3A_82 : memref<128xi32, #tpu.memory_space<vmem>>) semaphore(%arg37 : memref<!tpu.dma_semaphore, #tpu.memory_space<semaphore_mem>>)
    %dma_start3A_86 = arith.constant 1408 : i32
    %dma_start3A_87 = tpu.memref_slice %arg6[%dma_start3A_86] : memref<10000xi32, #tpu.memory_space<vmem>> -> memref<128xi32, #tpu.memory_space<vmem>>
    %dma_start3A_88 = arith.constant 0 : i32
    %dma_start3A_89 = arith.constant 0 : i32
    %dma_start3A_90 = tpu.memref_slice %arg2[%dma_start3A_88, %dma_start3A_89] : memref<10000x32xf32, #tpu.memory_space<hbm>> -> memref<10000x32xf32, #tpu.memory_space<hbm>>
    tpu.enqueue_indirect_dma source(%dma_start3A_90 : memref<10000x32xf32, #tpu.memory_space<hbm>>) target(%arg20 : memref<128x32xf32, #tpu.memory_space<vmem>>) offsets(%dma_start3A_87 : memref<128xi32, #tpu.memory_space<vmem>>) semaphore(%arg38 : memref<!tpu.dma_semaphore, #tpu.memory_space<semaphore_mem>>)
    %dma_start3A_91 = arith.constant 1536 : i32
    %dma_start3A_92 = tpu.memref_slice %arg6[%dma_start3A_91] : memref<10000xi32, #tpu.memory_space<vmem>> -> memref<128xi32, #tpu.memory_space<vmem>>
    %dma_start3A_93 = arith.constant 0 : i32
    %dma_start3A_94 = arith.constant 0 : i32
    %dma_start3A_95 = tpu.memref_slice %arg2[%dma_start3A_93, %dma_start3A_94] : memref<10000x32xf32, #tpu.memory_space<hbm>> -> memref<10000x32xf32, #tpu.memory_space<hbm>>
    tpu.enqueue_indirect_dma source(%dma_start3A_95 : memref<10000x32xf32, #tpu.memory_space<hbm>>) target(%arg21 : memref<128x32xf32, #tpu.memory_space<vmem>>) offsets(%dma_start3A_92 : memref<128xi32, #tpu.memory_space<vmem>>) semaphore(%arg39 : memref<!tpu.dma_semaphore, #tpu.memory_space<semaphore_mem>>)
    %dma_start3A_96 = arith.constant 9984 : i32
    %dma_start3A_97 = tpu.memref_slice %arg6[%dma_start3A_96] : memref<10000xi32, #tpu.memory_space<vmem>> -> memref<16xi32, #tpu.memory_space<vmem>>
    %dma_start3A_98 = arith.constant 0 : i32
    %dma_start3A_99 = arith.constant 0 : i32
    %dma_start3A_100 = tpu.memref_slice %arg2[%dma_start3A_98, %dma_start3A_99] : memref<10000x32xf32, #tpu.memory_space<hbm>> -> memref<10000x32xf32, #tpu.memory_space<hbm>>
    tpu.enqueue_indirect_dma source(%dma_start3A_100 : memref<10000x32xf32, #tpu.memory_space<hbm>>) target(%arg22 : memref<16x32xf32, #tpu.memory_space<vmem>>) offsets(%dma_start3A_97 : memref<16xi32, #tpu.memory_space<vmem>>) semaphore(%arg25 : memref<!tpu.dma_semaphore, #tpu.memory_space<semaphore_mem>>)
    %scan3A_101 = arith.constant 0 : i32
    %scan3A_102 = arith.constant 0 : i32
    %scan3A_103 = arith.constant 78 : i32
    %scan3A_104 = arith.addi %scan3A_102, %scan3A_103 : i32
    %scan3A_105 = arith.constant 1 : i32
    scf.for %scan3A_223 = %scan3A_102 to %scan3A_104 step %scan3A_105  : i32 {
      %mul3A_224 = arith.constant 128 : i32
      %mul3A_225 = arith.muli %scan3A_223, %mul3A_224 : i32
      %add3A_226 = arith.addi %mul3A_2, %mul3A_225 : i32
      %dma_wait3A_227 = arith.constant 1 : i32
      %dma_wait3A_228 = arith.constant 0 : i32
      %dma_wait3A_229 = tpu.memref_slice %arg7[%scan3A_223, %dma_wait3A_228] : memref<78x128xi32, #tpu.memory_space<vmem>> -> memref<1x128xi32, #tpu.memory_space<vmem>>
      %dma_wait3A_230 = tpu.memref_squeeze %dma_wait3A_229 : memref<1x128xi32, #tpu.memory_space<vmem>> -> memref<128xi32, #tpu.memory_space<vmem>>
      %dma_wait3A_231 = tpu.memref_slice %arg3[%dma_wait3A_227, %add3A_226] : memref<2x320000xi32, #tpu.memory_space<hbm>> -> memref<1x128xi32, #tpu.memory_space<hbm>>
      %dma_wait3A_232 = tpu.memref_squeeze %dma_wait3A_231 : memref<1x128xi32, #tpu.memory_space<hbm>> -> memref<128xi32, #tpu.memory_space<hbm>>
      %dma_wait3A_233 = arith.constant 0 : i32
      %dma_wait3A_234 = tpu.memref_slice %arg7[%scan3A_223, %dma_wait3A_233] : memref<78x128xi32, #tpu.memory_space<vmem>> -> memref<1x128xi32, #tpu.memory_space<vmem>>
      %dma_wait3A_235 = tpu.memref_squeeze %dma_wait3A_234 : memref<1x128xi32, #tpu.memory_space<vmem>> -> memref<128xi32, #tpu.memory_space<vmem>>
      %dma_wait3A_236 = tpu.memref_slice %arg3[%dma_wait3A_227, %add3A_226] : memref<2x320000xi32, #tpu.memory_space<hbm>> -> memref<1x128xi32, #tpu.memory_space<hbm>>
      %dma_wait3A_237 = tpu.memref_squeeze %dma_wait3A_236 : memref<1x128xi32, #tpu.memory_space<hbm>> -> memref<128xi32, #tpu.memory_space<hbm>>
      tpu.wait_dma2 semaphore(%arg26 : memref<!tpu.dma_semaphore, #tpu.memory_space<semaphore_mem>>) src(%dma_wait3A_237 : memref<128xi32, #tpu.memory_space<hbm>>) dst(%dma_wait3A_235 : memref<128xi32, #tpu.memory_space<vmem>>)
    }
    %scan3A_106 = arith.constant 78 : i32
    %dma_wait3A_107 = arith.constant 1 : i32
    %dma_wait3A_108 = tpu.memref_slice %arg3[%dma_wait3A_107, %add3A_21] : memref<2x320000xi32, #tpu.memory_space<hbm>> -> memref<1x16xi32, #tpu.memory_space<hbm>>
    %dma_wait3A_109 = tpu.memref_squeeze %dma_wait3A_108 : memref<1x16xi32, #tpu.memory_space<hbm>> -> memref<16xi32, #tpu.memory_space<hbm>>
    %dma_wait3A_110 = tpu.memref_slice %arg3[%dma_wait3A_107, %add3A_21] : memref<2x320000xi32, #tpu.memory_space<hbm>> -> memref<1x16xi32, #tpu.memory_space<hbm>>
    %dma_wait3A_111 = tpu.memref_squeeze %dma_wait3A_110 : memref<1x16xi32, #tpu.memory_space<hbm>> -> memref<16xi32, #tpu.memory_space<hbm>>
    tpu.wait_dma2 semaphore(%arg26 : memref<!tpu.dma_semaphore, #tpu.memory_space<semaphore_mem>>) src(%dma_wait3A_111 : memref<16xi32, #tpu.memory_space<hbm>>) dst(%arg8 : memref<16xi32, #tpu.memory_space<vmem>>)
    %dma_wait3A_112 = arith.constant 0 : i32
    %dma_wait3A_113 = tpu.memref_slice %arg23[%mul3A_6, %dma_wait3A_112] : memref<10112x32xf32, #tpu.memory_space<vmem_shared>> -> memref<632x32xf32, #tpu.memory_space<vmem_shared>>
    %dma_wait3A_114 = arith.constant 0 : i32
    %dma_wait3A_115 = tpu.memref_slice %arg4[%mul3A_4, %dma_wait3A_114] : memref<10112x32xf32, #tpu.memory_space<hbm>> -> memref<632x32xf32, #tpu.memory_space<hbm>>
    tpu.wait_dma2 semaphore(%arg24 : memref<!tpu.dma_semaphore, #tpu.memory_space<semaphore_mem>>) src(%dma_wait3A_115 : memref<632x32xf32, #tpu.memory_space<hbm>>) dst(%dma_wait3A_113 : memref<632x32xf32, #tpu.memory_space<vmem_shared>>)
    %barrier3A = arith.constant 0 : index
    tpu.barrier barrier_id(%barrier3A)
    %scan3A_116 = arith.constant 0 : i32
    %scan3A_117 = arith.constant 0 : i32
    %scan3A_118 = arith.constant 6 : i32
    %scan3A_119 = arith.addi %scan3A_117, %scan3A_118 : i32
    %scan3A_120 = arith.constant 1 : i32
    scf.for %scan3A_223 = %scan3A_117 to %scan3A_119 step %scan3A_120  : i32 {
      %mul3A_224 = arith.constant 13 : i32
      %mul3A_225 = arith.muli %mul3A_224, %scan3A_223 : i32
      %add3A_226 = arith.constant 0 : i32
      %add3A_227 = arith.addi %mul3A_225, %add3A_226 : i32
      %mul3A_228 = arith.constant 128 : i32
      %mul3A_229 = arith.muli %add3A_227, %mul3A_228 : i32
      %dma_wait3A_230 = tpu.memref_slice %arg6[%mul3A_229] : memref<10000xi32, #tpu.memory_space<vmem>> -> memref<128xi32, #tpu.memory_space<vmem>>
      %dma_wait3A_231 = arith.constant 0 : i32
      %dma_wait3A_232 = arith.constant 0 : i32
      %dma_wait3A_233 = tpu.memref_slice %arg2[%dma_wait3A_231, %dma_wait3A_232] : memref<10000x32xf32, #tpu.memory_space<hbm>> -> memref<10000x32xf32, #tpu.memory_space<hbm>>
      tpu.wait_indirect_dma semaphore(%arg27 : memref<!tpu.dma_semaphore, #tpu.memory_space<semaphore_mem>>) src(%dma_wait3A_233 : memref<10000x32xf32, #tpu.memory_space<hbm>>) dst(%arg9 : memref<128x32xf32, #tpu.memory_space<vmem>>)
      %add3A_234 = arith.constant 0 : i32
      %add3A_235 = arith.addi %mul3A_225, %add3A_234 : i32
      %dma_start3A_236 = arith.constant 0 : i32
      %dma_start3A_237 = tpu.memref_slice %arg7[%add3A_235, %dma_start3A_236] : memref<78x128xi32, #tpu.memory_space<vmem>> -> memref<1x128xi32, #tpu.memory_space<vmem>>
      %dma_start3A_238 = tpu.memref_squeeze %dma_start3A_237 : memref<1x128xi32, #tpu.memory_space<vmem>> -> memref<128xi32, #tpu.memory_space<vmem>>
      %dma_start3A_239 = arith.constant 0 : i32
      %dma_start3A_240 = arith.constant 0 : i32
      %dma_start3A_241 = tpu.memref_slice %arg23[%dma_start3A_239, %dma_start3A_240] : memref<10112x32xf32, #tpu.memory_space<vmem_shared>> -> memref<10112x32xf32, #tpu.memory_space<vmem_shared>>
      tpu.enqueue_indirect_dma source(%arg9 : memref<128x32xf32, #tpu.memory_space<vmem>>) target(%dma_start3A_241 : memref<10112x32xf32, #tpu.memory_space<vmem_shared>>) offsets(%dma_start3A_238 : memref<128xi32, #tpu.memory_space<vmem>>) semaphore(%arg40 : memref<!tpu.dma_semaphore, #tpu.memory_space<semaphore_mem>>) {add = true}
      %add3A_242 = arith.constant 1 : i32
      %add3A_243 = arith.addi %mul3A_225, %add3A_242 : i32
      %mul3A_244 = arith.constant 128 : i32
      %mul3A_245 = arith.muli %add3A_243, %mul3A_244 : i32
      %dma_wait3A_246 = tpu.memref_slice %arg6[%mul3A_245] : memref<10000xi32, #tpu.memory_space<vmem>> -> memref<128xi32, #tpu.memory_space<vmem>>
      %dma_wait3A_247 = arith.constant 0 : i32
      %dma_wait3A_248 = arith.constant 0 : i32
      %dma_wait3A_249 = tpu.memref_slice %arg2[%dma_wait3A_247, %dma_wait3A_248] : memref<10000x32xf32, #tpu.memory_space<hbm>> -> memref<10000x32xf32, #tpu.memory_space<hbm>>
      tpu.wait_indirect_dma semaphore(%arg28 : memref<!tpu.dma_semaphore, #tpu.memory_space<semaphore_mem>>) src(%dma_wait3A_249 : memref<10000x32xf32, #tpu.memory_space<hbm>>) dst(%arg10 : memref<128x32xf32, #tpu.memory_space<vmem>>)
      %add3A_250 = arith.constant 1 : i32
      %add3A_251 = arith.addi %mul3A_225, %add3A_250 : i32
      %dma_start3A_252 = arith.constant 0 : i32
      %dma_start3A_253 = tpu.memref_slice %arg7[%add3A_251, %dma_start3A_252] : memref<78x128xi32, #tpu.memory_space<vmem>> -> memref<1x128xi32, #tpu.memory_space<vmem>>
      %dma_start3A_254 = tpu.memref_squeeze %dma_start3A_253 : memref<1x128xi32, #tpu.memory_space<vmem>> -> memref<128xi32, #tpu.memory_space<vmem>>
      %dma_start3A_255 = arith.constant 0 : i32
      %dma_start3A_256 = arith.constant 0 : i32
      %dma_start3A_257 = tpu.memref_slice %arg23[%dma_start3A_255, %dma_start3A_256] : memref<10112x32xf32, #tpu.memory_space<vmem_shared>> -> memref<10112x32xf32, #tpu.memory_space<vmem_shared>>
      tpu.enqueue_indirect_dma source(%arg10 : memref<128x32xf32, #tpu.memory_space<vmem>>) target(%dma_start3A_257 : memref<10112x32xf32, #tpu.memory_space<vmem_shared>>) offsets(%dma_start3A_254 : memref<128xi32, #tpu.memory_space<vmem>>) semaphore(%arg41 : memref<!tpu.dma_semaphore, #tpu.memory_space<semaphore_mem>>) {add = true}
      %add3A_258 = arith.constant 2 : i32
      %add3A_259 = arith.addi %mul3A_225, %add3A_258 : i32
      %mul3A_260 = arith.constant 128 : i32
      %mul3A_261 = arith.muli %add3A_259, %mul3A_260 : i32
      %dma_wait3A_262 = tpu.memref_slice %arg6[%mul3A_261] : memref<10000xi32, #tpu.memory_space<vmem>> -> memref<128xi32, #tpu.memory_space<vmem>>
      %dma_wait3A_263 = arith.constant 0 : i32
      %dma_wait3A_264 = arith.constant 0 : i32
      %dma_wait3A_265 = tpu.memref_slice %arg2[%dma_wait3A_263, %dma_wait3A_264] : memref<10000x32xf32, #tpu.memory_space<hbm>> -> memref<10000x32xf32, #tpu.memory_space<hbm>>
      tpu.wait_indirect_dma semaphore(%arg29 : memref<!tpu.dma_semaphore, #tpu.memory_space<semaphore_mem>>) src(%dma_wait3A_265 : memref<10000x32xf32, #tpu.memory_space<hbm>>) dst(%arg11 : memref<128x32xf32, #tpu.memory_space<vmem>>)
      %add3A_266 = arith.constant 2 : i32
      %add3A_267 = arith.addi %mul3A_225, %add3A_266 : i32
      %dma_start3A_268 = arith.constant 0 : i32
      %dma_start3A_269 = tpu.memref_slice %arg7[%add3A_267, %dma_start3A_268] : memref<78x128xi32, #tpu.memory_space<vmem>> -> memref<1x128xi32, #tpu.memory_space<vmem>>
      %dma_start3A_270 = tpu.memref_squeeze %dma_start3A_269 : memref<1x128xi32, #tpu.memory_space<vmem>> -> memref<128xi32, #tpu.memory_space<vmem>>
      %dma_start3A_271 = arith.constant 0 : i32
      %dma_start3A_272 = arith.constant 0 : i32
      %dma_start3A_273 = tpu.memref_slice %arg23[%dma_start3A_271, %dma_start3A_272] : memref<10112x32xf32, #tpu.memory_space<vmem_shared>> -> memref<10112x32xf32, #tpu.memory_space<vmem_shared>>
      tpu.enqueue_indirect_dma source(%arg11 : memref<128x32xf32, #tpu.memory_space<vmem>>) target(%dma_start3A_273 : memref<10112x32xf32, #tpu.memory_space<vmem_shared>>) offsets(%dma_start3A_270 : memref<128xi32, #tpu.memory_space<vmem>>) semaphore(%arg42 : memref<!tpu.dma_semaphore, #tpu.memory_space<semaphore_mem>>) {add = true}
      %add3A_274 = arith.constant 3 : i32
      %add3A_275 = arith.addi %mul3A_225, %add3A_274 : i32
      %mul3A_276 = arith.constant 128 : i32
      %mul3A_277 = arith.muli %add3A_275, %mul3A_276 : i32
      %dma_wait3A_278 = tpu.memref_slice %arg6[%mul3A_277] : memref<10000xi32, #tpu.memory_space<vmem>> -> memref<128xi32, #tpu.memory_space<vmem>>
      %dma_wait3A_279 = arith.constant 0 : i32
      %dma_wait3A_280 = arith.constant 0 : i32
      %dma_wait3A_281 = tpu.memref_slice %arg2[%dma_wait3A_279, %dma_wait3A_280] : memref<10000x32xf32, #tpu.memory_space<hbm>> -> memref<10000x32xf32, #tpu.memory_space<hbm>>
      tpu.wait_indirect_dma semaphore(%arg30 : memref<!tpu.dma_semaphore, #tpu.memory_space<semaphore_mem>>) src(%dma_wait3A_281 : memref<10000x32xf32, #tpu.memory_space<hbm>>) dst(%arg12 : memref<128x32xf32, #tpu.memory_space<vmem>>)
      %add3A_282 = arith.constant 3 : i32
      %add3A_283 = arith.addi %mul3A_225, %add3A_282 : i32
      %dma_start3A_284 = arith.constant 0 : i32
      %dma_start3A_285 = tpu.memref_slice %arg7[%add3A_283, %dma_start3A_284] : memref<78x128xi32, #tpu.memory_space<vmem>> -> memref<1x128xi32, #tpu.memory_space<vmem>>
      %dma_start3A_286 = tpu.memref_squeeze %dma_start3A_285 : memref<1x128xi32, #tpu.memory_space<vmem>> -> memref<128xi32, #tpu.memory_space<vmem>>
      %dma_start3A_287 = arith.constant 0 : i32
      %dma_start3A_288 = arith.constant 0 : i32
      %dma_start3A_289 = tpu.memref_slice %arg23[%dma_start3A_287, %dma_start3A_288] : memref<10112x32xf32, #tpu.memory_space<vmem_shared>> -> memref<10112x32xf32, #tpu.memory_space<vmem_shared>>
      tpu.enqueue_indirect_dma source(%arg12 : memref<128x32xf32, #tpu.memory_space<vmem>>) target(%dma_start3A_289 : memref<10112x32xf32, #tpu.memory_space<vmem_shared>>) offsets(%dma_start3A_286 : memref<128xi32, #tpu.memory_space<vmem>>) semaphore(%arg43 : memref<!tpu.dma_semaphore, #tpu.memory_space<semaphore_mem>>) {add = true}
      %add3A_290 = arith.constant 4 : i32
      %add3A_291 = arith.addi %mul3A_225, %add3A_290 : i32
      %mul3A_292 = arith.constant 128 : i32
      %mul3A_293 = arith.muli %add3A_291, %mul3A_292 : i32
      %dma_wait3A_294 = tpu.memref_slice %arg6[%mul3A_293] : memref<10000xi32, #tpu.memory_space<vmem>> -> memref<128xi32, #tpu.memory_space<vmem>>
      %dma_wait3A_295 = arith.constant 0 : i32
      %dma_wait3A_296 = arith.constant 0 : i32
      %dma_wait3A_297 = tpu.memref_slice %arg2[%dma_wait3A_295, %dma_wait3A_296] : memref<10000x32xf32, #tpu.memory_space<hbm>> -> memref<10000x32xf32, #tpu.memory_space<hbm>>
      tpu.wait_indirect_dma semaphore(%arg31 : memref<!tpu.dma_semaphore, #tpu.memory_space<semaphore_mem>>) src(%dma_wait3A_297 : memref<10000x32xf32, #tpu.memory_space<hbm>>) dst(%arg13 : memref<128x32xf32, #tpu.memory_space<vmem>>)
      %add3A_298 = arith.constant 4 : i32
      %add3A_299 = arith.addi %mul3A_225, %add3A_298 : i32
      %dma_start3A_300 = arith.constant 0 : i32
      %dma_start3A_301 = tpu.memref_slice %arg7[%add3A_299, %dma_start3A_300] : memref<78x128xi32, #tpu.memory_space<vmem>> -> memref<1x128xi32, #tpu.memory_space<vmem>>
      %dma_start3A_302 = tpu.memref_squeeze %dma_start3A_301 : memref<1x128xi32, #tpu.memory_space<vmem>> -> memref<128xi32, #tpu.memory_space<vmem>>
      %dma_start3A_303 = arith.constant 0 : i32
      %dma_start3A_304 = arith.constant 0 : i32
      %dma_start3A_305 = tpu.memref_slice %arg23[%dma_start3A_303, %dma_start3A_304] : memref<10112x32xf32, #tpu.memory_space<vmem_shared>> -> memref<10112x32xf32, #tpu.memory_space<vmem_shared>>
      tpu.enqueue_indirect_dma source(%arg13 : memref<128x32xf32, #tpu.memory_space<vmem>>) target(%dma_start3A_305 : memref<10112x32xf32, #tpu.memory_space<vmem_shared>>) offsets(%dma_start3A_302 : memref<128xi32, #tpu.memory_space<vmem>>) semaphore(%arg44 : memref<!tpu.dma_semaphore, #tpu.memory_space<semaphore_mem>>) {add = true}
      %add3A_306 = arith.constant 5 : i32
      %add3A_307 = arith.addi %mul3A_225, %add3A_306 : i32
      %mul3A_308 = arith.constant 128 : i32
      %mul3A_309 = arith.muli %add3A_307, %mul3A_308 : i32
      %dma_wait3A_310 = tpu.memref_slice %arg6[%mul3A_309] : memref<10000xi32, #tpu.memory_space<vmem>> -> memref<128xi32, #tpu.memory_space<vmem>>
      %dma_wait3A_311 = arith.constant 0 : i32
      %dma_wait3A_312 = arith.constant 0 : i32
      %dma_wait3A_313 = tpu.memref_slice %arg2[%dma_wait3A_311, %dma_wait3A_312] : memref<10000x32xf32, #tpu.memory_space<hbm>> -> memref<10000x32xf32, #tpu.memory_space<hbm>>
      tpu.wait_indirect_dma semaphore(%arg32 : memref<!tpu.dma_semaphore, #tpu.memory_space<semaphore_mem>>) src(%dma_wait3A_313 : memref<10000x32xf32, #tpu.memory_space<hbm>>) dst(%arg14 : memref<128x32xf32, #tpu.memory_space<vmem>>)
      %add3A_314 = arith.constant 5 : i32
      %add3A_315 = arith.addi %mul3A_225, %add3A_314 : i32
      %dma_start3A_316 = arith.constant 0 : i32
      %dma_start3A_317 = tpu.memref_slice %arg7[%add3A_315, %dma_start3A_316] : memref<78x128xi32, #tpu.memory_space<vmem>> -> memref<1x128xi32, #tpu.memory_space<vmem>>
      %dma_start3A_318 = tpu.memref_squeeze %dma_start3A_317 : memref<1x128xi32, #tpu.memory_space<vmem>> -> memref<128xi32, #tpu.memory_space<vmem>>
      %dma_start3A_319 = arith.constant 0 : i32
      %dma_start3A_320 = arith.constant 0 : i32
      %dma_start3A_321 = tpu.memref_slice %arg23[%dma_start3A_319, %dma_start3A_320] : memref<10112x32xf32, #tpu.memory_space<vmem_shared>> -> memref<10112x32xf32, #tpu.memory_space<vmem_shared>>
      tpu.enqueue_indirect_dma source(%arg14 : memref<128x32xf32, #tpu.memory_space<vmem>>) target(%dma_start3A_321 : memref<10112x32xf32, #tpu.memory_space<vmem_shared>>) offsets(%dma_start3A_318 : memref<128xi32, #tpu.memory_space<vmem>>) semaphore(%arg45 : memref<!tpu.dma_semaphore, #tpu.memory_space<semaphore_mem>>) {add = true}
      %add3A_322 = arith.constant 6 : i32
      %add3A_323 = arith.addi %mul3A_225, %add3A_322 : i32
      %mul3A_324 = arith.constant 128 : i32
      %mul3A_325 = arith.muli %add3A_323, %mul3A_324 : i32
      %dma_wait3A_326 = tpu.memref_slice %arg6[%mul3A_325] : memref<10000xi32, #tpu.memory_space<vmem>> -> memref<128xi32, #tpu.memory_space<vmem>>
      %dma_wait3A_327 = arith.constant 0 : i32
      %dma_wait3A_328 = arith.constant 0 : i32
      %dma_wait3A_329 = tpu.memref_slice %arg2[%dma_wait3A_327, %dma_wait3A_328] : memref<10000x32xf32, #tpu.memory_space<hbm>> -> memref<10000x32xf32, #tpu.memory_space<hbm>>
      tpu.wait_indirect_dma semaphore(%arg33 : memref<!tpu.dma_semaphore, #tpu.memory_space<semaphore_mem>>) src(%dma_wait3A_329 : memref<10000x32xf32, #tpu.memory_space<hbm>>) dst(%arg15 : memref<128x32xf32, #tpu.memory_space<vmem>>)
      %add3A_330 = arith.constant 6 : i32
      %add3A_331 = arith.addi %mul3A_225, %add3A_330 : i32
      %dma_start3A_332 = arith.constant 0 : i32
      %dma_start3A_333 = tpu.memref_slice %arg7[%add3A_331, %dma_start3A_332] : memref<78x128xi32, #tpu.memory_space<vmem>> -> memref<1x128xi32, #tpu.memory_space<vmem>>
      %dma_start3A_334 = tpu.memref_squeeze %dma_start3A_333 : memref<1x128xi32, #tpu.memory_space<vmem>> -> memref<128xi32, #tpu.memory_space<vmem>>
      %dma_start3A_335 = arith.constant 0 : i32
      %dma_start3A_336 = arith.constant 0 : i32
      %dma_start3A_337 = tpu.memref_slice %arg23[%dma_start3A_335, %dma_start3A_336] : memref<10112x32xf32, #tpu.memory_space<vmem_shared>> -> memref<10112x32xf32, #tpu.memory_space<vmem_shared>>
      tpu.enqueue_indirect_dma source(%arg15 : memref<128x32xf32, #tpu.memory_space<vmem>>) target(%dma_start3A_337 : memref<10112x32xf32, #tpu.memory_space<vmem_shared>>) offsets(%dma_start3A_334 : memref<128xi32, #tpu.memory_space<vmem>>) semaphore(%arg46 : memref<!tpu.dma_semaphore, #tpu.memory_space<semaphore_mem>>) {add = true}
      %add3A_338 = arith.constant 7 : i32
      %add3A_339 = arith.addi %mul3A_225, %add3A_338 : i32
      %mul3A_340 = arith.constant 128 : i32
      %mul3A_341 = arith.muli %add3A_339, %mul3A_340 : i32
      %dma_wait3A_342 = tpu.memref_slice %arg6[%mul3A_341] : memref<10000xi32, #tpu.memory_space<vmem>> -> memref<128xi32, #tpu.memory_space<vmem>>
      %dma_wait3A_343 = arith.constant 0 : i32
      %dma_wait3A_344 = arith.constant 0 : i32
      %dma_wait3A_345 = tpu.memref_slice %arg2[%dma_wait3A_343, %dma_wait3A_344] : memref<10000x32xf32, #tpu.memory_space<hbm>> -> memref<10000x32xf32, #tpu.memory_space<hbm>>
      tpu.wait_indirect_dma semaphore(%arg34 : memref<!tpu.dma_semaphore, #tpu.memory_space<semaphore_mem>>) src(%dma_wait3A_345 : memref<10000x32xf32, #tpu.memory_space<hbm>>) dst(%arg16 : memref<128x32xf32, #tpu.memory_space<vmem>>)
      %add3A_346 = arith.constant 7 : i32
      %add3A_347 = arith.addi %mul3A_225, %add3A_346 : i32
      %dma_start3A_348 = arith.constant 0 : i32
      %dma_start3A_349 = tpu.memref_slice %arg7[%add3A_347, %dma_start3A_348] : memref<78x128xi32, #tpu.memory_space<vmem>> -> memref<1x128xi32, #tpu.memory_space<vmem>>
      %dma_start3A_350 = tpu.memref_squeeze %dma_start3A_349 : memref<1x128xi32, #tpu.memory_space<vmem>> -> memref<128xi32, #tpu.memory_space<vmem>>
      %dma_start3A_351 = arith.constant 0 : i32
      %dma_start3A_352 = arith.constant 0 : i32
      %dma_start3A_353 = tpu.memref_slice %arg23[%dma_start3A_351, %dma_start3A_352] : memref<10112x32xf32, #tpu.memory_space<vmem_shared>> -> memref<10112x32xf32, #tpu.memory_space<vmem_shared>>
      tpu.enqueue_indirect_dma source(%arg16 : memref<128x32xf32, #tpu.memory_space<vmem>>) target(%dma_start3A_353 : memref<10112x32xf32, #tpu.memory_space<vmem_shared>>) offsets(%dma_start3A_350 : memref<128xi32, #tpu.memory_space<vmem>>) semaphore(%arg47 : memref<!tpu.dma_semaphore, #tpu.memory_space<semaphore_mem>>) {add = true}
      %add3A_354 = arith.constant 8 : i32
      %add3A_355 = arith.addi %mul3A_225, %add3A_354 : i32
      %mul3A_356 = arith.constant 128 : i32
      %mul3A_357 = arith.muli %add3A_355, %mul3A_356 : i32
      %dma_wait3A_358 = tpu.memref_slice %arg6[%mul3A_357] : memref<10000xi32, #tpu.memory_space<vmem>> -> memref<128xi32, #tpu.memory_space<vmem>>
      %dma_wait3A_359 = arith.constant 0 : i32
      %dma_wait3A_360 = arith.constant 0 : i32
      %dma_wait3A_361 = tpu.memref_slice %arg2[%dma_wait3A_359, %dma_wait3A_360] : memref<10000x32xf32, #tpu.memory_space<hbm>> -> memref<10000x32xf32, #tpu.memory_space<hbm>>
      tpu.wait_indirect_dma semaphore(%arg35 : memref<!tpu.dma_semaphore, #tpu.memory_space<semaphore_mem>>) src(%dma_wait3A_361 : memref<10000x32xf32, #tpu.memory_space<hbm>>) dst(%arg17 : memref<128x32xf32, #tpu.memory_space<vmem>>)
      %add3A_362 = arith.constant 8 : i32
      %add3A_363 = arith.addi %mul3A_225, %add3A_362 : i32
      %dma_start3A_364 = arith.constant 0 : i32
      %dma_start3A_365 = tpu.memref_slice %arg7[%add3A_363, %dma_start3A_364] : memref<78x128xi32, #tpu.memory_space<vmem>> -> memref<1x128xi32, #tpu.memory_space<vmem>>
      %dma_start3A_366 = tpu.memref_squeeze %dma_start3A_365 : memref<1x128xi32, #tpu.memory_space<vmem>> -> memref<128xi32, #tpu.memory_space<vmem>>
      %dma_start3A_367 = arith.constant 0 : i32
      %dma_start3A_368 = arith.constant 0 : i32
      %dma_start3A_369 = tpu.memref_slice %arg23[%dma_start3A_367, %dma_start3A_368] : memref<10112x32xf32, #tpu.memory_space<vmem_shared>> -> memref<10112x32xf32, #tpu.memory_space<vmem_shared>>
      tpu.enqueue_indirect_dma source(%arg17 : memref<128x32xf32, #tpu.memory_space<vmem>>) target(%dma_start3A_369 : memref<10112x32xf32, #tpu.memory_space<vmem_shared>>) offsets(%dma_start3A_366 : memref<128xi32, #tpu.memory_space<vmem>>) semaphore(%arg48 : memref<!tpu.dma_semaphore, #tpu.memory_space<semaphore_mem>>) {add = true}
      %add3A_370 = arith.constant 9 : i32
      %add3A_371 = arith.addi %mul3A_225, %add3A_370 : i32
      %mul3A_372 = arith.constant 128 : i32
      %mul3A_373 = arith.muli %add3A_371, %mul3A_372 : i32
      %dma_wait3A_374 = tpu.memref_slice %arg6[%mul3A_373] : memref<10000xi32, #tpu.memory_space<vmem>> -> memref<128xi32, #tpu.memory_space<vmem>>
      %dma_wait3A_375 = arith.constant 0 : i32
      %dma_wait3A_376 = arith.constant 0 : i32
      %dma_wait3A_377 = tpu.memref_slice %arg2[%dma_wait3A_375, %dma_wait3A_376] : memref<10000x32xf32, #tpu.memory_space<hbm>> -> memref<10000x32xf32, #tpu.memory_space<hbm>>
      tpu.wait_indirect_dma semaphore(%arg36 : memref<!tpu.dma_semaphore, #tpu.memory_space<semaphore_mem>>) src(%dma_wait3A_377 : memref<10000x32xf32, #tpu.memory_space<hbm>>) dst(%arg18 : memref<128x32xf32, #tpu.memory_space<vmem>>)
      %add3A_378 = arith.constant 9 : i32
      %add3A_379 = arith.addi %mul3A_225, %add3A_378 : i32
      %dma_start3A_380 = arith.constant 0 : i32
      %dma_start3A_381 = tpu.memref_slice %arg7[%add3A_379, %dma_start3A_380] : memref<78x128xi32, #tpu.memory_space<vmem>> -> memref<1x128xi32, #tpu.memory_space<vmem>>
      %dma_start3A_382 = tpu.memref_squeeze %dma_start3A_381 : memref<1x128xi32, #tpu.memory_space<vmem>> -> memref<128xi32, #tpu.memory_space<vmem>>
      %dma_start3A_383 = arith.constant 0 : i32
      %dma_start3A_384 = arith.constant 0 : i32
      %dma_start3A_385 = tpu.memref_slice %arg23[%dma_start3A_383, %dma_start3A_384] : memref<10112x32xf32, #tpu.memory_space<vmem_shared>> -> memref<10112x32xf32, #tpu.memory_space<vmem_shared>>
      tpu.enqueue_indirect_dma source(%arg18 : memref<128x32xf32, #tpu.memory_space<vmem>>) target(%dma_start3A_385 : memref<10112x32xf32, #tpu.memory_space<vmem_shared>>) offsets(%dma_start3A_382 : memref<128xi32, #tpu.memory_space<vmem>>) semaphore(%arg49 : memref<!tpu.dma_semaphore, #tpu.memory_space<semaphore_mem>>) {add = true}
      %add3A_386 = arith.constant 10 : i32
      %add3A_387 = arith.addi %mul3A_225, %add3A_386 : i32
      %mul3A_388 = arith.constant 128 : i32
      %mul3A_389 = arith.muli %add3A_387, %mul3A_388 : i32
      %dma_wait3A_390 = tpu.memref_slice %arg6[%mul3A_389] : memref<10000xi32, #tpu.memory_space<vmem>> -> memref<128xi32, #tpu.memory_space<vmem>>
      %dma_wait3A_391 = arith.constant 0 : i32
      %dma_wait3A_392 = arith.constant 0 : i32
      %dma_wait3A_393 = tpu.memref_slice %arg2[%dma_wait3A_391, %dma_wait3A_392] : memref<10000x32xf32, #tpu.memory_space<hbm>> -> memref<10000x32xf32, #tpu.memory_space<hbm>>
      tpu.wait_indirect_dma semaphore(%arg37 : memref<!tpu.dma_semaphore, #tpu.memory_space<semaphore_mem>>) src(%dma_wait3A_393 : memref<10000x32xf32, #tpu.memory_space<hbm>>) dst(%arg19 : memref<128x32xf32, #tpu.memory_space<vmem>>)
      %add3A_394 = arith.constant 10 : i32
      %add3A_395 = arith.addi %mul3A_225, %add3A_394 : i32
      %dma_start3A_396 = arith.constant 0 : i32
      %dma_start3A_397 = tpu.memref_slice %arg7[%add3A_395, %dma_start3A_396] : memref<78x128xi32, #tpu.memory_space<vmem>> -> memref<1x128xi32, #tpu.memory_space<vmem>>
      %dma_start3A_398 = tpu.memref_squeeze %dma_start3A_397 : memref<1x128xi32, #tpu.memory_space<vmem>> -> memref<128xi32, #tpu.memory_space<vmem>>
      %dma_start3A_399 = arith.constant 0 : i32
      %dma_start3A_400 = arith.constant 0 : i32
      %dma_start3A_401 = tpu.memref_slice %arg23[%dma_start3A_399, %dma_start3A_400] : memref<10112x32xf32, #tpu.memory_space<vmem_shared>> -> memref<10112x32xf32, #tpu.memory_space<vmem_shared>>
      tpu.enqueue_indirect_dma source(%arg19 : memref<128x32xf32, #tpu.memory_space<vmem>>) target(%dma_start3A_401 : memref<10112x32xf32, #tpu.memory_space<vmem_shared>>) offsets(%dma_start3A_398 : memref<128xi32, #tpu.memory_space<vmem>>) semaphore(%arg50 : memref<!tpu.dma_semaphore, #tpu.memory_space<semaphore_mem>>) {add = true}
      %add3A_402 = arith.constant 11 : i32
      %add3A_403 = arith.addi %mul3A_225, %add3A_402 : i32
      %mul3A_404 = arith.constant 128 : i32
      %mul3A_405 = arith.muli %add3A_403, %mul3A_404 : i32
      %dma_wait3A_406 = tpu.memref_slice %arg6[%mul3A_405] : memref<10000xi32, #tpu.memory_space<vmem>> -> memref<128xi32, #tpu.memory_space<vmem>>
      %dma_wait3A_407 = arith.constant 0 : i32
      %dma_wait3A_408 = arith.constant 0 : i32
      %dma_wait3A_409 = tpu.memref_slice %arg2[%dma_wait3A_407, %dma_wait3A_408] : memref<10000x32xf32, #tpu.memory_space<hbm>> -> memref<10000x32xf32, #tpu.memory_space<hbm>>
      tpu.wait_indirect_dma semaphore(%arg38 : memref<!tpu.dma_semaphore, #tpu.memory_space<semaphore_mem>>) src(%dma_wait3A_409 : memref<10000x32xf32, #tpu.memory_space<hbm>>) dst(%arg20 : memref<128x32xf32, #tpu.memory_space<vmem>>)
      %add3A_410 = arith.constant 11 : i32
      %add3A_411 = arith.addi %mul3A_225, %add3A_410 : i32
      %dma_start3A_412 = arith.constant 0 : i32
      %dma_start3A_413 = tpu.memref_slice %arg7[%add3A_411, %dma_start3A_412] : memref<78x128xi32, #tpu.memory_space<vmem>> -> memref<1x128xi32, #tpu.memory_space<vmem>>
      %dma_start3A_414 = tpu.memref_squeeze %dma_start3A_413 : memref<1x128xi32, #tpu.memory_space<vmem>> -> memref<128xi32, #tpu.memory_space<vmem>>
      %dma_start3A_415 = arith.constant 0 : i32
      %dma_start3A_416 = arith.constant 0 : i32
      %dma_start3A_417 = tpu.memref_slice %arg23[%dma_start3A_415, %dma_start3A_416] : memref<10112x32xf32, #tpu.memory_space<vmem_shared>> -> memref<10112x32xf32, #tpu.memory_space<vmem_shared>>
      tpu.enqueue_indirect_dma source(%arg20 : memref<128x32xf32, #tpu.memory_space<vmem>>) target(%dma_start3A_417 : memref<10112x32xf32, #tpu.memory_space<vmem_shared>>) offsets(%dma_start3A_414 : memref<128xi32, #tpu.memory_space<vmem>>) semaphore(%arg51 : memref<!tpu.dma_semaphore, #tpu.memory_space<semaphore_mem>>) {add = true}
      %add3A_418 = arith.constant 12 : i32
      %add3A_419 = arith.addi %mul3A_225, %add3A_418 : i32
      %mul3A_420 = arith.constant 128 : i32
      %mul3A_421 = arith.muli %add3A_419, %mul3A_420 : i32
      %dma_wait3A_422 = tpu.memref_slice %arg6[%mul3A_421] : memref<10000xi32, #tpu.memory_space<vmem>> -> memref<128xi32, #tpu.memory_space<vmem>>
      %dma_wait3A_423 = arith.constant 0 : i32
      %dma_wait3A_424 = arith.constant 0 : i32
      %dma_wait3A_425 = tpu.memref_slice %arg2[%dma_wait3A_423, %dma_wait3A_424] : memref<10000x32xf32, #tpu.memory_space<hbm>> -> memref<10000x32xf32, #tpu.memory_space<hbm>>
      tpu.wait_indirect_dma semaphore(%arg39 : memref<!tpu.dma_semaphore, #tpu.memory_space<semaphore_mem>>) src(%dma_wait3A_425 : memref<10000x32xf32, #tpu.memory_space<hbm>>) dst(%arg21 : memref<128x32xf32, #tpu.memory_space<vmem>>)
      %add3A_426 = arith.constant 12 : i32
      %add3A_427 = arith.addi %mul3A_225, %add3A_426 : i32
      %dma_start3A_428 = arith.constant 0 : i32
      %dma_start3A_429 = tpu.memref_slice %arg7[%add3A_427, %dma_start3A_428] : memref<78x128xi32, #tpu.memory_space<vmem>> -> memref<1x128xi32, #tpu.memory_space<vmem>>
      %dma_start3A_430 = tpu.memref_squeeze %dma_start3A_429 : memref<1x128xi32, #tpu.memory_space<vmem>> -> memref<128xi32, #tpu.memory_space<vmem>>
      %dma_start3A_431 = arith.constant 0 : i32
      %dma_start3A_432 = arith.constant 0 : i32
      %dma_start3A_433 = tpu.memref_slice %arg23[%dma_start3A_431, %dma_start3A_432] : memref<10112x32xf32, #tpu.memory_space<vmem_shared>> -> memref<10112x32xf32, #tpu.memory_space<vmem_shared>>
      tpu.enqueue_indirect_dma source(%arg21 : memref<128x32xf32, #tpu.memory_space<vmem>>) target(%dma_start3A_433 : memref<10112x32xf32, #tpu.memory_space<vmem_shared>>) offsets(%dma_start3A_430 : memref<128xi32, #tpu.memory_space<vmem>>) semaphore(%arg52 : memref<!tpu.dma_semaphore, #tpu.memory_space<semaphore_mem>>) {add = true}
      %lt3A = arith.constant 5 : i32
      %lt3A_434 = arith.cmpi slt, %scan3A_223, %lt3A : i32
      %convert_element_type3A = arith.extui %lt3A_434 : i1 to i32
      %cond3A = arith.constant 0 : i32
      %cond3A_435 = arith.cmpi ne, %convert_element_type3A, %cond3A : i32
      scf.if %cond3A_435 {
        %add3A_436 = arith.constant 0 : i32
        %add3A_437 = arith.addi %mul3A_225, %add3A_436 : i32
        %dma_wait3A_438 = arith.constant 0 : i32
        %dma_wait3A_439 = tpu.memref_slice %arg7[%add3A_437, %dma_wait3A_438] : memref<78x128xi32, #tpu.memory_space<vmem>> -> memref<1x128xi32, #tpu.memory_space<vmem>>
        %dma_wait3A_440 = tpu.memref_squeeze %dma_wait3A_439 : memref<1x128xi32, #tpu.memory_space<vmem>> -> memref<128xi32, #tpu.memory_space<vmem>>
        %dma_wait3A_441 = arith.constant 0 : i32
        %dma_wait3A_442 = arith.constant 0 : i32
        %dma_wait3A_443 = tpu.memref_slice %arg23[%dma_wait3A_441, %dma_wait3A_442] : memref<10112x32xf32, #tpu.memory_space<vmem_shared>> -> memref<10112x32xf32, #tpu.memory_space<vmem_shared>>
        tpu.wait_indirect_dma semaphore(%arg40 : memref<!tpu.dma_semaphore, #tpu.memory_space<semaphore_mem>>) src(%arg9 : memref<128x32xf32, #tpu.memory_space<vmem>>) dst(%dma_wait3A_443 : memref<10112x32xf32, #tpu.memory_space<vmem_shared>>)
        %add3A_444 = arith.constant 0 : i32
        %add3A_445 = arith.addi %mul3A_225, %add3A_444 : i32
        %add3A_446 = arith.constant 13 : i32
        %add3A_447 = arith.addi %add3A_445, %add3A_446 : i32
        %mul3A_448 = arith.constant 128 : i32
        %mul3A_449 = arith.muli %add3A_447, %mul3A_448 : i32
        %dma_start3A_450 = tpu.memref_slice %arg6[%mul3A_449] : memref<10000xi32, #tpu.memory_space<vmem>> -> memref<128xi32, #tpu.memory_space<vmem>>
        %dma_start3A_451 = arith.constant 0 : i32
        %dma_start3A_452 = arith.constant 0 : i32
        %dma_start3A_453 = tpu.memref_slice %arg2[%dma_start3A_451, %dma_start3A_452] : memref<10000x32xf32, #tpu.memory_space<hbm>> -> memref<10000x32xf32, #tpu.memory_space<hbm>>
        tpu.enqueue_indirect_dma source(%dma_start3A_453 : memref<10000x32xf32, #tpu.memory_space<hbm>>) target(%arg9 : memref<128x32xf32, #tpu.memory_space<vmem>>) offsets(%dma_start3A_450 : memref<128xi32, #tpu.memory_space<vmem>>) semaphore(%arg27 : memref<!tpu.dma_semaphore, #tpu.memory_space<semaphore_mem>>)
        %add3A_454 = arith.constant 1 : i32
        %add3A_455 = arith.addi %mul3A_225, %add3A_454 : i32
        %dma_wait3A_456 = arith.constant 0 : i32
        %dma_wait3A_457 = tpu.memref_slice %arg7[%add3A_455, %dma_wait3A_456] : memref<78x128xi32, #tpu.memory_space<vmem>> -> memref<1x128xi32, #tpu.memory_space<vmem>>
        %dma_wait3A_458 = tpu.memref_squeeze %dma_wait3A_457 : memref<1x128xi32, #tpu.memory_space<vmem>> -> memref<128xi32, #tpu.memory_space<vmem>>
        %dma_wait3A_459 = arith.constant 0 : i32
        %dma_wait3A_460 = arith.constant 0 : i32
        %dma_wait3A_461 = tpu.memref_slice %arg23[%dma_wait3A_459, %dma_wait3A_460] : memref<10112x32xf32, #tpu.memory_space<vmem_shared>> -> memref<10112x32xf32, #tpu.memory_space<vmem_shared>>
        tpu.wait_indirect_dma semaphore(%arg41 : memref<!tpu.dma_semaphore, #tpu.memory_space<semaphore_mem>>) src(%arg10 : memref<128x32xf32, #tpu.memory_space<vmem>>) dst(%dma_wait3A_461 : memref<10112x32xf32, #tpu.memory_space<vmem_shared>>)
        %add3A_462 = arith.constant 1 : i32
        %add3A_463 = arith.addi %mul3A_225, %add3A_462 : i32
        %add3A_464 = arith.constant 13 : i32
        %add3A_465 = arith.addi %add3A_463, %add3A_464 : i32
        %mul3A_466 = arith.constant 128 : i32
        %mul3A_467 = arith.muli %add3A_465, %mul3A_466 : i32
        %dma_start3A_468 = tpu.memref_slice %arg6[%mul3A_467] : memref<10000xi32, #tpu.memory_space<vmem>> -> memref<128xi32, #tpu.memory_space<vmem>>
        %dma_start3A_469 = arith.constant 0 : i32
        %dma_start3A_470 = arith.constant 0 : i32
        %dma_start3A_471 = tpu.memref_slice %arg2[%dma_start3A_469, %dma_start3A_470] : memref<10000x32xf32, #tpu.memory_space<hbm>> -> memref<10000x32xf32, #tpu.memory_space<hbm>>
        tpu.enqueue_indirect_dma source(%dma_start3A_471 : memref<10000x32xf32, #tpu.memory_space<hbm>>) target(%arg10 : memref<128x32xf32, #tpu.memory_space<vmem>>) offsets(%dma_start3A_468 : memref<128xi32, #tpu.memory_space<vmem>>) semaphore(%arg28 : memref<!tpu.dma_semaphore, #tpu.memory_space<semaphore_mem>>)
        %add3A_472 = arith.constant 2 : i32
        %add3A_473 = arith.addi %mul3A_225, %add3A_472 : i32
        %dma_wait3A_474 = arith.constant 0 : i32
        %dma_wait3A_475 = tpu.memref_slice %arg7[%add3A_473, %dma_wait3A_474] : memref<78x128xi32, #tpu.memory_space<vmem>> -> memref<1x128xi32, #tpu.memory_space<vmem>>
        %dma_wait3A_476 = tpu.memref_squeeze %dma_wait3A_475 : memref<1x128xi32, #tpu.memory_space<vmem>> -> memref<128xi32, #tpu.memory_space<vmem>>
        %dma_wait3A_477 = arith.constant 0 : i32
        %dma_wait3A_478 = arith.constant 0 : i32
        %dma_wait3A_479 = tpu.memref_slice %arg23[%dma_wait3A_477, %dma_wait3A_478] : memref<10112x32xf32, #tpu.memory_space<vmem_shared>> -> memref<10112x32xf32, #tpu.memory_space<vmem_shared>>
        tpu.wait_indirect_dma semaphore(%arg42 : memref<!tpu.dma_semaphore, #tpu.memory_space<semaphore_mem>>) src(%arg11 : memref<128x32xf32, #tpu.memory_space<vmem>>) dst(%dma_wait3A_479 : memref<10112x32xf32, #tpu.memory_space<vmem_shared>>)
        %add3A_480 = arith.constant 2 : i32
        %add3A_481 = arith.addi %mul3A_225, %add3A_480 : i32
        %add3A_482 = arith.constant 13 : i32
        %add3A_483 = arith.addi %add3A_481, %add3A_482 : i32
        %mul3A_484 = arith.constant 128 : i32
        %mul3A_485 = arith.muli %add3A_483, %mul3A_484 : i32
        %dma_start3A_486 = tpu.memref_slice %arg6[%mul3A_485] : memref<10000xi32, #tpu.memory_space<vmem>> -> memref<128xi32, #tpu.memory_space<vmem>>
        %dma_start3A_487 = arith.constant 0 : i32
        %dma_start3A_488 = arith.constant 0 : i32
        %dma_start3A_489 = tpu.memref_slice %arg2[%dma_start3A_487, %dma_start3A_488] : memref<10000x32xf32, #tpu.memory_space<hbm>> -> memref<10000x32xf32, #tpu.memory_space<hbm>>
        tpu.enqueue_indirect_dma source(%dma_start3A_489 : memref<10000x32xf32, #tpu.memory_space<hbm>>) target(%arg11 : memref<128x32xf32, #tpu.memory_space<vmem>>) offsets(%dma_start3A_486 : memref<128xi32, #tpu.memory_space<vmem>>) semaphore(%arg29 : memref<!tpu.dma_semaphore, #tpu.memory_space<semaphore_mem>>)
        %add3A_490 = arith.constant 3 : i32
        %add3A_491 = arith.addi %mul3A_225, %add3A_490 : i32
        %dma_wait3A_492 = arith.constant 0 : i32
        %dma_wait3A_493 = tpu.memref_slice %arg7[%add3A_491, %dma_wait3A_492] : memref<78x128xi32, #tpu.memory_space<vmem>> -> memref<1x128xi32, #tpu.memory_space<vmem>>
        %dma_wait3A_494 = tpu.memref_squeeze %dma_wait3A_493 : memref<1x128xi32, #tpu.memory_space<vmem>> -> memref<128xi32, #tpu.memory_space<vmem>>
        %dma_wait3A_495 = arith.constant 0 : i32
        %dma_wait3A_496 = arith.constant 0 : i32
        %dma_wait3A_497 = tpu.memref_slice %arg23[%dma_wait3A_495, %dma_wait3A_496] : memref<10112x32xf32, #tpu.memory_space<vmem_shared>> -> memref<10112x32xf32, #tpu.memory_space<vmem_shared>>
        tpu.wait_indirect_dma semaphore(%arg43 : memref<!tpu.dma_semaphore, #tpu.memory_space<semaphore_mem>>) src(%arg12 : memref<128x32xf32, #tpu.memory_space<vmem>>) dst(%dma_wait3A_497 : memref<10112x32xf32, #tpu.memory_space<vmem_shared>>)
        %add3A_498 = arith.constant 3 : i32
        %add3A_499 = arith.addi %mul3A_225, %add3A_498 : i32
        %add3A_500 = arith.constant 13 : i32
        %add3A_501 = arith.addi %add3A_499, %add3A_500 : i32
        %mul3A_502 = arith.constant 128 : i32
        %mul3A_503 = arith.muli %add3A_501, %mul3A_502 : i32
        %dma_start3A_504 = tpu.memref_slice %arg6[%mul3A_503] : memref<10000xi32, #tpu.memory_space<vmem>> -> memref<128xi32, #tpu.memory_space<vmem>>
        %dma_start3A_505 = arith.constant 0 : i32
        %dma_start3A_506 = arith.constant 0 : i32
        %dma_start3A_507 = tpu.memref_slice %arg2[%dma_start3A_505, %dma_start3A_506] : memref<10000x32xf32, #tpu.memory_space<hbm>> -> memref<10000x32xf32, #tpu.memory_space<hbm>>
        tpu.enqueue_indirect_dma source(%dma_start3A_507 : memref<10000x32xf32, #tpu.memory_space<hbm>>) target(%arg12 : memref<128x32xf32, #tpu.memory_space<vmem>>) offsets(%dma_start3A_504 : memref<128xi32, #tpu.memory_space<vmem>>) semaphore(%arg30 : memref<!tpu.dma_semaphore, #tpu.memory_space<semaphore_mem>>)
        %add3A_508 = arith.constant 4 : i32
        %add3A_509 = arith.addi %mul3A_225, %add3A_508 : i32
        %dma_wait3A_510 = arith.constant 0 : i32
        %dma_wait3A_511 = tpu.memref_slice %arg7[%add3A_509, %dma_wait3A_510] : memref<78x128xi32, #tpu.memory_space<vmem>> -> memref<1x128xi32, #tpu.memory_space<vmem>>
        %dma_wait3A_512 = tpu.memref_squeeze %dma_wait3A_511 : memref<1x128xi32, #tpu.memory_space<vmem>> -> memref<128xi32, #tpu.memory_space<vmem>>
        %dma_wait3A_513 = arith.constant 0 : i32
        %dma_wait3A_514 = arith.constant 0 : i32
        %dma_wait3A_515 = tpu.memref_slice %arg23[%dma_wait3A_513, %dma_wait3A_514] : memref<10112x32xf32, #tpu.memory_space<vmem_shared>> -> memref<10112x32xf32, #tpu.memory_space<vmem_shared>>
        tpu.wait_indirect_dma semaphore(%arg44 : memref<!tpu.dma_semaphore, #tpu.memory_space<semaphore_mem>>) src(%arg13 : memref<128x32xf32, #tpu.memory_space<vmem>>) dst(%dma_wait3A_515 : memref<10112x32xf32, #tpu.memory_space<vmem_shared>>)
        %add3A_516 = arith.constant 4 : i32
        %add3A_517 = arith.addi %mul3A_225, %add3A_516 : i32
        %add3A_518 = arith.constant 13 : i32
        %add3A_519 = arith.addi %add3A_517, %add3A_518 : i32
        %mul3A_520 = arith.constant 128 : i32
        %mul3A_521 = arith.muli %add3A_519, %mul3A_520 : i32
        %dma_start3A_522 = tpu.memref_slice %arg6[%mul3A_521] : memref<10000xi32, #tpu.memory_space<vmem>> -> memref<128xi32, #tpu.memory_space<vmem>>
        %dma_start3A_523 = arith.constant 0 : i32
        %dma_start3A_524 = arith.constant 0 : i32
        %dma_start3A_525 = tpu.memref_slice %arg2[%dma_start3A_523, %dma_start3A_524] : memref<10000x32xf32, #tpu.memory_space<hbm>> -> memref<10000x32xf32, #tpu.memory_space<hbm>>
        tpu.enqueue_indirect_dma source(%dma_start3A_525 : memref<10000x32xf32, #tpu.memory_space<hbm>>) target(%arg13 : memref<128x32xf32, #tpu.memory_space<vmem>>) offsets(%dma_start3A_522 : memref<128xi32, #tpu.memory_space<vmem>>) semaphore(%arg31 : memref<!tpu.dma_semaphore, #tpu.memory_space<semaphore_mem>>)
        %add3A_526 = arith.constant 5 : i32
        %add3A_527 = arith.addi %mul3A_225, %add3A_526 : i32
        %dma_wait3A_528 = arith.constant 0 : i32
        %dma_wait3A_529 = tpu.memref_slice %arg7[%add3A_527, %dma_wait3A_528] : memref<78x128xi32, #tpu.memory_space<vmem>> -> memref<1x128xi32, #tpu.memory_space<vmem>>
        %dma_wait3A_530 = tpu.memref_squeeze %dma_wait3A_529 : memref<1x128xi32, #tpu.memory_space<vmem>> -> memref<128xi32, #tpu.memory_space<vmem>>
        %dma_wait3A_531 = arith.constant 0 : i32
        %dma_wait3A_532 = arith.constant 0 : i32
        %dma_wait3A_533 = tpu.memref_slice %arg23[%dma_wait3A_531, %dma_wait3A_532] : memref<10112x32xf32, #tpu.memory_space<vmem_shared>> -> memref<10112x32xf32, #tpu.memory_space<vmem_shared>>
        tpu.wait_indirect_dma semaphore(%arg45 : memref<!tpu.dma_semaphore, #tpu.memory_space<semaphore_mem>>) src(%arg14 : memref<128x32xf32, #tpu.memory_space<vmem>>) dst(%dma_wait3A_533 : memref<10112x32xf32, #tpu.memory_space<vmem_shared>>)
        %add3A_534 = arith.constant 5 : i32
        %add3A_535 = arith.addi %mul3A_225, %add3A_534 : i32
        %add3A_536 = arith.constant 13 : i32
        %add3A_537 = arith.addi %add3A_535, %add3A_536 : i32
        %mul3A_538 = arith.constant 128 : i32
        %mul3A_539 = arith.muli %add3A_537, %mul3A_538 : i32
        %dma_start3A_540 = tpu.memref_slice %arg6[%mul3A_539] : memref<10000xi32, #tpu.memory_space<vmem>> -> memref<128xi32, #tpu.memory_space<vmem>>
        %dma_start3A_541 = arith.constant 0 : i32
        %dma_start3A_542 = arith.constant 0 : i32
        %dma_start3A_543 = tpu.memref_slice %arg2[%dma_start3A_541, %dma_start3A_542] : memref<10000x32xf32, #tpu.memory_space<hbm>> -> memref<10000x32xf32, #tpu.memory_space<hbm>>
        tpu.enqueue_indirect_dma source(%dma_start3A_543 : memref<10000x32xf32, #tpu.memory_space<hbm>>) target(%arg14 : memref<128x32xf32, #tpu.memory_space<vmem>>) offsets(%dma_start3A_540 : memref<128xi32, #tpu.memory_space<vmem>>) semaphore(%arg32 : memref<!tpu.dma_semaphore, #tpu.memory_space<semaphore_mem>>)
        %add3A_544 = arith.constant 6 : i32
        %add3A_545 = arith.addi %mul3A_225, %add3A_544 : i32
        %dma_wait3A_546 = arith.constant 0 : i32
        %dma_wait3A_547 = tpu.memref_slice %arg7[%add3A_545, %dma_wait3A_546] : memref<78x128xi32, #tpu.memory_space<vmem>> -> memref<1x128xi32, #tpu.memory_space<vmem>>
        %dma_wait3A_548 = tpu.memref_squeeze %dma_wait3A_547 : memref<1x128xi32, #tpu.memory_space<vmem>> -> memref<128xi32, #tpu.memory_space<vmem>>
        %dma_wait3A_549 = arith.constant 0 : i32
        %dma_wait3A_550 = arith.constant 0 : i32
        %dma_wait3A_551 = tpu.memref_slice %arg23[%dma_wait3A_549, %dma_wait3A_550] : memref<10112x32xf32, #tpu.memory_space<vmem_shared>> -> memref<10112x32xf32, #tpu.memory_space<vmem_shared>>
        tpu.wait_indirect_dma semaphore(%arg46 : memref<!tpu.dma_semaphore, #tpu.memory_space<semaphore_mem>>) src(%arg15 : memref<128x32xf32, #tpu.memory_space<vmem>>) dst(%dma_wait3A_551 : memref<10112x32xf32, #tpu.memory_space<vmem_shared>>)
        %add3A_552 = arith.constant 6 : i32
        %add3A_553 = arith.addi %mul3A_225, %add3A_552 : i32
        %add3A_554 = arith.constant 13 : i32
        %add3A_555 = arith.addi %add3A_553, %add3A_554 : i32
        %mul3A_556 = arith.constant 128 : i32
        %mul3A_557 = arith.muli %add3A_555, %mul3A_556 : i32
        %dma_start3A_558 = tpu.memref_slice %arg6[%mul3A_557] : memref<10000xi32, #tpu.memory_space<vmem>> -> memref<128xi32, #tpu.memory_space<vmem>>
        %dma_start3A_559 = arith.constant 0 : i32
        %dma_start3A_560 = arith.constant 0 : i32
        %dma_start3A_561 = tpu.memref_slice %arg2[%dma_start3A_559, %dma_start3A_560] : memref<10000x32xf32, #tpu.memory_space<hbm>> -> memref<10000x32xf32, #tpu.memory_space<hbm>>
        tpu.enqueue_indirect_dma source(%dma_start3A_561 : memref<10000x32xf32, #tpu.memory_space<hbm>>) target(%arg15 : memref<128x32xf32, #tpu.memory_space<vmem>>) offsets(%dma_start3A_558 : memref<128xi32, #tpu.memory_space<vmem>>) semaphore(%arg33 : memref<!tpu.dma_semaphore, #tpu.memory_space<semaphore_mem>>)
        %add3A_562 = arith.constant 7 : i32
        %add3A_563 = arith.addi %mul3A_225, %add3A_562 : i32
        %dma_wait3A_564 = arith.constant 0 : i32
        %dma_wait3A_565 = tpu.memref_slice %arg7[%add3A_563, %dma_wait3A_564] : memref<78x128xi32, #tpu.memory_space<vmem>> -> memref<1x128xi32, #tpu.memory_space<vmem>>
        %dma_wait3A_566 = tpu.memref_squeeze %dma_wait3A_565 : memref<1x128xi32, #tpu.memory_space<vmem>> -> memref<128xi32, #tpu.memory_space<vmem>>
        %dma_wait3A_567 = arith.constant 0 : i32
        %dma_wait3A_568 = arith.constant 0 : i32
        %dma_wait3A_569 = tpu.memref_slice %arg23[%dma_wait3A_567, %dma_wait3A_568] : memref<10112x32xf32, #tpu.memory_space<vmem_shared>> -> memref<10112x32xf32, #tpu.memory_space<vmem_shared>>
        tpu.wait_indirect_dma semaphore(%arg47 : memref<!tpu.dma_semaphore, #tpu.memory_space<semaphore_mem>>) src(%arg16 : memref<128x32xf32, #tpu.memory_space<vmem>>) dst(%dma_wait3A_569 : memref<10112x32xf32, #tpu.memory_space<vmem_shared>>)
        %add3A_570 = arith.constant 7 : i32
        %add3A_571 = arith.addi %mul3A_225, %add3A_570 : i32
        %add3A_572 = arith.constant 13 : i32
        %add3A_573 = arith.addi %add3A_571, %add3A_572 : i32
        %mul3A_574 = arith.constant 128 : i32
        %mul3A_575 = arith.muli %add3A_573, %mul3A_574 : i32
        %dma_start3A_576 = tpu.memref_slice %arg6[%mul3A_575] : memref<10000xi32, #tpu.memory_space<vmem>> -> memref<128xi32, #tpu.memory_space<vmem>>
        %dma_start3A_577 = arith.constant 0 : i32
        %dma_start3A_578 = arith.constant 0 : i32
        %dma_start3A_579 = tpu.memref_slice %arg2[%dma_start3A_577, %dma_start3A_578] : memref<10000x32xf32, #tpu.memory_space<hbm>> -> memref<10000x32xf32, #tpu.memory_space<hbm>>
        tpu.enqueue_indirect_dma source(%dma_start3A_579 : memref<10000x32xf32, #tpu.memory_space<hbm>>) target(%arg16 : memref<128x32xf32, #tpu.memory_space<vmem>>) offsets(%dma_start3A_576 : memref<128xi32, #tpu.memory_space<vmem>>) semaphore(%arg34 : memref<!tpu.dma_semaphore, #tpu.memory_space<semaphore_mem>>)
        %add3A_580 = arith.constant 8 : i32
        %add3A_581 = arith.addi %mul3A_225, %add3A_580 : i32
        %dma_wait3A_582 = arith.constant 0 : i32
        %dma_wait3A_583 = tpu.memref_slice %arg7[%add3A_581, %dma_wait3A_582] : memref<78x128xi32, #tpu.memory_space<vmem>> -> memref<1x128xi32, #tpu.memory_space<vmem>>
        %dma_wait3A_584 = tpu.memref_squeeze %dma_wait3A_583 : memref<1x128xi32, #tpu.memory_space<vmem>> -> memref<128xi32, #tpu.memory_space<vmem>>
        %dma_wait3A_585 = arith.constant 0 : i32
        %dma_wait3A_586 = arith.constant 0 : i32
        %dma_wait3A_587 = tpu.memref_slice %arg23[%dma_wait3A_585, %dma_wait3A_586] : memref<10112x32xf32, #tpu.memory_space<vmem_shared>> -> memref<10112x32xf32, #tpu.memory_space<vmem_shared>>
        tpu.wait_indirect_dma semaphore(%arg48 : memref<!tpu.dma_semaphore, #tpu.memory_space<semaphore_mem>>) src(%arg17 : memref<128x32xf32, #tpu.memory_space<vmem>>) dst(%dma_wait3A_587 : memref<10112x32xf32, #tpu.memory_space<vmem_shared>>)
        %add3A_588 = arith.constant 8 : i32
        %add3A_589 = arith.addi %mul3A_225, %add3A_588 : i32
        %add3A_590 = arith.constant 13 : i32
        %add3A_591 = arith.addi %add3A_589, %add3A_590 : i32
        %mul3A_592 = arith.constant 128 : i32
        %mul3A_593 = arith.muli %add3A_591, %mul3A_592 : i32
        %dma_start3A_594 = tpu.memref_slice %arg6[%mul3A_593] : memref<10000xi32, #tpu.memory_space<vmem>> -> memref<128xi32, #tpu.memory_space<vmem>>
        %dma_start3A_595 = arith.constant 0 : i32
        %dma_start3A_596 = arith.constant 0 : i32
        %dma_start3A_597 = tpu.memref_slice %arg2[%dma_start3A_595, %dma_start3A_596] : memref<10000x32xf32, #tpu.memory_space<hbm>> -> memref<10000x32xf32, #tpu.memory_space<hbm>>
        tpu.enqueue_indirect_dma source(%dma_start3A_597 : memref<10000x32xf32, #tpu.memory_space<hbm>>) target(%arg17 : memref<128x32xf32, #tpu.memory_space<vmem>>) offsets(%dma_start3A_594 : memref<128xi32, #tpu.memory_space<vmem>>) semaphore(%arg35 : memref<!tpu.dma_semaphore, #tpu.memory_space<semaphore_mem>>)
        %add3A_598 = arith.constant 9 : i32
        %add3A_599 = arith.addi %mul3A_225, %add3A_598 : i32
        %dma_wait3A_600 = arith.constant 0 : i32
        %dma_wait3A_601 = tpu.memref_slice %arg7[%add3A_599, %dma_wait3A_600] : memref<78x128xi32, #tpu.memory_space<vmem>> -> memref<1x128xi32, #tpu.memory_space<vmem>>
        %dma_wait3A_602 = tpu.memref_squeeze %dma_wait3A_601 : memref<1x128xi32, #tpu.memory_space<vmem>> -> memref<128xi32, #tpu.memory_space<vmem>>
        %dma_wait3A_603 = arith.constant 0 : i32
        %dma_wait3A_604 = arith.constant 0 : i32
        %dma_wait3A_605 = tpu.memref_slice %arg23[%dma_wait3A_603, %dma_wait3A_604] : memref<10112x32xf32, #tpu.memory_space<vmem_shared>> -> memref<10112x32xf32, #tpu.memory_space<vmem_shared>>
        tpu.wait_indirect_dma semaphore(%arg49 : memref<!tpu.dma_semaphore, #tpu.memory_space<semaphore_mem>>) src(%arg18 : memref<128x32xf32, #tpu.memory_space<vmem>>) dst(%dma_wait3A_605 : memref<10112x32xf32, #tpu.memory_space<vmem_shared>>)
        %add3A_606 = arith.constant 9 : i32
        %add3A_607 = arith.addi %mul3A_225, %add3A_606 : i32
        %add3A_608 = arith.constant 13 : i32
        %add3A_609 = arith.addi %add3A_607, %add3A_608 : i32
        %mul3A_610 = arith.constant 128 : i32
        %mul3A_611 = arith.muli %add3A_609, %mul3A_610 : i32
        %dma_start3A_612 = tpu.memref_slice %arg6[%mul3A_611] : memref<10000xi32, #tpu.memory_space<vmem>> -> memref<128xi32, #tpu.memory_space<vmem>>
        %dma_start3A_613 = arith.constant 0 : i32
        %dma_start3A_614 = arith.constant 0 : i32
        %dma_start3A_615 = tpu.memref_slice %arg2[%dma_start3A_613, %dma_start3A_614] : memref<10000x32xf32, #tpu.memory_space<hbm>> -> memref<10000x32xf32, #tpu.memory_space<hbm>>
        tpu.enqueue_indirect_dma source(%dma_start3A_615 : memref<10000x32xf32, #tpu.memory_space<hbm>>) target(%arg18 : memref<128x32xf32, #tpu.memory_space<vmem>>) offsets(%dma_start3A_612 : memref<128xi32, #tpu.memory_space<vmem>>) semaphore(%arg36 : memref<!tpu.dma_semaphore, #tpu.memory_space<semaphore_mem>>)
        %add3A_616 = arith.constant 10 : i32
        %add3A_617 = arith.addi %mul3A_225, %add3A_616 : i32
        %dma_wait3A_618 = arith.constant 0 : i32
        %dma_wait3A_619 = tpu.memref_slice %arg7[%add3A_617, %dma_wait3A_618] : memref<78x128xi32, #tpu.memory_space<vmem>> -> memref<1x128xi32, #tpu.memory_space<vmem>>
        %dma_wait3A_620 = tpu.memref_squeeze %dma_wait3A_619 : memref<1x128xi32, #tpu.memory_space<vmem>> -> memref<128xi32, #tpu.memory_space<vmem>>
        %dma_wait3A_621 = arith.constant 0 : i32
        %dma_wait3A_622 = arith.constant 0 : i32
        %dma_wait3A_623 = tpu.memref_slice %arg23[%dma_wait3A_621, %dma_wait3A_622] : memref<10112x32xf32, #tpu.memory_space<vmem_shared>> -> memref<10112x32xf32, #tpu.memory_space<vmem_shared>>
        tpu.wait_indirect_dma semaphore(%arg50 : memref<!tpu.dma_semaphore, #tpu.memory_space<semaphore_mem>>) src(%arg19 : memref<128x32xf32, #tpu.memory_space<vmem>>) dst(%dma_wait3A_623 : memref<10112x32xf32, #tpu.memory_space<vmem_shared>>)
        %add3A_624 = arith.constant 10 : i32
        %add3A_625 = arith.addi %mul3A_225, %add3A_624 : i32
        %add3A_626 = arith.constant 13 : i32
        %add3A_627 = arith.addi %add3A_625, %add3A_626 : i32
        %mul3A_628 = arith.constant 128 : i32
        %mul3A_629 = arith.muli %add3A_627, %mul3A_628 : i32
        %dma_start3A_630 = tpu.memref_slice %arg6[%mul3A_629] : memref<10000xi32, #tpu.memory_space<vmem>> -> memref<128xi32, #tpu.memory_space<vmem>>
        %dma_start3A_631 = arith.constant 0 : i32
        %dma_start3A_632 = arith.constant 0 : i32
        %dma_start3A_633 = tpu.memref_slice %arg2[%dma_start3A_631, %dma_start3A_632] : memref<10000x32xf32, #tpu.memory_space<hbm>> -> memref<10000x32xf32, #tpu.memory_space<hbm>>
        tpu.enqueue_indirect_dma source(%dma_start3A_633 : memref<10000x32xf32, #tpu.memory_space<hbm>>) target(%arg19 : memref<128x32xf32, #tpu.memory_space<vmem>>) offsets(%dma_start3A_630 : memref<128xi32, #tpu.memory_space<vmem>>) semaphore(%arg37 : memref<!tpu.dma_semaphore, #tpu.memory_space<semaphore_mem>>)
        %add3A_634 = arith.constant 11 : i32
        %add3A_635 = arith.addi %mul3A_225, %add3A_634 : i32
        %dma_wait3A_636 = arith.constant 0 : i32
        %dma_wait3A_637 = tpu.memref_slice %arg7[%add3A_635, %dma_wait3A_636] : memref<78x128xi32, #tpu.memory_space<vmem>> -> memref<1x128xi32, #tpu.memory_space<vmem>>
        %dma_wait3A_638 = tpu.memref_squeeze %dma_wait3A_637 : memref<1x128xi32, #tpu.memory_space<vmem>> -> memref<128xi32, #tpu.memory_space<vmem>>
        %dma_wait3A_639 = arith.constant 0 : i32
        %dma_wait3A_640 = arith.constant 0 : i32
        %dma_wait3A_641 = tpu.memref_slice %arg23[%dma_wait3A_639, %dma_wait3A_640] : memref<10112x32xf32, #tpu.memory_space<vmem_shared>> -> memref<10112x32xf32, #tpu.memory_space<vmem_shared>>
        tpu.wait_indirect_dma semaphore(%arg51 : memref<!tpu.dma_semaphore, #tpu.memory_space<semaphore_mem>>) src(%arg20 : memref<128x32xf32, #tpu.memory_space<vmem>>) dst(%dma_wait3A_641 : memref<10112x32xf32, #tpu.memory_space<vmem_shared>>)
        %add3A_642 = arith.constant 11 : i32
        %add3A_643 = arith.addi %mul3A_225, %add3A_642 : i32
        %add3A_644 = arith.constant 13 : i32
        %add3A_645 = arith.addi %add3A_643, %add3A_644 : i32
        %mul3A_646 = arith.constant 128 : i32
        %mul3A_647 = arith.muli %add3A_645, %mul3A_646 : i32
        %dma_start3A_648 = tpu.memref_slice %arg6[%mul3A_647] : memref<10000xi32, #tpu.memory_space<vmem>> -> memref<128xi32, #tpu.memory_space<vmem>>
        %dma_start3A_649 = arith.constant 0 : i32
        %dma_start3A_650 = arith.constant 0 : i32
        %dma_start3A_651 = tpu.memref_slice %arg2[%dma_start3A_649, %dma_start3A_650] : memref<10000x32xf32, #tpu.memory_space<hbm>> -> memref<10000x32xf32, #tpu.memory_space<hbm>>
        tpu.enqueue_indirect_dma source(%dma_start3A_651 : memref<10000x32xf32, #tpu.memory_space<hbm>>) target(%arg20 : memref<128x32xf32, #tpu.memory_space<vmem>>) offsets(%dma_start3A_648 : memref<128xi32, #tpu.memory_space<vmem>>) semaphore(%arg38 : memref<!tpu.dma_semaphore, #tpu.memory_space<semaphore_mem>>)
        %add3A_652 = arith.constant 12 : i32
        %add3A_653 = arith.addi %mul3A_225, %add3A_652 : i32
        %dma_wait3A_654 = arith.constant 0 : i32
        %dma_wait3A_655 = tpu.memref_slice %arg7[%add3A_653, %dma_wait3A_654] : memref<78x128xi32, #tpu.memory_space<vmem>> -> memref<1x128xi32, #tpu.memory_space<vmem>>
        %dma_wait3A_656 = tpu.memref_squeeze %dma_wait3A_655 : memref<1x128xi32, #tpu.memory_space<vmem>> -> memref<128xi32, #tpu.memory_space<vmem>>
        %dma_wait3A_657 = arith.constant 0 : i32
        %dma_wait3A_658 = arith.constant 0 : i32
        %dma_wait3A_659 = tpu.memref_slice %arg23[%dma_wait3A_657, %dma_wait3A_658] : memref<10112x32xf32, #tpu.memory_space<vmem_shared>> -> memref<10112x32xf32, #tpu.memory_space<vmem_shared>>
        tpu.wait_indirect_dma semaphore(%arg52 : memref<!tpu.dma_semaphore, #tpu.memory_space<semaphore_mem>>) src(%arg21 : memref<128x32xf32, #tpu.memory_space<vmem>>) dst(%dma_wait3A_659 : memref<10112x32xf32, #tpu.memory_space<vmem_shared>>)
        %add3A_660 = arith.constant 12 : i32
        %add3A_661 = arith.addi %mul3A_225, %add3A_660 : i32
        %add3A_662 = arith.constant 13 : i32
        %add3A_663 = arith.addi %add3A_661, %add3A_662 : i32
        %mul3A_664 = arith.constant 128 : i32
        %mul3A_665 = arith.muli %add3A_663, %mul3A_664 : i32
        %dma_start3A_666 = tpu.memref_slice %arg6[%mul3A_665] : memref<10000xi32, #tpu.memory_space<vmem>> -> memref<128xi32, #tpu.memory_space<vmem>>
        %dma_start3A_667 = arith.constant 0 : i32
        %dma_start3A_668 = arith.constant 0 : i32
        %dma_start3A_669 = tpu.memref_slice %arg2[%dma_start3A_667, %dma_start3A_668] : memref<10000x32xf32, #tpu.memory_space<hbm>> -> memref<10000x32xf32, #tpu.memory_space<hbm>>
        tpu.enqueue_indirect_dma source(%dma_start3A_669 : memref<10000x32xf32, #tpu.memory_space<hbm>>) target(%arg21 : memref<128x32xf32, #tpu.memory_space<vmem>>) offsets(%dma_start3A_666 : memref<128xi32, #tpu.memory_space<vmem>>) semaphore(%arg39 : memref<!tpu.dma_semaphore, #tpu.memory_space<semaphore_mem>>)
      } else {
      }
    }
    %scan3A_121 = arith.constant 6 : i32
    %dma_wait3A_122 = arith.constant 9984 : i32
    %dma_wait3A_123 = tpu.memref_slice %arg6[%dma_wait3A_122] : memref<10000xi32, #tpu.memory_space<vmem>> -> memref<16xi32, #tpu.memory_space<vmem>>
    %dma_wait3A_124 = arith.constant 0 : i32
    %dma_wait3A_125 = arith.constant 0 : i32
    %dma_wait3A_126 = tpu.memref_slice %arg2[%dma_wait3A_124, %dma_wait3A_125] : memref<10000x32xf32, #tpu.memory_space<hbm>> -> memref<10000x32xf32, #tpu.memory_space<hbm>>
    tpu.wait_indirect_dma semaphore(%arg25 : memref<!tpu.dma_semaphore, #tpu.memory_space<semaphore_mem>>) src(%dma_wait3A_126 : memref<10000x32xf32, #tpu.memory_space<hbm>>) dst(%arg22 : memref<16x32xf32, #tpu.memory_space<vmem>>)
    "tpu.region"() ({
      %run_scoped3A = tpu.sem_alloc : memref<!tpu.dma_semaphore, #tpu.memory_space<semaphore_mem>>
      %dma_start3A_223 = arith.constant 0 : i32
      %dma_start3A_224 = arith.constant 0 : i32
      %dma_start3A_225 = tpu.memref_slice %arg23[%dma_start3A_223, %dma_start3A_224] : memref<10112x32xf32, #tpu.memory_space<vmem_shared>> -> memref<10112x32xf32, #tpu.memory_space<vmem_shared>>
      tpu.enqueue_indirect_dma source(%arg22 : memref<16x32xf32, #tpu.memory_space<vmem>>) target(%dma_start3A_225 : memref<10112x32xf32, #tpu.memory_space<vmem_shared>>) offsets(%arg8 : memref<16xi32, #tpu.memory_space<vmem>>) semaphore(%run_scoped3A : memref<!tpu.dma_semaphore, #tpu.memory_space<semaphore_mem>>) {add = true}
      %dma_wait3A_226 = arith.constant 0 : i32
      %dma_wait3A_227 = arith.constant 0 : i32
      %dma_wait3A_228 = tpu.memref_slice %arg23[%dma_wait3A_226, %dma_wait3A_227] : memref<10112x32xf32, #tpu.memory_space<vmem_shared>> -> memref<10112x32xf32, #tpu.memory_space<vmem_shared>>
      tpu.wait_indirect_dma semaphore(%run_scoped3A : memref<!tpu.dma_semaphore, #tpu.memory_space<semaphore_mem>>) src(%arg22 : memref<16x32xf32, #tpu.memory_space<vmem>>) dst(%dma_wait3A_228 : memref<10112x32xf32, #tpu.memory_space<vmem_shared>>)
      tpu.yield
    }) : () -> ()
    %dma_wait3A_127 = arith.constant 65 : i32
    %dma_wait3A_128 = arith.constant 0 : i32
    %dma_wait3A_129 = tpu.memref_slice %arg7[%dma_wait3A_127, %dma_wait3A_128] : memref<78x128xi32, #tpu.memory_space<vmem>> -> memref<1x128xi32, #tpu.memory_space<vmem>>
    %dma_wait3A_130 = tpu.memref_squeeze %dma_wait3A_129 : memref<1x128xi32, #tpu.memory_space<vmem>> -> memref<128xi32, #tpu.memory_space<vmem>>
    %dma_wait3A_131 = arith.constant 0 : i32
    %dma_wait3A_132 = arith.constant 0 : i32
    %dma_wait3A_133 = tpu.memref_slice %arg23[%dma_wait3A_131, %dma_wait3A_132] : memref<10112x32xf32, #tpu.memory_space<vmem_shared>> -> memref<10112x32xf32, #tpu.memory_space<vmem_shared>>
    tpu.wait_indirect_dma semaphore(%arg40 : memref<!tpu.dma_semaphore, #tpu.memory_space<semaphore_mem>>) src(%arg9 : memref<128x32xf32, #tpu.memory_space<vmem>>) dst(%dma_wait3A_133 : memref<10112x32xf32, #tpu.memory_space<vmem_shared>>)
    %dma_wait3A_134 = arith.constant 66 : i32
    %dma_wait3A_135 = arith.constant 0 : i32
    %dma_wait3A_136 = tpu.memref_slice %arg7[%dma_wait3A_134, %dma_wait3A_135] : memref<78x128xi32, #tpu.memory_space<vmem>> -> memref<1x128xi32, #tpu.memory_space<vmem>>
    %dma_wait3A_137 = tpu.memref_squeeze %dma_wait3A_136 : memref<1x128xi32, #tpu.memory_space<vmem>> -> memref<128xi32, #tpu.memory_space<vmem>>
    %dma_wait3A_138 = arith.constant 0 : i32
    %dma_wait3A_139 = arith.constant 0 : i32
    %dma_wait3A_140 = tpu.memref_slice %arg23[%dma_wait3A_138, %dma_wait3A_139] : memref<10112x32xf32, #tpu.memory_space<vmem_shared>> -> memref<10112x32xf32, #tpu.memory_space<vmem_shared>>
    tpu.wait_indirect_dma semaphore(%arg41 : memref<!tpu.dma_semaphore, #tpu.memory_space<semaphore_mem>>) src(%arg10 : memref<128x32xf32, #tpu.memory_space<vmem>>) dst(%dma_wait3A_140 : memref<10112x32xf32, #tpu.memory_space<vmem_shared>>)
    %dma_wait3A_141 = arith.constant 67 : i32
    %dma_wait3A_142 = arith.constant 0 : i32
    %dma_wait3A_143 = tpu.memref_slice %arg7[%dma_wait3A_141, %dma_wait3A_142] : memref<78x128xi32, #tpu.memory_space<vmem>> -> memref<1x128xi32, #tpu.memory_space<vmem>>
    %dma_wait3A_144 = tpu.memref_squeeze %dma_wait3A_143 : memref<1x128xi32, #tpu.memory_space<vmem>> -> memref<128xi32, #tpu.memory_space<vmem>>
    %dma_wait3A_145 = arith.constant 0 : i32
    %dma_wait3A_146 = arith.constant 0 : i32
    %dma_wait3A_147 = tpu.memref_slice %arg23[%dma_wait3A_145, %dma_wait3A_146] : memref<10112x32xf32, #tpu.memory_space<vmem_shared>> -> memref<10112x32xf32, #tpu.memory_space<vmem_shared>>
    tpu.wait_indirect_dma semaphore(%arg42 : memref<!tpu.dma_semaphore, #tpu.memory_space<semaphore_mem>>) src(%arg11 : memref<128x32xf32, #tpu.memory_space<vmem>>) dst(%dma_wait3A_147 : memref<10112x32xf32, #tpu.memory_space<vmem_shared>>)
    %dma_wait3A_148 = arith.constant 68 : i32
    %dma_wait3A_149 = arith.constant 0 : i32
    %dma_wait3A_150 = tpu.memref_slice %arg7[%dma_wait3A_148, %dma_wait3A_149] : memref<78x128xi32, #tpu.memory_space<vmem>> -> memref<1x128xi32, #tpu.memory_space<vmem>>
    %dma_wait3A_151 = tpu.memref_squeeze %dma_wait3A_150 : memref<1x128xi32, #tpu.memory_space<vmem>> -> memref<128xi32, #tpu.memory_space<vmem>>
    %dma_wait3A_152 = arith.constant 0 : i32
    %dma_wait3A_153 = arith.constant 0 : i32
    %dma_wait3A_154 = tpu.memref_slice %arg23[%dma_wait3A_152, %dma_wait3A_153] : memref<10112x32xf32, #tpu.memory_space<vmem_shared>> -> memref<10112x32xf32, #tpu.memory_space<vmem_shared>>
    tpu.wait_indirect_dma semaphore(%arg43 : memref<!tpu.dma_semaphore, #tpu.memory_space<semaphore_mem>>) src(%arg12 : memref<128x32xf32, #tpu.memory_space<vmem>>) dst(%dma_wait3A_154 : memref<10112x32xf32, #tpu.memory_space<vmem_shared>>)
    %dma_wait3A_155 = arith.constant 69 : i32
    %dma_wait3A_156 = arith.constant 0 : i32
    %dma_wait3A_157 = tpu.memref_slice %arg7[%dma_wait3A_155, %dma_wait3A_156] : memref<78x128xi32, #tpu.memory_space<vmem>> -> memref<1x128xi32, #tpu.memory_space<vmem>>
    %dma_wait3A_158 = tpu.memref_squeeze %dma_wait3A_157 : memref<1x128xi32, #tpu.memory_space<vmem>> -> memref<128xi32, #tpu.memory_space<vmem>>
    %dma_wait3A_159 = arith.constant 0 : i32
    %dma_wait3A_160 = arith.constant 0 : i32
    %dma_wait3A_161 = tpu.memref_slice %arg23[%dma_wait3A_159, %dma_wait3A_160] : memref<10112x32xf32, #tpu.memory_space<vmem_shared>> -> memref<10112x32xf32, #tpu.memory_space<vmem_shared>>
    tpu.wait_indirect_dma semaphore(%arg44 : memref<!tpu.dma_semaphore, #tpu.memory_space<semaphore_mem>>) src(%arg13 : memref<128x32xf32, #tpu.memory_space<vmem>>) dst(%dma_wait3A_161 : memref<10112x32xf32, #tpu.memory_space<vmem_shared>>)
    %dma_wait3A_162 = arith.constant 70 : i32
    %dma_wait3A_163 = arith.constant 0 : i32
    %dma_wait3A_164 = tpu.memref_slice %arg7[%dma_wait3A_162, %dma_wait3A_163] : memref<78x128xi32, #tpu.memory_space<vmem>> -> memref<1x128xi32, #tpu.memory_space<vmem>>
    %dma_wait3A_165 = tpu.memref_squeeze %dma_wait3A_164 : memref<1x128xi32, #tpu.memory_space<vmem>> -> memref<128xi32, #tpu.memory_space<vmem>>
    %dma_wait3A_166 = arith.constant 0 : i32
    %dma_wait3A_167 = arith.constant 0 : i32
    %dma_wait3A_168 = tpu.memref_slice %arg23[%dma_wait3A_166, %dma_wait3A_167] : memref<10112x32xf32, #tpu.memory_space<vmem_shared>> -> memref<10112x32xf32, #tpu.memory_space<vmem_shared>>
    tpu.wait_indirect_dma semaphore(%arg45 : memref<!tpu.dma_semaphore, #tpu.memory_space<semaphore_mem>>) src(%arg14 : memref<128x32xf32, #tpu.memory_space<vmem>>) dst(%dma_wait3A_168 : memref<10112x32xf32, #tpu.memory_space<vmem_shared>>)
    %dma_wait3A_169 = arith.constant 71 : i32
    %dma_wait3A_170 = arith.constant 0 : i32
    %dma_wait3A_171 = tpu.memref_slice %arg7[%dma_wait3A_169, %dma_wait3A_170] : memref<78x128xi32, #tpu.memory_space<vmem>> -> memref<1x128xi32, #tpu.memory_space<vmem>>
    %dma_wait3A_172 = tpu.memref_squeeze %dma_wait3A_171 : memref<1x128xi32, #tpu.memory_space<vmem>> -> memref<128xi32, #tpu.memory_space<vmem>>
    %dma_wait3A_173 = arith.constant 0 : i32
    %dma_wait3A_174 = arith.constant 0 : i32
    %dma_wait3A_175 = tpu.memref_slice %arg23[%dma_wait3A_173, %dma_wait3A_174] : memref<10112x32xf32, #tpu.memory_space<vmem_shared>> -> memref<10112x32xf32, #tpu.memory_space<vmem_shared>>
    tpu.wait_indirect_dma semaphore(%arg46 : memref<!tpu.dma_semaphore, #tpu.memory_space<semaphore_mem>>) src(%arg15 : memref<128x32xf32, #tpu.memory_space<vmem>>) dst(%dma_wait3A_175 : memref<10112x32xf32, #tpu.memory_space<vmem_shared>>)
    %dma_wait3A_176 = arith.constant 72 : i32
    %dma_wait3A_177 = arith.constant 0 : i32
    %dma_wait3A_178 = tpu.memref_slice %arg7[%dma_wait3A_176, %dma_wait3A_177] : memref<78x128xi32, #tpu.memory_space<vmem>> -> memref<1x128xi32, #tpu.memory_space<vmem>>
    %dma_wait3A_179 = tpu.memref_squeeze %dma_wait3A_178 : memref<1x128xi32, #tpu.memory_space<vmem>> -> memref<128xi32, #tpu.memory_space<vmem>>
    %dma_wait3A_180 = arith.constant 0 : i32
    %dma_wait3A_181 = arith.constant 0 : i32
    %dma_wait3A_182 = tpu.memref_slice %arg23[%dma_wait3A_180, %dma_wait3A_181] : memref<10112x32xf32, #tpu.memory_space<vmem_shared>> -> memref<10112x32xf32, #tpu.memory_space<vmem_shared>>
    tpu.wait_indirect_dma semaphore(%arg47 : memref<!tpu.dma_semaphore, #tpu.memory_space<semaphore_mem>>) src(%arg16 : memref<128x32xf32, #tpu.memory_space<vmem>>) dst(%dma_wait3A_182 : memref<10112x32xf32, #tpu.memory_space<vmem_shared>>)
    %dma_wait3A_183 = arith.constant 73 : i32
    %dma_wait3A_184 = arith.constant 0 : i32
    %dma_wait3A_185 = tpu.memref_slice %arg7[%dma_wait3A_183, %dma_wait3A_184] : memref<78x128xi32, #tpu.memory_space<vmem>> -> memref<1x128xi32, #tpu.memory_space<vmem>>
    %dma_wait3A_186 = tpu.memref_squeeze %dma_wait3A_185 : memref<1x128xi32, #tpu.memory_space<vmem>> -> memref<128xi32, #tpu.memory_space<vmem>>
    %dma_wait3A_187 = arith.constant 0 : i32
    %dma_wait3A_188 = arith.constant 0 : i32
    %dma_wait3A_189 = tpu.memref_slice %arg23[%dma_wait3A_187, %dma_wait3A_188] : memref<10112x32xf32, #tpu.memory_space<vmem_shared>> -> memref<10112x32xf32, #tpu.memory_space<vmem_shared>>
    tpu.wait_indirect_dma semaphore(%arg48 : memref<!tpu.dma_semaphore, #tpu.memory_space<semaphore_mem>>) src(%arg17 : memref<128x32xf32, #tpu.memory_space<vmem>>) dst(%dma_wait3A_189 : memref<10112x32xf32, #tpu.memory_space<vmem_shared>>)
    %dma_wait3A_190 = arith.constant 74 : i32
    %dma_wait3A_191 = arith.constant 0 : i32
    %dma_wait3A_192 = tpu.memref_slice %arg7[%dma_wait3A_190, %dma_wait3A_191] : memref<78x128xi32, #tpu.memory_space<vmem>> -> memref<1x128xi32, #tpu.memory_space<vmem>>
    %dma_wait3A_193 = tpu.memref_squeeze %dma_wait3A_192 : memref<1x128xi32, #tpu.memory_space<vmem>> -> memref<128xi32, #tpu.memory_space<vmem>>
    %dma_wait3A_194 = arith.constant 0 : i32
    %dma_wait3A_195 = arith.constant 0 : i32
    %dma_wait3A_196 = tpu.memref_slice %arg23[%dma_wait3A_194, %dma_wait3A_195] : memref<10112x32xf32, #tpu.memory_space<vmem_shared>> -> memref<10112x32xf32, #tpu.memory_space<vmem_shared>>
    tpu.wait_indirect_dma semaphore(%arg49 : memref<!tpu.dma_semaphore, #tpu.memory_space<semaphore_mem>>) src(%arg18 : memref<128x32xf32, #tpu.memory_space<vmem>>) dst(%dma_wait3A_196 : memref<10112x32xf32, #tpu.memory_space<vmem_shared>>)
    %dma_wait3A_197 = arith.constant 75 : i32
    %dma_wait3A_198 = arith.constant 0 : i32
    %dma_wait3A_199 = tpu.memref_slice %arg7[%dma_wait3A_197, %dma_wait3A_198] : memref<78x128xi32, #tpu.memory_space<vmem>> -> memref<1x128xi32, #tpu.memory_space<vmem>>
    %dma_wait3A_200 = tpu.memref_squeeze %dma_wait3A_199 : memref<1x128xi32, #tpu.memory_space<vmem>> -> memref<128xi32, #tpu.memory_space<vmem>>
    %dma_wait3A_201 = arith.constant 0 : i32
    %dma_wait3A_202 = arith.constant 0 : i32
    %dma_wait3A_203 = tpu.memref_slice %arg23[%dma_wait3A_201, %dma_wait3A_202] : memref<10112x32xf32, #tpu.memory_space<vmem_shared>> -> memref<10112x32xf32, #tpu.memory_space<vmem_shared>>
    tpu.wait_indirect_dma semaphore(%arg50 : memref<!tpu.dma_semaphore, #tpu.memory_space<semaphore_mem>>) src(%arg19 : memref<128x32xf32, #tpu.memory_space<vmem>>) dst(%dma_wait3A_203 : memref<10112x32xf32, #tpu.memory_space<vmem_shared>>)
    %dma_wait3A_204 = arith.constant 76 : i32
    %dma_wait3A_205 = arith.constant 0 : i32
    %dma_wait3A_206 = tpu.memref_slice %arg7[%dma_wait3A_204, %dma_wait3A_205] : memref<78x128xi32, #tpu.memory_space<vmem>> -> memref<1x128xi32, #tpu.memory_space<vmem>>
    %dma_wait3A_207 = tpu.memref_squeeze %dma_wait3A_206 : memref<1x128xi32, #tpu.memory_space<vmem>> -> memref<128xi32, #tpu.memory_space<vmem>>
    %dma_wait3A_208 = arith.constant 0 : i32
    %dma_wait3A_209 = arith.constant 0 : i32
    %dma_wait3A_210 = tpu.memref_slice %arg23[%dma_wait3A_208, %dma_wait3A_209] : memref<10112x32xf32, #tpu.memory_space<vmem_shared>> -> memref<10112x32xf32, #tpu.memory_space<vmem_shared>>
    tpu.wait_indirect_dma semaphore(%arg51 : memref<!tpu.dma_semaphore, #tpu.memory_space<semaphore_mem>>) src(%arg20 : memref<128x32xf32, #tpu.memory_space<vmem>>) dst(%dma_wait3A_210 : memref<10112x32xf32, #tpu.memory_space<vmem_shared>>)
    %dma_wait3A_211 = arith.constant 77 : i32
    %dma_wait3A_212 = arith.constant 0 : i32
    %dma_wait3A_213 = tpu.memref_slice %arg7[%dma_wait3A_211, %dma_wait3A_212] : memref<78x128xi32, #tpu.memory_space<vmem>> -> memref<1x128xi32, #tpu.memory_space<vmem>>
    %dma_wait3A_214 = tpu.memref_squeeze %dma_wait3A_213 : memref<1x128xi32, #tpu.memory_space<vmem>> -> memref<128xi32, #tpu.memory_space<vmem>>
    %dma_wait3A_215 = arith.constant 0 : i32
    %dma_wait3A_216 = arith.constant 0 : i32
    %dma_wait3A_217 = tpu.memref_slice %arg23[%dma_wait3A_215, %dma_wait3A_216] : memref<10112x32xf32, #tpu.memory_space<vmem_shared>> -> memref<10112x32xf32, #tpu.memory_space<vmem_shared>>
    tpu.wait_indirect_dma semaphore(%arg52 : memref<!tpu.dma_semaphore, #tpu.memory_space<semaphore_mem>>) src(%arg21 : memref<128x32xf32, #tpu.memory_space<vmem>>) dst(%dma_wait3A_217 : memref<10112x32xf32, #tpu.memory_space<vmem_shared>>)
    %barrier3A_218 = arith.constant 0 : index
    tpu.barrier barrier_id(%barrier3A_218)
    %mul3A_219 = arith.constant 632 : i32
    %mul3A_220 = arith.muli %arg1, %mul3A_219 : i32
    %mul3A_221 = arith.constant 632 : i32
    %mul3A_222 = arith.muli %arg1, %mul3A_221 : i32
    "tpu.region"() ({
      %run_scoped3A = tpu.sem_alloc : memref<!tpu.dma_semaphore, #tpu.memory_space<semaphore_mem>>
      %dma_start3A_223 = arith.constant 0 : i32
      %dma_start3A_224 = tpu.memref_slice %arg5[%arg0, %mul3A_222, %dma_start3A_223] : memref<2x10112x32xf32, #tpu.memory_space<hbm>> -> memref<1x632x32xf32, #tpu.memory_space<hbm>>
      %dma_start3A_225 = tpu.memref_squeeze %dma_start3A_224 : memref<1x632x32xf32, #tpu.memory_space<hbm>> -> memref<632x32xf32, #tpu.memory_space<hbm>>
      %dma_start3A_226 = arith.constant 0 : i32
      %dma_start3A_227 = tpu.memref_slice %arg23[%mul3A_220, %dma_start3A_226] : memref<10112x32xf32, #tpu.memory_space<vmem_shared>> -> memref<632x32xf32, #tpu.memory_space<vmem_shared>>
      tpu.enqueue_dma source(%dma_start3A_227 : memref<632x32xf32, #tpu.memory_space<vmem_shared>>) target(%dma_start3A_225 : memref<632x32xf32, #tpu.memory_space<hbm>>) target_semaphore(%run_scoped3A : memref<!tpu.dma_semaphore, #tpu.memory_space<semaphore_mem>>)
      %dma_wait3A_228 = arith.constant 0 : i32
      %dma_wait3A_229 = tpu.memref_slice %arg5[%arg0, %mul3A_222, %dma_wait3A_228] : memref<2x10112x32xf32, #tpu.memory_space<hbm>> -> memref<1x632x32xf32, #tpu.memory_space<hbm>>
      %dma_wait3A_230 = tpu.memref_squeeze %dma_wait3A_229 : memref<1x632x32xf32, #tpu.memory_space<hbm>> -> memref<632x32xf32, #tpu.memory_space<hbm>>
      %dma_wait3A_231 = arith.constant 0 : i32
      %dma_wait3A_232 = tpu.memref_slice %arg23[%mul3A_220, %dma_wait3A_231] : memref<10112x32xf32, #tpu.memory_space<vmem_shared>> -> memref<632x32xf32, #tpu.memory_space<vmem_shared>>
      tpu.wait_dma2 semaphore(%run_scoped3A : memref<!tpu.dma_semaphore, #tpu.memory_space<semaphore_mem>>) src(%dma_wait3A_232 : memref<632x32xf32, #tpu.memory_space<vmem_shared>>) dst(%dma_wait3A_230 : memref<632x32xf32, #tpu.memory_space<hbm>>)
      tpu.yield
    }) : () -> ()
    return
  }
}

module attributes {stable_mosaic.version = 14 : i64} {
  func.func @body(%arg0: memref<10000x128xf32, #tpu.memory_space<vmem>>, %arg1: memref<128x32xf32, #tpu.memory_space<vmem>>, %arg2: memref<10000x32xf32, #tpu.memory_space<vmem>>) attributes {dimension_semantics = [], scalar_prefetch = 0 : i64, scratch_operands = 0 : i64, tpu.core_type = #tpu.core_type<tc>} {
    %get3A = arith.constant 0 : index
    %get3A_0 = arith.constant 0 : index
    %get3A_1 = vector.load %arg0[%get3A, %get3A_0] : memref<10000x128xf32, #tpu.memory_space<vmem>>, vector<10000x128xf32>
    %get3A_2 = arith.constant 0 : index
    %get3A_3 = arith.constant 0 : index
    %get3A_4 = vector.load %arg1[%get3A_2, %get3A_3] : memref<128x32xf32, #tpu.memory_space<vmem>>, vector<128x32xf32>
    %dot_general3A = arith.constant dense<0.000000e+00> : vector<10000x32xf32>
    %dot_general3A_5 = tpu.matmul %get3A_1, %get3A_4, %dot_general3A {dimension_numbers = #tpu.dot_dimension_numbers<[1], [0], [0], [1], [0, 0, 1, 1], [], []>, transpose_lhs_hint = false} : vector<10000x128xf32>, vector<128x32xf32>, vector<10000x32xf32> -> vector<10000x32xf32>
    %swap3A = arith.constant 0 : index
    %swap3A_6 = arith.constant 0 : index
    %swap3A_7 = vector.load %arg2[%swap3A, %swap3A_6] : memref<10000x32xf32, #tpu.memory_space<vmem>>, vector<10000x32xf32>
    tpu.vector_store %arg2[%swap3A, %swap3A_6], %dot_general3A_5 {strides = array<i32>} : memref<10000x32xf32, #tpu.memory_space<vmem>>, vector<10000x32xf32>,
    return
  }
}

module attributes {stable_mosaic.version = 14 : i64} {
  func.func @body(%arg0: memref<2x10112x32xf32, #tpu.memory_space<vmem>>, %arg1: memref<10000x32xf32, #tpu.memory_space<vmem>>, %arg2: memref<1x32xf32, #tpu.memory_space<vmem>>, %arg3: memref<1x32xf32, #tpu.memory_space<vmem>>, %arg4: memref<1x32xf32, #tpu.memory_space<vmem>>, %arg5: memref<32x32xf32, #tpu.memory_space<vmem>>, %arg6: memref<10000x32xf32, #tpu.memory_space<vmem>>, %arg7: memref<10000x32xf32, #tpu.memory_space<vmem>>) attributes {dimension_semantics = [], scalar_prefetch = 0 : i64, scratch_operands = 0 : i64, tpu.core_type = #tpu.core_type<tc>} {
    %get3A = arith.constant 0 : index
    %get3A_0 = arith.constant 0 : index
    %get3A_1 = arith.constant 0 : index
    %get3A_2 = vector.load %arg0[%get3A, %get3A_0, %get3A_1] : memref<2x10112x32xf32, #tpu.memory_space<vmem>>, vector<1x10000x32xf32>
    %get3A_3 = vector.shape_cast %get3A_2 : vector<1x10000x32xf32> to vector<10000x32xf32>
    %get3A_4 = arith.constant 1 : index
    %get3A_5 = arith.constant 0 : index
    %get3A_6 = arith.constant 0 : index
    %get3A_7 = vector.load %arg0[%get3A_4, %get3A_5, %get3A_6] : memref<2x10112x32xf32, #tpu.memory_space<vmem>>, vector<1x10000x32xf32>
    %get3A_8 = vector.shape_cast %get3A_7 : vector<1x10000x32xf32> to vector<10000x32xf32>
    %add3A = arith.addf %get3A_3, %get3A_8 : vector<10000x32xf32>
    %get3A_9 = arith.constant 0 : index
    %get3A_10 = arith.constant 0 : index
    %get3A_11 = vector.load %arg1[%get3A_9, %get3A_10] : memref<10000x32xf32, #tpu.memory_space<vmem>>, vector<10000x32xf32>
    %add3A_12 = arith.addf %add3A, %get3A_11 : vector<10000x32xf32>
    %get3A_13 = arith.constant 0 : index
    %get3A_14 = arith.constant 0 : index
    %get3A_15 = vector.load %arg2[%get3A_13, %get3A_14] : memref<1x32xf32, #tpu.memory_space<vmem>>, vector<1x32xf32>
    %add3A_16 = vector.broadcast %get3A_15 : vector<1x32xf32> to vector<10000x32xf32>
    %add3A_17 = arith.addf %add3A_12, %add3A_16 : vector<10000x32xf32>
    %get3A_18 = arith.constant 0 : index
    %get3A_19 = arith.constant 0 : index
    %get3A_20 = vector.load %arg3[%get3A_18, %get3A_19] : memref<1x32xf32, #tpu.memory_space<vmem>>, vector<1x32xf32>
    %get3A_21 = arith.constant 0 : index
    %get3A_22 = arith.constant 0 : index
    %get3A_23 = vector.load %arg4[%get3A_21, %get3A_22] : memref<1x32xf32, #tpu.memory_space<vmem>>, vector<1x32xf32>
    %reduce_sum3A = arith.constant dense<0.000000e+00> : vector<32xf32>
    %reduce_sum3A_24 = vector.multi_reduction <add>, %add3A_17, %reduce_sum3A [0] : vector<10000x32xf32> to vector<32xf32>
    %broadcast_in_dim3A = vector.shape_cast %reduce_sum3A_24 : vector<32xf32> to vector<1x32xf32>
    %div3A = arith.constant 1.000000e+04 : f32
    %div3A_25 = vector.broadcast %div3A : f32 to vector<1x32xf32>
    %div3A_26 = arith.divf %broadcast_in_dim3A, %div3A_25 : vector<1x32xf32>
    %sub3A = vector.broadcast %div3A_26 : vector<1x32xf32> to vector<10000x32xf32>
    %sub3A_27 = arith.subf %add3A_17, %sub3A : vector<10000x32xf32>
    %integer_pow3A = arith.mulf %sub3A_27, %sub3A_27 : vector<10000x32xf32>
    %reduce_sum3A_28 = arith.constant dense<0.000000e+00> : vector<32xf32>
    %reduce_sum3A_29 = vector.multi_reduction <add>, %integer_pow3A, %reduce_sum3A_28 [0] : vector<10000x32xf32> to vector<32xf32>
    %broadcast_in_dim3A_30 = vector.shape_cast %reduce_sum3A_29 : vector<32xf32> to vector<1x32xf32>
    %div3A_31 = arith.constant 1.000000e+04 : f32
    %div3A_32 = vector.broadcast %div3A_31 : f32 to vector<1x32xf32>
    %div3A_33 = arith.divf %broadcast_in_dim3A_30, %div3A_32 : vector<1x32xf32>
    %sub3A_34 = vector.broadcast %div3A_26 : vector<1x32xf32> to vector<10000x32xf32>
    %sub3A_35 = arith.subf %add3A_17, %sub3A_34 : vector<10000x32xf32>
    %add3A_36 = arith.constant 9.99999974E-6 : f32
    %add3A_37 = vector.broadcast %add3A_36 : f32 to vector<1x32xf32>
    %add3A_38 = arith.addf %div3A_33, %add3A_37 : vector<1x32xf32>
    %rsqrt3A = math.rsqrt %add3A_38 : vector<1x32xf32>
    %mul3A = arith.constant 5.000000e-01 : f32
    %mul3A_39 = vector.broadcast %mul3A : f32 to vector<1x32xf32>
    %mul3A_40 = arith.mulf %mul3A_39, %add3A_38 : vector<1x32xf32>
    %mul3A_41 = arith.mulf %mul3A_40, %rsqrt3A : vector<1x32xf32>
    %mul3A_42 = arith.mulf %mul3A_41, %rsqrt3A : vector<1x32xf32>
    %sub3A_43 = arith.constant 1.500000e+00 : f32
    %sub3A_44 = vector.broadcast %sub3A_43 : f32 to vector<1x32xf32>
    %sub3A_45 = arith.subf %sub3A_44, %mul3A_42 : vector<1x32xf32>
    %mul3A_46 = arith.mulf %rsqrt3A, %sub3A_45 : vector<1x32xf32>
    %mul3A_47 = arith.constant 5.000000e-01 : f32
    %mul3A_48 = vector.broadcast %mul3A_47 : f32 to vector<1x32xf32>
    %mul3A_49 = arith.mulf %mul3A_48, %add3A_38 : vector<1x32xf32>
    %mul3A_50 = arith.mulf %mul3A_49, %mul3A_46 : vector<1x32xf32>
    %mul3A_51 = arith.mulf %mul3A_50, %mul3A_46 : vector<1x32xf32>
    %sub3A_52 = arith.constant 1.500000e+00 : f32
    %sub3A_53 = vector.broadcast %sub3A_52 : f32 to vector<1x32xf32>
    %sub3A_54 = arith.subf %sub3A_53, %mul3A_51 : vector<1x32xf32>
    %mul3A_55 = arith.mulf %mul3A_46, %sub3A_54 : vector<1x32xf32>
    %mul3A_56 = vector.broadcast %mul3A_55 : vector<1x32xf32> to vector<10000x32xf32>
    %mul3A_57 = arith.mulf %sub3A_35, %mul3A_56 : vector<10000x32xf32>
    %mul3A_58 = vector.broadcast %get3A_20 : vector<1x32xf32> to vector<10000x32xf32>
    %mul3A_59 = arith.mulf %mul3A_57, %mul3A_58 : vector<10000x32xf32>
    %add3A_60 = vector.broadcast %get3A_23 : vector<1x32xf32> to vector<10000x32xf32>
    %add3A_61 = arith.addf %mul3A_59, %add3A_60 : vector<10000x32xf32>
    %ge3A = arith.constant 0.000000e+00 : f32
    %ge3A_62 = vector.broadcast %ge3A : f32 to vector<10000x32xf32>
    %ge3A_63 = arith.cmpf oge, %add3A_61, %ge3A_62 : vector<10000x32xf32>
    %mul3A_64 = arith.constant 0.00999999977 : f32
    %mul3A_65 = vector.broadcast %mul3A_64 : f32 to vector<10000x32xf32>
    %mul3A_66 = arith.mulf %mul3A_65, %add3A_61 : vector<10000x32xf32>
    %select_n3A = arith.select %ge3A_63, %add3A_61, %mul3A_66 : vector<10000x32xi1>, vector<10000x32xf32>
    %mul3A_67 = arith.mulf %select_n3A, %select_n3A : vector<10000x32xf32>
    %reduce_sum3A_68 = arith.constant dense<0.000000e+00> : vector<10000xf32>
    %reduce_sum3A_69 = vector.multi_reduction <add>, %mul3A_67, %reduce_sum3A_68 [1] : vector<10000x32xf32> to vector<10000xf32>
    %broadcast_in_dim3A_70 = vector.shape_cast %reduce_sum3A_69 : vector<10000xf32> to vector<10000x1xf32>
    %max3A = arith.constant 1.000000e-24 : f32
    %max3A_71 = vector.broadcast %max3A : f32 to vector<10000x1xf32>
    %max3A_72 = arith.maximumf %broadcast_in_dim3A_70, %max3A_71 : vector<10000x1xf32>
    %rsqrt3A_73 = math.rsqrt %max3A_72 : vector<10000x1xf32>
    %mul3A_74 = arith.constant 5.000000e-01 : f32
    %mul3A_75 = vector.broadcast %mul3A_74 : f32 to vector<10000x1xf32>
    %mul3A_76 = arith.mulf %mul3A_75, %max3A_72 : vector<10000x1xf32>
    %mul3A_77 = arith.mulf %mul3A_76, %rsqrt3A_73 : vector<10000x1xf32>
    %mul3A_78 = arith.mulf %mul3A_77, %rsqrt3A_73 : vector<10000x1xf32>
    %sub3A_79 = arith.constant 1.500000e+00 : f32
    %sub3A_80 = vector.broadcast %sub3A_79 : f32 to vector<10000x1xf32>
    %sub3A_81 = arith.subf %sub3A_80, %mul3A_78 : vector<10000x1xf32>
    %mul3A_82 = arith.mulf %rsqrt3A_73, %sub3A_81 : vector<10000x1xf32>
    %mul3A_83 = arith.constant 5.000000e-01 : f32
    %mul3A_84 = vector.broadcast %mul3A_83 : f32 to vector<10000x1xf32>
    %mul3A_85 = arith.mulf %mul3A_84, %max3A_72 : vector<10000x1xf32>
    %mul3A_86 = arith.mulf %mul3A_85, %mul3A_82 : vector<10000x1xf32>
    %mul3A_87 = arith.mulf %mul3A_86, %mul3A_82 : vector<10000x1xf32>
    %sub3A_88 = arith.constant 1.500000e+00 : f32
    %sub3A_89 = vector.broadcast %sub3A_88 : f32 to vector<10000x1xf32>
    %sub3A_90 = arith.subf %sub3A_89, %mul3A_87 : vector<10000x1xf32>
    %mul3A_91 = arith.mulf %mul3A_82, %sub3A_90 : vector<10000x1xf32>
    %mul3A_92 = vector.broadcast %mul3A_91 : vector<10000x1xf32> to vector<10000x32xf32>
    %mul3A_93 = arith.mulf %select_n3A, %mul3A_92 : vector<10000x32xf32>
    %get3A_94 = arith.constant 0 : index
    %get3A_95 = arith.constant 0 : index
    %get3A_96 = vector.load %arg5[%get3A_94, %get3A_95] : memref<32x32xf32, #tpu.memory_space<vmem>>, vector<32x32xf32>
    %dot_general3A = arith.constant dense<0.000000e+00> : vector<10000x32xf32>
    %dot_general3A_97 = tpu.matmul %mul3A_93, %get3A_96, %dot_general3A {dimension_numbers = #tpu.dot_dimension_numbers<[1], [0], [0], [1], [0, 0, 1, 1], [], []>, transpose_lhs_hint = false} : vector<10000x32xf32>, vector<32x32xf32>, vector<10000x32xf32> -> vector<10000x32xf32>
    %swap3A = arith.constant 0 : index
    %swap3A_98 = arith.constant 0 : index
    %swap3A_99 = vector.load %arg6[%swap3A, %swap3A_98] : memref<10000x32xf32, #tpu.memory_space<vmem>>, vector<10000x32xf32>
    tpu.vector_store %arg6[%swap3A, %swap3A_98], %dot_general3A_97 {strides = array<i32>} : memref<10000x32xf32, #tpu.memory_space<vmem>>, vector<10000x32xf32>,
    %swap3A_100 = arith.constant 0 : index
    %swap3A_101 = arith.constant 0 : index
    %swap3A_102 = vector.load %arg7[%swap3A_100, %swap3A_101] : memref<10000x32xf32, #tpu.memory_space<vmem>>, vector<10000x32xf32>
    tpu.vector_store %arg7[%swap3A_100, %swap3A_101], %mul3A_93 {strides = array<i32>} : memref<10000x32xf32, #tpu.memory_space<vmem>>, vector<10000x32xf32>,
    return
  }
}

module attributes {stable_mosaic.version = 14 : i64} {
  func.func @body(%arg0: memref<10000x32xf32, #tpu.memory_space<vmem>>, %arg1: memref<32x32xf32, #tpu.memory_space<vmem>>, %arg2: memref<10000x32xf32, #tpu.memory_space<vmem>>) attributes {dimension_semantics = [], scalar_prefetch = 0 : i64, scratch_operands = 0 : i64, tpu.core_type = #tpu.core_type<tc>} {
    %get3A = arith.constant 0 : index
    %get3A_0 = arith.constant 0 : index
    %get3A_1 = vector.load %arg0[%get3A, %get3A_0] : memref<10000x32xf32, #tpu.memory_space<vmem>>, vector<10000x32xf32>
    %get3A_2 = arith.constant 0 : index
    %get3A_3 = arith.constant 0 : index
    %get3A_4 = vector.load %arg1[%get3A_2, %get3A_3] : memref<32x32xf32, #tpu.memory_space<vmem>>, vector<32x32xf32>
    %dot_general3A = arith.constant dense<0.000000e+00> : vector<10000x32xf32>
    %dot_general3A_5 = tpu.matmul %get3A_1, %get3A_4, %dot_general3A {dimension_numbers = #tpu.dot_dimension_numbers<[1], [0], [0], [1], [0, 0, 1, 1], [], []>, transpose_lhs_hint = false} : vector<10000x32xf32>, vector<32x32xf32>, vector<10000x32xf32> -> vector<10000x32xf32>
    %swap3A = arith.constant 0 : index
    %swap3A_6 = arith.constant 0 : index
    %swap3A_7 = vector.load %arg2[%swap3A, %swap3A_6] : memref<10000x32xf32, #tpu.memory_space<vmem>>, vector<10000x32xf32>
    tpu.vector_store %arg2[%swap3A, %swap3A_6], %dot_general3A_5 {strides = array<i32>} : memref<10000x32xf32, #tpu.memory_space<vmem>>, vector<10000x32xf32>,
    return
  }
}

module attributes {stable_mosaic.version = 14 : i64} {
  func.func @body(%arg0: memref<2x10112x32xf32, #tpu.memory_space<vmem>>, %arg1: memref<10000x32xf32, #tpu.memory_space<vmem>>, %arg2: memref<1x32xf32, #tpu.memory_space<vmem>>, %arg3: memref<1x32xf32, #tpu.memory_space<vmem>>, %arg4: memref<1x32xf32, #tpu.memory_space<vmem>>, %arg5: memref<32x32xf32, #tpu.memory_space<vmem>>, %arg6: memref<1x32xf32, #tpu.memory_space<vmem>>, %arg7: memref<10000x32xf32, #tpu.memory_space<vmem>>) attributes {dimension_semantics = [], scalar_prefetch = 0 : i64, scratch_operands = 0 : i64, tpu.core_type = #tpu.core_type<tc>} {
    %get3A = arith.constant 0 : index
    %get3A_0 = arith.constant 0 : index
    %get3A_1 = arith.constant 0 : index
    %get3A_2 = vector.load %arg0[%get3A, %get3A_0, %get3A_1] : memref<2x10112x32xf32, #tpu.memory_space<vmem>>, vector<1x10000x32xf32>
    %get3A_3 = vector.shape_cast %get3A_2 : vector<1x10000x32xf32> to vector<10000x32xf32>
    %get3A_4 = arith.constant 1 : index
    %get3A_5 = arith.constant 0 : index
    %get3A_6 = arith.constant 0 : index
    %get3A_7 = vector.load %arg0[%get3A_4, %get3A_5, %get3A_6] : memref<2x10112x32xf32, #tpu.memory_space<vmem>>, vector<1x10000x32xf32>
    %get3A_8 = vector.shape_cast %get3A_7 : vector<1x10000x32xf32> to vector<10000x32xf32>
    %add3A = arith.addf %get3A_3, %get3A_8 : vector<10000x32xf32>
    %get3A_9 = arith.constant 0 : index
    %get3A_10 = arith.constant 0 : index
    %get3A_11 = vector.load %arg1[%get3A_9, %get3A_10] : memref<10000x32xf32, #tpu.memory_space<vmem>>, vector<10000x32xf32>
    %add3A_12 = arith.addf %add3A, %get3A_11 : vector<10000x32xf32>
    %get3A_13 = arith.constant 0 : index
    %get3A_14 = arith.constant 0 : index
    %get3A_15 = vector.load %arg2[%get3A_13, %get3A_14] : memref<1x32xf32, #tpu.memory_space<vmem>>, vector<1x32xf32>
    %add3A_16 = vector.broadcast %get3A_15 : vector<1x32xf32> to vector<10000x32xf32>
    %add3A_17 = arith.addf %add3A_12, %add3A_16 : vector<10000x32xf32>
    %get3A_18 = arith.constant 0 : index
    %get3A_19 = arith.constant 0 : index
    %get3A_20 = vector.load %arg3[%get3A_18, %get3A_19] : memref<1x32xf32, #tpu.memory_space<vmem>>, vector<1x32xf32>
    %get3A_21 = arith.constant 0 : index
    %get3A_22 = arith.constant 0 : index
    %get3A_23 = vector.load %arg4[%get3A_21, %get3A_22] : memref<1x32xf32, #tpu.memory_space<vmem>>, vector<1x32xf32>
    %reduce_sum3A = arith.constant dense<0.000000e+00> : vector<32xf32>
    %reduce_sum3A_24 = vector.multi_reduction <add>, %add3A_17, %reduce_sum3A [0] : vector<10000x32xf32> to vector<32xf32>
    %broadcast_in_dim3A = vector.shape_cast %reduce_sum3A_24 : vector<32xf32> to vector<1x32xf32>
    %div3A = arith.constant 1.000000e+04 : f32
    %div3A_25 = vector.broadcast %div3A : f32 to vector<1x32xf32>
    %div3A_26 = arith.divf %broadcast_in_dim3A, %div3A_25 : vector<1x32xf32>
    %sub3A = vector.broadcast %div3A_26 : vector<1x32xf32> to vector<10000x32xf32>
    %sub3A_27 = arith.subf %add3A_17, %sub3A : vector<10000x32xf32>
    %integer_pow3A = arith.mulf %sub3A_27, %sub3A_27 : vector<10000x32xf32>
    %reduce_sum3A_28 = arith.constant dense<0.000000e+00> : vector<32xf32>
    %reduce_sum3A_29 = vector.multi_reduction <add>, %integer_pow3A, %reduce_sum3A_28 [0] : vector<10000x32xf32> to vector<32xf32>
    %broadcast_in_dim3A_30 = vector.shape_cast %reduce_sum3A_29 : vector<32xf32> to vector<1x32xf32>
    %div3A_31 = arith.constant 1.000000e+04 : f32
    %div3A_32 = vector.broadcast %div3A_31 : f32 to vector<1x32xf32>
    %div3A_33 = arith.divf %broadcast_in_dim3A_30, %div3A_32 : vector<1x32xf32>
    %sub3A_34 = vector.broadcast %div3A_26 : vector<1x32xf32> to vector<10000x32xf32>
    %sub3A_35 = arith.subf %add3A_17, %sub3A_34 : vector<10000x32xf32>
    %add3A_36 = arith.constant 9.99999974E-6 : f32
    %add3A_37 = vector.broadcast %add3A_36 : f32 to vector<1x32xf32>
    %add3A_38 = arith.addf %div3A_33, %add3A_37 : vector<1x32xf32>
    %rsqrt3A = math.rsqrt %add3A_38 : vector<1x32xf32>
    %mul3A = arith.constant 5.000000e-01 : f32
    %mul3A_39 = vector.broadcast %mul3A : f32 to vector<1x32xf32>
    %mul3A_40 = arith.mulf %mul3A_39, %add3A_38 : vector<1x32xf32>
    %mul3A_41 = arith.mulf %mul3A_40, %rsqrt3A : vector<1x32xf32>
    %mul3A_42 = arith.mulf %mul3A_41, %rsqrt3A : vector<1x32xf32>
    %sub3A_43 = arith.constant 1.500000e+00 : f32
    %sub3A_44 = vector.broadcast %sub3A_43 : f32 to vector<1x32xf32>
    %sub3A_45 = arith.subf %sub3A_44, %mul3A_42 : vector<1x32xf32>
    %mul3A_46 = arith.mulf %rsqrt3A, %sub3A_45 : vector<1x32xf32>
    %mul3A_47 = arith.constant 5.000000e-01 : f32
    %mul3A_48 = vector.broadcast %mul3A_47 : f32 to vector<1x32xf32>
    %mul3A_49 = arith.mulf %mul3A_48, %add3A_38 : vector<1x32xf32>
    %mul3A_50 = arith.mulf %mul3A_49, %mul3A_46 : vector<1x32xf32>
    %mul3A_51 = arith.mulf %mul3A_50, %mul3A_46 : vector<1x32xf32>
    %sub3A_52 = arith.constant 1.500000e+00 : f32
    %sub3A_53 = vector.broadcast %sub3A_52 : f32 to vector<1x32xf32>
    %sub3A_54 = arith.subf %sub3A_53, %mul3A_51 : vector<1x32xf32>
    %mul3A_55 = arith.mulf %mul3A_46, %sub3A_54 : vector<1x32xf32>
    %mul3A_56 = vector.broadcast %mul3A_55 : vector<1x32xf32> to vector<10000x32xf32>
    %mul3A_57 = arith.mulf %sub3A_35, %mul3A_56 : vector<10000x32xf32>
    %mul3A_58 = vector.broadcast %get3A_20 : vector<1x32xf32> to vector<10000x32xf32>
    %mul3A_59 = arith.mulf %mul3A_57, %mul3A_58 : vector<10000x32xf32>
    %add3A_60 = vector.broadcast %get3A_23 : vector<1x32xf32> to vector<10000x32xf32>
    %add3A_61 = arith.addf %mul3A_59, %add3A_60 : vector<10000x32xf32>
    %ge3A = arith.constant 0.000000e+00 : f32
    %ge3A_62 = vector.broadcast %ge3A : f32 to vector<10000x32xf32>
    %ge3A_63 = arith.cmpf oge, %add3A_61, %ge3A_62 : vector<10000x32xf32>
    %mul3A_64 = arith.constant 0.00999999977 : f32
    %mul3A_65 = vector.broadcast %mul3A_64 : f32 to vector<10000x32xf32>
    %mul3A_66 = arith.mulf %mul3A_65, %add3A_61 : vector<10000x32xf32>
    %select_n3A = arith.select %ge3A_63, %add3A_61, %mul3A_66 : vector<10000x32xi1>, vector<10000x32xf32>
    %mul3A_67 = arith.mulf %select_n3A, %select_n3A : vector<10000x32xf32>
    %reduce_sum3A_68 = arith.constant dense<0.000000e+00> : vector<10000xf32>
    %reduce_sum3A_69 = vector.multi_reduction <add>, %mul3A_67, %reduce_sum3A_68 [1] : vector<10000x32xf32> to vector<10000xf32>
    %broadcast_in_dim3A_70 = vector.shape_cast %reduce_sum3A_69 : vector<10000xf32> to vector<10000x1xf32>
    %max3A = arith.constant 1.000000e-24 : f32
    %max3A_71 = vector.broadcast %max3A : f32 to vector<10000x1xf32>
    %max3A_72 = arith.maximumf %broadcast_in_dim3A_70, %max3A_71 : vector<10000x1xf32>
    %rsqrt3A_73 = math.rsqrt %max3A_72 : vector<10000x1xf32>
    %mul3A_74 = arith.constant 5.000000e-01 : f32
    %mul3A_75 = vector.broadcast %mul3A_74 : f32 to vector<10000x1xf32>
    %mul3A_76 = arith.mulf %mul3A_75, %max3A_72 : vector<10000x1xf32>
    %mul3A_77 = arith.mulf %mul3A_76, %rsqrt3A_73 : vector<10000x1xf32>
    %mul3A_78 = arith.mulf %mul3A_77, %rsqrt3A_73 : vector<10000x1xf32>
    %sub3A_79 = arith.constant 1.500000e+00 : f32
    %sub3A_80 = vector.broadcast %sub3A_79 : f32 to vector<10000x1xf32>
    %sub3A_81 = arith.subf %sub3A_80, %mul3A_78 : vector<10000x1xf32>
    %mul3A_82 = arith.mulf %rsqrt3A_73, %sub3A_81 : vector<10000x1xf32>
    %mul3A_83 = arith.constant 5.000000e-01 : f32
    %mul3A_84 = vector.broadcast %mul3A_83 : f32 to vector<10000x1xf32>
    %mul3A_85 = arith.mulf %mul3A_84, %max3A_72 : vector<10000x1xf32>
    %mul3A_86 = arith.mulf %mul3A_85, %mul3A_82 : vector<10000x1xf32>
    %mul3A_87 = arith.mulf %mul3A_86, %mul3A_82 : vector<10000x1xf32>
    %sub3A_88 = arith.constant 1.500000e+00 : f32
    %sub3A_89 = vector.broadcast %sub3A_88 : f32 to vector<10000x1xf32>
    %sub3A_90 = arith.subf %sub3A_89, %mul3A_87 : vector<10000x1xf32>
    %mul3A_91 = arith.mulf %mul3A_82, %sub3A_90 : vector<10000x1xf32>
    %mul3A_92 = vector.broadcast %mul3A_91 : vector<10000x1xf32> to vector<10000x32xf32>
    %mul3A_93 = arith.mulf %select_n3A, %mul3A_92 : vector<10000x32xf32>
    %get3A_94 = arith.constant 0 : index
    %get3A_95 = arith.constant 0 : index
    %get3A_96 = vector.load %arg5[%get3A_94, %get3A_95] : memref<32x32xf32, #tpu.memory_space<vmem>>, vector<32x32xf32>
    %dot_general3A = arith.constant dense<0.000000e+00> : vector<10000x32xf32>
    %dot_general3A_97 = tpu.matmul %mul3A_93, %get3A_96, %dot_general3A {dimension_numbers = #tpu.dot_dimension_numbers<[1], [0], [0], [1], [0, 0, 1, 1], [], []>, transpose_lhs_hint = false} : vector<10000x32xf32>, vector<32x32xf32>, vector<10000x32xf32> -> vector<10000x32xf32>
    %get3A_98 = arith.constant 0 : index
    %get3A_99 = arith.constant 0 : index
    %get3A_100 = vector.load %arg6[%get3A_98, %get3A_99] : memref<1x32xf32, #tpu.memory_space<vmem>>, vector<1x32xf32>
    %add3A_101 = vector.broadcast %get3A_100 : vector<1x32xf32> to vector<10000x32xf32>
    %add3A_102 = arith.addf %dot_general3A_97, %add3A_101 : vector<10000x32xf32>
    %swap3A = arith.constant 0 : index
    %swap3A_103 = arith.constant 0 : index
    %swap3A_104 = vector.load %arg7[%swap3A, %swap3A_103] : memref<10000x32xf32, #tpu.memory_space<vmem>>, vector<10000x32xf32>
    tpu.vector_store %arg7[%swap3A, %swap3A_103], %add3A_102 {strides = array<i32>} : memref<10000x32xf32, #tpu.memory_space<vmem>>, vector<10000x32xf32>,
    return
  }
}

</mosaic_0001>

<sc_bundles>
// kernel: kernel.12.cloned.1.call-start
scs
__scs_entry_jumppad:
0x0: {  	(pc) =	sbr.rel $0x88, $3  }
0x1: {  	(tag) =	ssettag $0x0;
	lr =	simm.s32 $0x1  }
0x2: {  	[smem:$0x3F93] =	sst lr;
	_ =	strace $0xD0000000  }
0x3: {  	_ = 	snop  }
0x4: {  	_ = 	snop  }
0x5: {  	_ = 	snop  }
0x6: {  	_ = 	snop  }
0x7: {  	_ = 	snop  }
__scs_overlays_trampoline_lowered:
0x8: {  	[smem:$0x3FA2] =	sst s0  }
0x9: {  	[smem:$0x3FA3] =	sst s1  }
0xa: {  	[smem:$0x3FA4] =	sst s2  }
0xb: {  	[smem:$0x3FA5] =	sst s3  }
0xc: {  	[smem:$0x3FA6] =	sst s4  }
0xd: {  	[smem:$0x3FA7] =	sst s5  }
0xe: {  	[smem:$0x3FA8] =	sst s6  }
0xf: {  	[smem:$0x3FA9] =	sst s7  }
0x10: {  	[smem:$0x3FAA] =	sst s8  }
0x11: {  	[smem:$0x3FAB] =	sst s9;
	s0 =	simm.s32 @!p0 $0x0  }
0x12: {  	s1 =	sld [smem:$0x3F91];
	s0 =	simm.s32 @p0 $0x1  }
0x13: {  	[smem:$0x3FAC] =	sst s0;
	s0 =	simm.s32 @!p1 $0x0  }
0x14: {  	s2 =	sld [smem:$0x3F90];
	s0 =	simm.s32 @p1 $0x1  }
0x15: {  	[smem:$0x3FAD] =	sst s0;
	s0 =	simm.s32 @!p2 $0x0  }
0x16: {  	s3 =	sld [smem:$0x3FDB];
	s0 =	simm.s32 @p2 $0x1  }
0x17: {  	s4 =	simm.s32 $0x1BF5;
	[smem:$0x3FAF] =	sst s0  }
0x18: {  	s0 =	sld [smem:$0x3F92];
	_ =	swait.ge [sflag:s4], $0x0  }
0x19: {  	s7 =	sld [smem:$0x3F93]  }
0x1a: {  	s8 =	sadd.s32 $0xFFFFE003, lr  }
0x1b: {  	s9 =	sadd.s32 $0xFFFFFEF7, lr;
	s5 =	simm.s32 $0xFFFFFFFF;
	p2 =	slt.u32 s8, $0xFFFFF086  }
0x1c: {  	p1 =	slt.u32 s9, $0xF7A;
	s5 =	simm.s32 @!p2 $0x0  }
0x1d: {  	s5 =	simm.s32 @p1 $0x1;
	p0 =	seq.s32 s7, s2  }
0x1e: {  	s7 =	smul.u32 @!p0 $0xF7A, s2;
	p2 =	seq.s32 @!p0 s5, $0x0  }
0x1f: {  	s9 =	smul.u32 $0xF7A, s1;
	s8 =	simm.s32 @!p0 $0x1BF5;
	p2 =	por !p2, p0  }
0x20: {  	[sflag:s8] =	ssyncset.s32 @!p0 $0xFFFFF086;
	s6 =	sadd.s32 @!p0 s3, s7;
	s7 =	simm.s32 @!p0 $0x108  }
0x21: {  	s3 =	sadd.s32 s3, s9;
	s6 =	sadd.s32 @!p0 $0x88, s6;
	s7 =	simm.s32 @p2 $0x1082  }
0x22: {  	[simem:s7], [sflag:s8] =	dma.local @!p0 [hbm:s6], $0xF7A  }
0x23: {  	s9 =	sor.u32 $0xD0000000, s2;
	s6 =	simm.s32 $0x108;
	_ =	swait.ge @!p0 [sflag:s8], $0x0  }
0x24: {  	s3 =	sadd.s32 $0x88, s3;
	s6 =	simm.s32 @!p1 $0x1082;
	[sflag:s4] =	ssyncset.s32 $0xFFFFF086  }
0x25: {  	[simem:s6], [sflag:s4] =	dma.local [hbm:s3], $0xF7A  }
0x26: {  	[smem:$0x3F93] =	sst s1;
	(tag) =	ssettag s2;
	_ =	strace s9  }
0x27: {  	s1 =	sld [smem:$0x3FA3]  }
0x28: {  	s2 =	sld [smem:$0x3FA4]  }
0x29: {  	s4 =	sld [smem:$0x3FA6]  }
0x2a: {  	p0 =	seq.s32 s5, $0x0;
	s5 =	sld [smem:$0x3FA7]  }
0x2b: {  	s6 =	sld [smem:$0x3FA8]  }
0x2c: {  	s7 =	sld [smem:$0x3FA9]  }
0x2d: {  	s3 =	simm.s32 $0x108;
	s8 =	sld [smem:$0x3FAA]  }
0x2e: {  	s3 =	simm.s32 @!p0 $0x1082;
	s9 =	sld [smem:$0x3FAB]  }
0x2f: {  	lr =	sadd.s32 s0, s3;
	s0 =	sld [smem:$0x3FA2]  }
0x30: {  	s3 =	sld [smem:$0x3FA5]  }
0x31: {  	[smem:$0x3FAE] =	sst s10  }
0x32: {  	s10 =	sld [smem:$0x3FAC];
	_ =	sdelay $0x3  }
0x33: {  	p0 =	seq.s32 s10, $0x1;
	s10 =	sld [smem:$0x3FAE];
	_ =	sdelay $0x3  }
0x34: {  	[smem:$0x3FAE] =	sst s10  }
0x35: {  	s10 =	sld [smem:$0x3FAD];
	_ =	sdelay $0x3  }
0x36: {  	p1 =	seq.s32 s10, $0x1;
	s10 =	sld [smem:$0x3FAE];
	_ =	sdelay $0x3  }
0x37: {  	[smem:$0x3FAE] =	sst s10  }
0x38: {  	s10 =	sld [smem:$0x3FAF]  }
0x39: {  	_ = 	snop;
	(pc) =	sbr.ind lr, $3  }
0x3a: {  	_ = 	snop  }
0x3b: {  	_ = 	snop  }
0x3c: {  	p2 =	seq.s32 s10, $0x1;
	s10 =	sld [smem:$0x3FAE]  }
0x3d: {  	_ =	shalt  }
0x3e: {  	_ =	shalt  }
0x3f: {  	_ =	shalt  }
0x40: {  	_ =	shalt  }
0x41: {  	_ =	shalt  }
0x42: {  	_ =	shalt  }
0x43: {  	_ =	shalt  }
0x44: {  	_ =	shalt  }
0x45: {  	_ =	shalt  }
0x46: {  	_ =	shalt  }
0x47: {  	_ =	shalt  }
0x48: {  	_ =	shalt  }
0x49: {  	_ =	shalt  }
0x4a: {  	_ =	shalt  }
0x4b: {  	_ =	shalt  }
0x4c: {  	_ =	shalt  }
0x4d: {  	_ =	shalt  }
0x4e: {  	_ =	shalt  }
0x4f: {  	_ =	shalt  }
0x50: {  	_ =	shalt  }
0x51: {  	_ =	shalt  }
0x52: {  	_ =	shalt  }
0x53: {  	_ =	shalt  }
0x54: {  	_ =	shalt  }
0x55: {  	_ =	shalt  }
0x56: {  	_ =	shalt  }
0x57: {  	_ =	shalt  }
0x58: {  	_ =	shalt  }
0x59: {  	_ =	shalt  }
0x5a: {  	_ =	shalt  }
0x5b: {  	_ =	shalt  }
0x5c: {  	_ =	shalt  }
0x5d: {  	_ =	shalt  }
0x5e: {  	_ =	shalt  }
0x5f: {  	_ =	shalt  }
0x60: {  	_ =	shalt  }
0x61: {  	_ =	shalt  }
0x62: {  	_ =	shalt  }
0x63: {  	_ =	shalt  }
0x64: {  	_ =	shalt  }
0x65: {  	_ =	shalt  }
0x66: {  	_ =	shalt  }
0x67: {  	_ =	shalt  }
0x68: {  	_ =	shalt  }
0x69: {  	_ =	shalt  }
0x6a: {  	_ =	shalt  }
0x6b: {  	_ =	shalt  }
0x6c: {  	_ =	shalt  }
0x6d: {  	_ =	shalt  }
0x6e: {  	_ =	shalt  }
0x6f: {  	_ =	shalt  }
0x70: {  	_ =	shalt  }
0x71: {  	_ =	shalt  }
0x72: {  	_ =	shalt  }
0x73: {  	_ =	shalt  }
0x74: {  	_ =	shalt  }
0x75: {  	_ =	shalt  }
0x76: {  	_ =	shalt  }
0x77: {  	_ =	shalt  }
0x78: {  	_ =	shalt  }
0x79: {  	_ =	shalt  }
0x7a: {  	_ =	shalt  }
0x7b: {  	_ =	shalt  }
0x7c: {  	_ =	shalt  }
0x7d: {  	_ =	shalt  }
0x7e: {  	_ =	shalt  }
0x7f: {  	_ =	shalt  }
0x80: {  	_ =	shalt  }
0x81: {  	_ =	shalt  }
0x82: {  	_ =	shalt  }
0x83: {  	_ =	shalt  }
0x84: {  	_ =	shalt  }
0x85: {  	_ =	shalt  }
0x86: {  	_ =	shalt  }
0x87: {  	_ =	shalt  }
.Lfunc_end0:
.L_simem_size_0:
called_computation.1_lowered:
.L_overlay_start_0:
0x88: {  	s2 =	sld [smem:$0x3FD9]  }
0x89: {  	s3 =	sld [smem:$0x3FFE];
	_ =	sdelay $0x1  }
0x8a: {  	s1 =	srdreg.scid  }
0x8b: {  	s0 =	sand.u32 $0x1, s1  }
0x8c: {  	s17 =	sshll.u32 s0, $0xA;
	s2 =	sadd.s32 s3, s2  }
0x8d: {  	s2 =	sadd.s32 s2, s17  }
0x8e: {  	[smem:$0x3FBA] =	sst s2  }
0x8f: {  	_ = 	snop  }
0x90: {  	s2 =	sld [smem:$0x3FD0];
	(tm) =	ssettm $0x1  }
0x91: {  	s18 =	sld [smem:$0x3FFB];
	_ =	sdelay $0x3  }
0x92: {  	_ =	strace s18  }
0x93: {  	s3 =	sld [smem:$0x3FFC];
	_ =	sdelay $0x3  }
0x94: {  	_ =	strace s3  }
0x95: {  	s3 =	sld [smem:$0x3FFD];
	_ =	sdelay $0x3  }
0x96: {  	_ =	strace s3  }
0x97: {  	_ =	strace $0x8FFFFFFF  }
0x98: {  	s19 =	sld [smem:$0x3FDB];
	_ =	sdelay $0x1  }
0x99: {  	s4 =	simm.s32 $_scs_section_size  }
0x9a: {  	s5 =	simm.s32 $_size__tile_overlayer_lowered;
	s6 =	simm.s32 $_tile_overlayer_lowered  }
0x9b: {  	s22 =	simm.s32 $0x1BFF;
	s21 =	sshll.u32 s6, $0x1;
	s3 =	sadd.s32 s4, s19  }
0x9c: {  	s7 =	simm.s32 $0x0;
	s20 =	sshll.u32 s5, $0x1;
	s5 =	sadd.s32 s21, s3  }
0x9d: {  	[timem:s7], [sflag:s22] =	dma.local [hbm:s5], s20  }
0x9e: {  	_ =	swait.ge [sflag:s22], s20  }
0x9f: {  	s4 =	ssub.s32 $0x0, s20;
	[sflag:s22] =	ssyncset.done $0x0  }
0xa0: {  	[sflag:s22] =	ssyncadd.s32 s4;
	_ =	sdelay $0x1  }
0xa1: {  	s23 =	simm.s32 $0x1B8B  }
0xa2: {  	_ =	swait.ge [sflag:s23], $0x1  }
0xa3: {  	[sflag:s23] =	ssyncset.done $0x0  }
0xa4: {  	s25 =	simm.s32 $0x1B8E;
	s24 =	sld [smem:$0x3FFE];
	[sflag:s23] =	ssyncadd.s32 $0xFFFFFFFF  }
0xa5: {  	s26 =	simm.s32 $execute0_lowered;
	[smem:$0x3FD2] =	sst s25  }
0xa6: {  	s5 =	sshll.u32 s26, $0x1;
	_ =	strace $0x80000049;
	[dreg:$0x1] =	wrdreg $0xFFFFFFFF  }
0xa7: {  	s28 =	simm.s32 $_size_execute0_lowered;
	s3 =	sadd.s32 s3, s5;
	[dreg:$0x0] =	wrdreg $0x0  }
0xa8: {  	s5 =	sshll.u32 s28, $0x1;
	[dreg:$0x2] =	wrdreg s3  }
0xa9: {  	[dreg:$0x3] =	wrdreg s5  }
0xaa: {  	[dreg:$0x4] =	wrdreg $0xC0  }
0xab: {  	_ =	task [dreg:s7], $0x5FFFF  }
0xac: {  	[dreg:$0x1] =	wrdreg $0xFFFFFFFF  }
0xad: {  	[dreg:$0x0] =	wrdreg $0x60  }
0xae: {  	[dreg:$0x2] =	wrdreg s24  }
0xaf: {  	[dreg:$0x3] =	wrdreg s2  }
0xb0: {  	[dreg:$0x4] =	wrdreg $0x120200  }
0xb1: {  	[dreg:$0x5] =	wrdreg $0x9  }
0xb2: {  	_ =	task.clear_ibuf [dreg:s7], $0x6FFFF;
	_ =	strace $0x90000049  }
0xb3: {  	s29 =	simm.s32 $0x9;
	_ =	strace $0x8000004B  }
0xb4: {  	_ =	swait.ge [sflag:s29], $0x1  }
0xb5: {  	[sflag:s29] =	ssyncadd.s32 $0xFFFFFFFF  }
0xb6: {  	_ =	strace $0x9000004B  }
0xb7: {  	_ =	sfence  }
0xb8: {  	s30 =	sld [smem:$0x0];
	_ =	sdelay $0x2  }
0xb9: {  	s31 =	sshll.u32 s1, $0xD;
	s1 =	sshrl.u32 s1, $0x2  }
0xba: {  	s3 =	sand.u32 $0x4000, s31;
	s1 =	sadd.s32 s1, s30  }
0xbb: {  	s0 =	sor.u32 s3, s0;
	s1 =	sshll.u32 s1, $0x11  }
0xbc: {  	s0 =	sor.u32 s1, s0  }
0xbd: {  	s0 =	sadd.s32 $0x8F2B, s0  }
0xbe: {  	[sflag:s0] =	ssyncadd.remote.s32 $0x1  }
0xbf: {  	_ =	sfence.sel $0xFFFF  }
0xc0: {  	[dreg:$0x0] =	wrdreg $0xFFFFFFFF;
	(pc) =	sbr.abs _section_cstart, $3  }
0xc1: {  	[dreg:$0x1] =	wrdreg $0xFFFFFFFF  }
0xc2: {  	_ =	task.clear_ibuf [dreg:s7], $0x2FFFF;
	_ =	strace $0x9FFFFFFF  }
0xc3: {  	(tm) =	ssettm $0x7FFFFFFF  }
tec
execute0_lowered:
.L_overlay_start_1:
0x0: {  	(tag) =	ssettag $0x1  }
0x1: {  	s0 =	rddreg [dreg:$0x0]  }
0x2: {  	s1 =	rddreg [dreg:$0x1]  }
0x3: {  	s2 =	rddreg [dreg:$0x2]  }
0x4: {  	s4 =	srdreg.scid;
	s12 =	stileid.u32;
	s3 =	simm.s32 $0x0  }
0x5: {  	s16 =	simm.s32 $0x80;
	s13 =	simm.s32 $0xBE20;
	s15 =	simm.s32 $0xCE20  }
0x6: {  	s17 =	simm.s32 $0xDE20;
	s18 =	simm.s32 $0xEE20;
	s28 =	simm.s32 $0x3  }
0x7: {  	s29 =	simm.s32 $0x16;
	s31 =	simm.s32 $0x17;
	s30 =	simm.s32 $0x1B  }
0x8: {  	s5 =	sand.u32 $0x1, s4;
	s6 =	smul.u32 $0x4F00, s12;
	[smem:$0x7FF] =	sst s3  }
0x9: {  	s4 =	sadd.s32 $0x15C00, s0;
	s9 =	sadd.s32 $0x2200, s0;
	s11 =	smul.u32 $0x2710, s12  }
0xa: {  	s22 =	sshll.u32 s12, $0x6;
	s7 =	smul.u32 $0x4F000, s5;
	s8 =	sshll.u32 s5, $0x4  }
0xb: {  	_ =	strace $0x8000004A;
	s10 =	ssub.s32 $0x2, s5;
	s5 =	smul.u32 $0x27100, s5  }
0xc: {  	[dreg:$0x5] =	wrdreg s22;
	s24 =	sor.u32 $0x1C01, s22;
	s22 =	simm.s32 $0x10E20  }
0xd: {  	s8 =	sor.u32 s12, s8;
	s19 =	sshrl.u32 s10, $0x1;
	s20 =	sadd.s32 s6, s2  }
0xe: {  	[dreg:$0x7] =	wrdreg s24;
	s24 =	simm.s32 $0x11E20;
	s7 =	sadd.s32 s6, s7  }
0xf: {  	s8 =	smul.u32 $0x2710, s8;
	s6 =	sshrl.u32 s6, $0x3;
	s5 =	sadd.s32 s11, s5  }
0x10: {  	s14 =	sshrl.u32 s20, $0x3;
	s11 =	simm.s32 $0xAE20;
	s20 =	simm.s32 $0xFE20  }
0x11: {  	s7 =	sshrl.u32 s7, $0x3;
	s1 =	sadd.s32 s1, s6;
	s23 =	sadd.s32 $0x4E200, s5  }
0x12: {  	s6 =	simm.s32 $0x6E20;
	s5 =	simm.s32 $0x9E20;
	[dreg:$0xb] =	wrdreg s14  }
0x13: {  	s0 =	sadd.s32 s7, s0;
	s7 =	ssub.s32 s10, s19;
	[dreg:$0x4] =	wrdreg s1  }
0x14: {  	s21 =	sshrl.u32 s8, $0x3;
	s1 =	sshrl.u32 s23, $0x3;
	s19 =	simm.s32 $0x1C  }
0x15: {  	s10 =	simm.s32 $0x0;
	s8 =	sadd.s32 s9, s21;
	s0 =	sadd.s32 $0x1FA00, s0  }
.Ltmp0:
0x16: {  	s26 =	smax.u32 s7, $0x1;
	s12 =	sadd.s32 s1, s9;
	(pc) =	sbr.rel .LBB2_1-.Ltmp0, $4  }
0x17: {  	s7 =	simm.s32 $0x7E20;
	s1 =	simm.s32 $0x18;
	[dreg:$0x6] =	wrdreg s8  }
0x18: {  	s21 =	simm.s32 $0x19;
	s25 =	sadd.s32 $0xA120, s8;
	[dreg:$0x9] =	wrdreg s0  }
0x19: {  	[dreg:$0xa] =	wrdreg s26;
	s0 =	simm.s32 $0x8E20;
	s26 =	simm.s32 $0x10  }
0x1a: {  	s8 =	simm.s32 $0x1D;
	[dreg:$0x8] =	wrdreg s25;
	s25 =	simm.s32 $0x1A  }
.LBB2_8:
0x1b: {  	s9 =	simm.s32 $0x2  }
0x1c: {  	_ =	swait.ge [sflag:s9], $0x200  }
0x1d: {  	s13 =	simm.s32 $0x4E10;
	[sflag:s9] =	ssyncset.done $0x0  }
0x1e: {  	s24 =	simm.s32 $0x11E20;
	s5 =	simm.s32 $0x1E;
	[sflag:s9] =	ssyncadd.s32 $0xFFFFFE00  }
0x1f: {  	[spmem:s2] =	stream.indirect.scatter.add.f32 [tilespmem:s24], [sflag:$0x1E], $0x20, s13, s26, $0xb8;
	[tilespmem:$0x16F20] =	vst v63  }
0x20: {  	_ =	swait.ge [sflag:s5], $0x200  }
0x21: {  	[sflag:s5] =	ssyncset.done $0x0  }
0x22: {  	s0 =	simm.s32 $0x11;
	[sflag:s5] =	ssyncadd.s32 $0xFFFFFE00  }
0x23: {  	_ =	swait.ge [sflag:s0], $0x1000  }
0x24: {  	[sflag:s0] =	ssyncset.done $0x0  }
0x25: {  	s14 =	simm.s32 $0x12;
	[sflag:s0] =	ssyncadd.s32 $0xFFFFF000  }
0x26: {  	_ =	swait.ge [sflag:s14], $0x1000  }
0x27: {  	[sflag:s14] =	ssyncset.done $0x0  }
0x28: {  	s15 =	simm.s32 $0x13;
	[sflag:s14] =	ssyncadd.s32 $0xFFFFF000  }
0x29: {  	_ =	swait.ge [sflag:s15], $0x1000  }
0x2a: {  	[sflag:s15] =	ssyncset.done $0x0  }
0x2b: {  	s17 =	simm.s32 $0x14;
	[sflag:s15] =	ssyncadd.s32 $0xFFFFF000  }
0x2c: {  	_ =	swait.ge [sflag:s17], $0x1000  }
0x2d: {  	[sflag:s17] =	ssyncset.done $0x0  }
0x2e: {  	s18 =	simm.s32 $0x15;
	[sflag:s17] =	ssyncadd.s32 $0xFFFFF000  }
0x2f: {  	_ =	swait.ge [sflag:s18], $0x1000  }
0x30: {  	[sflag:s18] =	ssyncset.done $0x0  }
0x31: {  	[sflag:s18] =	ssyncadd.s32 $0xFFFFF000  }
0x32: {  	_ =	swait.ge [sflag:s29], $0x1000  }
0x33: {  	[sflag:s29] =	ssyncset.done $0x0  }
0x34: {  	[sflag:s29] =	ssyncadd.s32 $0xFFFFF000  }
0x35: {  	_ =	swait.ge [sflag:s31], $0x1000  }
0x36: {  	[sflag:s31] =	ssyncset.done $0x0  }
0x37: {  	[sflag:s31] =	ssyncadd.s32 $0xFFFFF000  }
0x38: {  	_ =	swait.ge [sflag:s1], $0x1000  }
0x39: {  	[sflag:s1] =	ssyncset.done $0x0  }
0x3a: {  	[sflag:s1] =	ssyncadd.s32 $0xFFFFF000  }
0x3b: {  	_ =	swait.ge [sflag:s21], $0x1000  }
0x3c: {  	[sflag:s21] =	ssyncset.done $0x0  }
0x3d: {  	[sflag:s21] =	ssyncadd.s32 $0xFFFFF000  }
0x3e: {  	_ =	swait.ge [sflag:s25], $0x1000  }
0x3f: {  	[sflag:s25] =	ssyncset.done $0x0  }
0x40: {  	[sflag:s25] =	ssyncadd.s32 $0xFFFFF000  }
0x41: {  	_ =	swait.ge [sflag:s30], $0x1000  }
0x42: {  	[sflag:s30] =	ssyncset.done $0x0  }
0x43: {  	[sflag:s30] =	ssyncadd.s32 $0xFFFFF000  }
0x44: {  	_ =	swait.ge [sflag:s19], $0x1000  }
0x45: {  	[sflag:s19] =	ssyncset.done $0x0  }
0x46: {  	[sflag:s19] =	ssyncadd.s32 $0xFFFFF000  }
0x47: {  	_ =	swait.ge [sflag:s8], $0x1000  }
0x48: {  	[sflag:s8] =	ssyncset.done $0x0  }
0x49: {  	[sflag:s8] =	ssyncadd.s32 $0xFFFFF000  }
0x4a: {  	[bflag:$0x0] =	sbarrier.arrive $0xFFFF  }
0x4b: {  	s20 =	rddreg [dreg:$0x5]  }
0x4c: {  	s10 =	rddreg [dreg:$0x9]  }
0x4d: {  	s14 =	rddreg [dreg:$0xb];
	s9 =	sor.u32 $0x1C1E, s20  }
0x4e: {  	[hbm:s10], [sflag:s9] =	dma.local [spmem:s14], $0x9E0  }
0x4f: {  	_ =	swait.ge [sflag:s5], $0x9E0  }
0x50: {  	s22 =	rddreg [dreg:$0xc]  }
0x51: {  	s23 =	rddreg [dreg:$0xa];
	s10 =	sadd.s32 $0x1, s22  }
0x52: {  	p0 =	sne.s32 s10, s23  }
.Ltmp1:
0x53: {  	s6 =	simm.s32 $0x6E20;
	(pc) =	sbr.rel @!p0 .LBB2_9-.Ltmp1, $4  }
0x54: {  	s7 =	simm.s32 $0x7E20;
	s11 =	simm.s32 $0xAE20;
	s13 =	simm.s32 $0xBE20  }
0x55: {  	s0 =	simm.s32 $0x8E20;
	s15 =	simm.s32 $0xCE20;
	s17 =	simm.s32 $0xDE20  }
0x56: {  	s18 =	simm.s32 $0xEE20;
	s20 =	simm.s32 $0xFE20;
	[sflag:s5] =	ssyncset.done $0x0  }
0x57: {  	[sflag:s5] =	ssyncadd.s32 $0xFFFFF620;
	s5 =	simm.s32 $0x9E20;
	s22 =	simm.s32 $0x10E20  }
.LBB2_1:
0x58: {  	[dreg:$0xc] =	wrdreg s10  }
0x59: {  	s9 =	rddreg [dreg:$0x4]  }
0x5a: {  	s23 =	rddreg [dreg:$0x7]  }
0x5b: {  	[spmem:s14], [sflag:s23] =	dma.local [hbm:s9], $0x9E0  }
0x5c: {  	s10 =	sadd.s32 $0x0, s12;
	s9 =	rddreg [dreg:$0x6]  }
0x5d: {  	[tilespmem:s3], [sflag:$0x2] =	stream.linear.gather [hbm4b:s9+s3], $0x2710, $0x38;
	[tilespmem:$0x16F20] =	vst v63  }
0x5e: {  	s23 =	simm.s32 $0x10;
	s14 =	simm.s32 $0x2790;
	s9 =	simm.s32 $0x2710  }
.LBB2_2:
0x5f: {  	[tilespmem:s9], [sflag:$0x3] =	stream.linear.gather [hbm4b:s10+s3], $0x80, $0x38;
	[tilespmem:$0x16F20] =	vst v63  }
0x60: {  	s10 =	smov.u32 s23;
	s9 =	smov.u32 s14;
	p0 =	sne.s32 s23, $0x4D0  }
.Ltmp2:
0x61: {  	s23 =	sadd.s32 $0x10, s23;
	(pc) =	sbr.rel @p0 .LBB2_2-.Ltmp2, $2  }
0x62: {  	_ =	sdelay $0x2  }
0x63: {  	s14 =	sadd.s32 $0x80, s14;
	s10 =	sadd.s32 s10, s12  }
0x64: {  	[tilespmem:s9], [sflag:$0x3] =	stream.linear.gather [hbm4b:s10+s3], $0x80, $0x38;
	[tilespmem:$0x16F20] =	vst v63  }
0x65: {  	s14 =	rddreg [dreg:$0x8];
	s23 =	simm.s32 $0x4E10  }
0x66: {  	[tilespmem:s23], [sflag:$0x3] =	stream.linear.gather [hbm4b:s14+s3], $0x10, $0x38;
	[tilespmem:$0x16F20] =	vst v63  }
0x67: {  	s14 =	simm.s32 $0x2  }
0x68: {  	_ =	swait.ge [sflag:s14], $0x2710  }
0x69: {  	[sflag:s14] =	ssyncset.done $0x0  }
0x6a: {  	s23 =	simm.s32 $0x4E20;
	[sflag:s14] =	ssyncadd.s32 $0xFFFFD8F0  }
0x6b: {  	[tilespmem:s23], [sflag:$0x4] =	stream.indirect.gather [hbm4b:s4+s16], $0x20, s3, s16, $0xb8;
	[tilespmem:$0x16F20] =	vst v63  }
0x6c: {  	s10 =	simm.s32 $0x5E20  }
0x6d: {  	[tilespmem:s10], [sflag:$0x5] =	stream.indirect.gather [hbm4b:s4+s16], $0x20, s16, s16, $0xb8;
	[tilespmem:$0x16F20] =	vst v63  }
0x6e: {  	s14 =	simm.s32 $0x100  }
0x6f: {  	[tilespmem:s6], [sflag:$0x6] =	stream.indirect.gather [hbm4b:s4+s16], $0x20, s14, s16, $0xb8;
	[tilespmem:$0x16F20] =	vst v63  }
0x70: {  	s23 =	simm.s32 $0x180  }
0x71: {  	[tilespmem:s7], [sflag:$0x7] =	stream.indirect.gather [hbm4b:s4+s16], $0x20, s23, s16, $0xb8;
	[tilespmem:$0x16F20] =	vst v63  }
0x72: {  	s7 =	simm.s32 $0x200  }
0x73: {  	[tilespmem:s0], [sflag:$0x8] =	stream.indirect.gather [hbm4b:s4+s16], $0x20, s7, s16, $0xb8;
	[tilespmem:$0x16F20] =	vst v63  }
0x74: {  	s9 =	simm.s32 $0x280  }
0x75: {  	[tilespmem:s5], [sflag:$0x9] =	stream.indirect.gather [hbm4b:s4+s16], $0x20, s9, s16, $0xb8;
	[tilespmem:$0x16F20] =	vst v63  }
0x76: {  	s10 =	simm.s32 $0x300  }
0x77: {  	[tilespmem:s11], [sflag:$0xA] =	stream.indirect.gather [hbm4b:s4+s16], $0x20, s10, s16, $0xb8;
	[tilespmem:$0x16F20] =	vst v63  }
0x78: {  	s11 =	simm.s32 $0x380  }
0x79: {  	[tilespmem:s13], [sflag:$0xB] =	stream.indirect.gather [hbm4b:s4+s16], $0x20, s11, s16, $0xb8;
	[tilespmem:$0x16F20] =	vst v63  }
0x7a: {  	s14 =	simm.s32 $0x400  }
0x7b: {  	[tilespmem:s15], [sflag:$0xC] =	stream.indirect.gather [hbm4b:s4+s16], $0x20, s14, s16, $0xb8;
	[tilespmem:$0x16F20] =	vst v63  }
0x7c: {  	s15 =	simm.s32 $0x480  }
0x7d: {  	[tilespmem:s17], [sflag:$0xD] =	stream.indirect.gather [hbm4b:s4+s16], $0x20, s15, s16, $0xb8;
	[tilespmem:$0x16F20] =	vst v63  }
0x7e: {  	s17 =	simm.s32 $0x500  }
0x7f: {  	[tilespmem:s18], [sflag:$0xE] =	stream.indirect.gather [hbm4b:s4+s16], $0x20, s17, s16, $0xb8;
	[tilespmem:$0x16F20] =	vst v63  }
0x80: {  	s18 =	simm.s32 $0x580  }
0x81: {  	[tilespmem:s20], [sflag:$0xF] =	stream.indirect.gather [hbm4b:s4+s16], $0x20, s18, s16, $0xb8;
	[tilespmem:$0x16F20] =	vst v63  }
0x82: {  	s20 =	simm.s32 $0x600  }
0x83: {  	[tilespmem:s22], [sflag:$0x10] =	stream.indirect.gather [hbm4b:s4+s16], $0x20, s20, s16, $0xb8;
	[tilespmem:$0x16F20] =	vst v63  }
0x84: {  	s23 =	simm.s32 $0x2700  }
0x85: {  	[tilespmem:s24], [sflag:$0x2] =	stream.indirect.gather [hbm4b:s4+s26], $0x20, s23, s26, $0xb8;
	[tilespmem:$0x16F20] =	vst v63  }
0x86: {  	_ =	swait.ge [sflag:s28], $0x80  }
0x87: {  	s9 =	simm.s32 $0x4D;
	[sflag:s28] =	ssyncset.done $0x0  }
.LBB2_4:
0x88: {  	p0 =	sne.s32 s9, $0x1;
	s9 =	sadd.s32 $0xFFFFFFFF, s9;
	[sflag:s28] =	ssyncadd.s32 $0xFFFFFF80  }
.Ltmp3:
0x89: {  	(pc) =	sbr.rel @p0 .LBB2_4-.Ltmp3, $3  }
0x8a: {  	_ =	sdelay $0x1  }
0x8b: {  	_ =	swait.ge [sflag:s28], $0x80  }
0x8c: {  	[sflag:s28] =	ssyncset.done $0x0  }
0x8d: {  	[sflag:s28] =	ssyncadd.s32 $0xFFFFFF80;
	s0 =	simm.s32 $0x1  }
0x8e: {  	s9 =	simm.s32 $0x0;
	s14 =	simm.s32 $0x4E20;
	_ =	swait.ge [sflag:s28], $0x10  }
0x8f: {  	s11 =	simm.s32 $0x5E20;
	s6 =	simm.s32 $0x6E20;
	[sflag:s28] =	ssyncset.done $0x0  }
0x90: {  	s7 =	simm.s32 $0x7E20;
	s5 =	simm.s32 $0x9E20;
	[sflag:s28] =	ssyncadd.s32 $0xFFFFFFF0  }
0x91: {  	s13 =	simm.s32 $0xAE20;
	s15 =	simm.s32 $0xBE20;
	_ =	swait.ge [sflag:s0], $0x9E0  }
0x92: {  	s17 =	simm.s32 $0xCE20;
	s18 =	simm.s32 $0xDE20;
	[sflag:s0] =	ssyncset.done $0x0  }
0x93: {  	s20 =	simm.s32 $0xEE20;
	s22 =	simm.s32 $0xFE20;
	[sflag:s0] =	ssyncadd.s32 $0xFFFFF620  }
0x94: {  	s24 =	simm.s32 $0x10E20;
	s0 =	simm.s32 $0x8E20;
	[bflag:$0x0] =	sbarrier.arrive $0xFFFF  }
.LBB2_6:
0x95: {  	s10 =	simm.s32 $0x4  }
0x96: {  	_ =	swait.ge [sflag:s10], $0x1000  }
0x97: {  	s23 =	sshra.s32 s9, $0x2;
	[sflag:s10] =	ssyncset.done $0x0  }
0x98: {  	s26 =	sadd.s32 $0x2710, s23;
	[sflag:s10] =	ssyncadd.s32 $0xFFFFF000  }
0x99: {  	[spmem:s2] =	stream.indirect.scatter.add.f32 [tilespmem:s14], [sflag:$0x11], $0x20, s26, s16, $0xb8;
	[tilespmem:$0x16F20] =	vst v63  }
0x9a: {  	s26 =	simm.s32 $0x5  }
0x9b: {  	_ =	swait.ge [sflag:s26], $0x1000  }
0x9c: {  	[sflag:s26] =	ssyncset.done $0x0  }
0x9d: {  	[sflag:s26] =	ssyncadd.s32 $0xFFFFF000;
	s26 =	sadd.s32 $0x2790, s23  }
0x9e: {  	[spmem:s2] =	stream.indirect.scatter.add.f32 [tilespmem:s11], [sflag:$0x12], $0x20, s26, s16, $0xb8;
	[tilespmem:$0x16F20] =	vst v63  }
0x9f: {  	s26 =	simm.s32 $0x6  }
0xa0: {  	_ =	swait.ge [sflag:s26], $0x1000  }
0xa1: {  	[sflag:s26] =	ssyncset.done $0x0  }
0xa2: {  	[sflag:s26] =	ssyncadd.s32 $0xFFFFF000;
	s26 =	sadd.s32 $0x2810, s23  }
0xa3: {  	[spmem:s2] =	stream.indirect.scatter.add.f32 [tilespmem:s6], [sflag:$0x13], $0x20, s26, s16, $0xb8;
	[tilespmem:$0x16F20] =	vst v63  }
0xa4: {  	s26 =	simm.s32 $0x7  }
0xa5: {  	_ =	swait.ge [sflag:s26], $0x1000  }
0xa6: {  	[sflag:s26] =	ssyncset.done $0x0  }
0xa7: {  	[sflag:s26] =	ssyncadd.s32 $0xFFFFF000;
	s26 =	sadd.s32 $0x2890, s23  }
0xa8: {  	[spmem:s2] =	stream.indirect.scatter.add.f32 [tilespmem:s7], [sflag:$0x14], $0x20, s26, s16, $0xb8;
	[tilespmem:$0x16F20] =	vst v63  }
0xa9: {  	s26 =	simm.s32 $0x8  }
0xaa: {  	_ =	swait.ge [sflag:s26], $0x1000  }
0xab: {  	[sflag:s26] =	ssyncset.done $0x0  }
0xac: {  	[sflag:s26] =	ssyncadd.s32 $0xFFFFF000;
	s26 =	sadd.s32 $0x2910, s23  }
0xad: {  	[spmem:s2] =	stream.indirect.scatter.add.f32 [tilespmem:s0], [sflag:$0x15], $0x20, s26, s16, $0xb8;
	[tilespmem:$0x16F20] =	vst v63  }
0xae: {  	s26 =	simm.s32 $0x9  }
0xaf: {  	_ =	swait.ge [sflag:s26], $0x1000  }
0xb0: {  	[sflag:s26] =	ssyncset.done $0x0  }
0xb1: {  	[sflag:s26] =	ssyncadd.s32 $0xFFFFF000;
	s26 =	sadd.s32 $0x2990, s23  }
0xb2: {  	[spmem:s2] =	stream.indirect.scatter.add.f32 [tilespmem:s5], [sflag:$0x16], $0x20, s26, s16, $0xb8;
	[tilespmem:$0x16F20] =	vst v63  }
0xb3: {  	s26 =	simm.s32 $0xA  }
0xb4: {  	_ =	swait.ge [sflag:s26], $0x1000  }
0xb5: {  	[sflag:s26] =	ssyncset.done $0x0  }
0xb6: {  	[sflag:s26] =	ssyncadd.s32 $0xFFFFF000;
	s26 =	sadd.s32 $0x2A10, s23  }
0xb7: {  	[spmem:s2] =	stream.indirect.scatter.add.f32 [tilespmem:s13], [sflag:$0x17], $0x20, s26, s16, $0xb8;
	[tilespmem:$0x16F20] =	vst v63  }
0xb8: {  	s26 =	simm.s32 $0xB  }
0xb9: {  	_ =	swait.ge [sflag:s26], $0x1000  }
0xba: {  	[sflag:s26] =	ssyncset.done $0x0  }
0xbb: {  	[sflag:s26] =	ssyncadd.s32 $0xFFFFF000;
	s26 =	sadd.s32 $0x2A90, s23  }
0xbc: {  	[spmem:s2] =	stream.indirect.scatter.add.f32 [tilespmem:s15], [sflag:$0x18], $0x20, s26, s16, $0xb8;
	[tilespmem:$0x16F20] =	vst v63  }
0xbd: {  	s26 =	simm.s32 $0xC  }
0xbe: {  	_ =	swait.ge [sflag:s26], $0x1000  }
0xbf: {  	[sflag:s26] =	ssyncset.done $0x0  }
0xc0: {  	[sflag:s26] =	ssyncadd.s32 $0xFFFFF000;
	s26 =	sadd.s32 $0x2B10, s23  }
0xc1: {  	[spmem:s2] =	stream.indirect.scatter.add.f32 [tilespmem:s17], [sflag:$0x19], $0x20, s26, s16, $0xb8;
	[tilespmem:$0x16F20] =	vst v63  }
0xc2: {  	s26 =	simm.s32 $0xD  }
0xc3: {  	_ =	swait.ge [sflag:s26], $0x1000  }
0xc4: {  	[sflag:s26] =	ssyncset.done $0x0  }
0xc5: {  	[sflag:s26] =	ssyncadd.s32 $0xFFFFF000;
	s26 =	sadd.s32 $0x2B90, s23  }
0xc6: {  	[spmem:s2] =	stream.indirect.scatter.add.f32 [tilespmem:s18], [sflag:$0x1A], $0x20, s26, s16, $0xb8;
	[tilespmem:$0x16F20] =	vst v63  }
0xc7: {  	s26 =	simm.s32 $0xE  }
0xc8: {  	_ =	swait.ge [sflag:s26], $0x1000  }
0xc9: {  	[sflag:s26] =	ssyncset.done $0x0  }
0xca: {  	[sflag:s26] =	ssyncadd.s32 $0xFFFFF000;
	s26 =	sadd.s32 $0x2C10, s23  }
0xcb: {  	[spmem:s2] =	stream.indirect.scatter.add.f32 [tilespmem:s20], [sflag:$0x1B], $0x20, s26, s16, $0xb8;
	[tilespmem:$0x16F20] =	vst v63  }
0xcc: {  	s26 =	simm.s32 $0xF  }
0xcd: {  	_ =	swait.ge [sflag:s26], $0x1000  }
0xce: {  	[sflag:s26] =	ssyncset.done $0x0  }
0xcf: {  	p0 =	seq.s32 s9, $0x8200;
	[sflag:s26] =	ssyncadd.s32 $0xFFFFF000;
	s26 =	sadd.s32 $0x2C90, s23  }
0xd0: {  	[spmem:s2] =	stream.indirect.scatter.add.f32 [tilespmem:s22], [sflag:$0x1C], $0x20, s26, s16, $0xb8;
	[tilespmem:$0x16F20] =	vst v63  }
.Ltmp4:
0xd1: {  	s10 =	simm.s32 $0x10;
	(pc) =	sbr.rel @p0 .LBB2_8-.Ltmp4, $4  }
0xd2: {  	_ =	swait.ge [sflag:s10], $0x1000  }
0xd3: {  	[sflag:s10] =	ssyncset.done $0x0  }
0xd4: {  	s26 =	simm.s32 $0x10;
	[sflag:s10] =	ssyncadd.s32 $0xFFFFF000;
	s10 =	sadd.s32 $0x2D10, s23  }
0xd5: {  	[spmem:s2] =	stream.indirect.scatter.add.f32 [tilespmem:s24], [sflag:$0x1D], $0x20, s10, s16, $0xb8;
	[tilespmem:$0x16F20] =	vst v63  }
0xd6: {  	s10 =	simm.s32 $0x11  }
0xd7: {  	_ =	swait.ge [sflag:s10], $0x1000  }
0xd8: {  	[sflag:s10] =	ssyncset.done $0x0  }
0xd9: {  	s26 =	sadd.s32 $0x680, s23;
	[sflag:s10] =	ssyncadd.s32 $0xFFFFF000  }
0xda: {  	[tilespmem:s14], [sflag:$0x4] =	stream.indirect.gather [hbm4b:s4+s16], $0x20, s26, s16, $0xb8;
	[tilespmem:$0x16F20] =	vst v63  }
0xdb: {  	s26 =	simm.s32 $0x12  }
0xdc: {  	_ =	swait.ge [sflag:s26], $0x1000  }
0xdd: {  	[sflag:s26] =	ssyncset.done $0x0  }
0xde: {  	[sflag:s26] =	ssyncadd.s32 $0xFFFFF000;
	s26 =	sadd.s32 $0x700, s23  }
0xdf: {  	[tilespmem:s11], [sflag:$0x5] =	stream.indirect.gather [hbm4b:s4+s16], $0x20, s26, s16, $0xb8;
	[tilespmem:$0x16F20] =	vst v63  }
0xe0: {  	s26 =	simm.s32 $0x13  }
0xe1: {  	_ =	swait.ge [sflag:s26], $0x1000  }
0xe2: {  	[sflag:s26] =	ssyncset.done $0x0  }
0xe3: {  	[sflag:s26] =	ssyncadd.s32 $0xFFFFF000;
	s26 =	sadd.s32 $0x780, s23  }
0xe4: {  	[tilespmem:s6], [sflag:$0x6] =	stream.indirect.gather [hbm4b:s4+s16], $0x20, s26, s16, $0xb8;
	[tilespmem:$0x16F20] =	vst v63  }
0xe5: {  	s26 =	simm.s32 $0x14  }
0xe6: {  	_ =	swait.ge [sflag:s26], $0x1000  }
0xe7: {  	[sflag:s26] =	ssyncset.done $0x0  }
0xe8: {  	[sflag:s26] =	ssyncadd.s32 $0xFFFFF000;
	s26 =	sadd.s32 $0x800, s23  }
0xe9: {  	[tilespmem:s7], [sflag:$0x7] =	stream.indirect.gather [hbm4b:s4+s16], $0x20, s26, s16, $0xb8;
	[tilespmem:$0x16F20] =	vst v63  }
0xea: {  	s26 =	simm.s32 $0x15  }
0xeb: {  	_ =	swait.ge [sflag:s26], $0x1000  }
0xec: {  	[sflag:s26] =	ssyncset.done $0x0  }
0xed: {  	[sflag:s26] =	ssyncadd.s32 $0xFFFFF000;
	s26 =	sadd.s32 $0x880, s23  }
0xee: {  	[tilespmem:s0], [sflag:$0x8] =	stream.indirect.gather [hbm4b:s4+s16], $0x20, s26, s16, $0xb8;
	[tilespmem:$0x16F20] =	vst v63  }
0xef: {  	_ =	swait.ge [sflag:s29], $0x1000  }
0xf0: {  	[sflag:s29] =	ssyncset.done $0x0  }
0xf1: {  	s26 =	sadd.s32 $0x900, s23;
	[sflag:s29] =	ssyncadd.s32 $0xFFFFF000  }
0xf2: {  	[tilespmem:s5], [sflag:$0x9] =	stream.indirect.gather [hbm4b:s4+s16], $0x20, s26, s16, $0xb8;
	[tilespmem:$0x16F20] =	vst v63  }
0xf3: {  	_ =	swait.ge [sflag:s31], $0x1000  }
0xf4: {  	[sflag:s31] =	ssyncset.done $0x0  }
0xf5: {  	s26 =	sadd.s32 $0x980, s23;
	[sflag:s31] =	ssyncadd.s32 $0xFFFFF000  }
0xf6: {  	[tilespmem:s13], [sflag:$0xA] =	stream.indirect.gather [hbm4b:s4+s16], $0x20, s26, s16, $0xb8;
	[tilespmem:$0x16F20] =	vst v63  }
0xf7: {  	_ =	swait.ge [sflag:s1], $0x1000  }
0xf8: {  	[sflag:s1] =	ssyncset.done $0x0  }
0xf9: {  	s26 =	sadd.s32 $0xA00, s23;
	[sflag:s1] =	ssyncadd.s32 $0xFFFFF000  }
0xfa: {  	[tilespmem:s15], [sflag:$0xB] =	stream.indirect.gather [hbm4b:s4+s16], $0x20, s26, s16, $0xb8;
	[tilespmem:$0x16F20] =	vst v63  }
0xfb: {  	_ =	swait.ge [sflag:s21], $0x1000  }
0xfc: {  	[sflag:s21] =	ssyncset.done $0x0  }
0xfd: {  	s26 =	sadd.s32 $0xA80, s23;
	[sflag:s21] =	ssyncadd.s32 $0xFFFFF000  }
0xfe: {  	[tilespmem:s17], [sflag:$0xC] =	stream.indirect.gather [hbm4b:s4+s16], $0x20, s26, s16, $0xb8;
	[tilespmem:$0x16F20] =	vst v63  }
0xff: {  	_ =	swait.ge [sflag:s25], $0x1000  }
0x100: {  	[sflag:s25] =	ssyncset.done $0x0  }
0x101: {  	s26 =	sadd.s32 $0xB00, s23;
	[sflag:s25] =	ssyncadd.s32 $0xFFFFF000  }
0x102: {  	[tilespmem:s18], [sflag:$0xD] =	stream.indirect.gather [hbm4b:s4+s16], $0x20, s26, s16, $0xb8;
	[tilespmem:$0x16F20] =	vst v63  }
0x103: {  	_ =	swait.ge [sflag:s30], $0x1000  }
0x104: {  	[sflag:s30] =	ssyncset.done $0x0  }
0x105: {  	s26 =	sadd.s32 $0xB80, s23;
	[sflag:s30] =	ssyncadd.s32 $0xFFFFF000  }
0x106: {  	[tilespmem:s20], [sflag:$0xE] =	stream.indirect.gather [hbm4b:s4+s16], $0x20, s26, s16, $0xb8;
	[tilespmem:$0x16F20] =	vst v63  }
0x107: {  	_ =	swait.ge [sflag:s19], $0x1000  }
0x108: {  	[sflag:s19] =	ssyncset.done $0x0  }
0x109: {  	s26 =	sadd.s32 $0xC00, s23;
	[sflag:s19] =	ssyncadd.s32 $0xFFFFF000  }
0x10a: {  	[tilespmem:s22], [sflag:$0xF] =	stream.indirect.gather [hbm4b:s4+s16], $0x20, s26, s16, $0xb8;
	[tilespmem:$0x16F20] =	vst v63  }
.Ltmp5:
0x10b: {  	_ = 	snop;
	(pc) =	sbr.rel .LBB2_6-.Ltmp5, $4  }
0x10c: {  	_ =	swait.ge [sflag:s8], $0x1000  }
0x10d: {  	[sflag:s8] =	ssyncset.done $0x0  }
0x10e: {  	s9 =	sadd.s32 $0x1A00, s9;
	s26 =	sadd.s32 $0xC80, s23;
	[sflag:s8] =	ssyncadd.s32 $0xFFFFF000  }
0x10f: {  	[tilespmem:s24], [sflag:$0x10] =	stream.indirect.gather [hbm4b:s4+s16], $0x20, s26, s16, $0xb8;
	[tilespmem:$0x16F20] =	vst v63  }
.LBB2_9:
0x110: {  	_ =	sfence.sel $0x180000  }
0x111: {  	[bflag:$0x0] =	sbarrier.arrive $0xFFFF  }
0x112: {  	_ =	strace $0x9000004A  }
0x113: {  	s0 =	stileid.u32;
	[bflag:$0x2] =	sbarrier.arrive $0xFFFF  }
0x114: {  	p0 =	sne.s32 s0, $0x0;
	s0 =	rddreg [dreg:$0x3]  }
0x115: {  	s0 =	sadd.s32 @!p0 $0x100000, s0  }
0x116: {  	[sflag:s0] =	ssyncadd.tile.s32 @!p0 $0x1;
	_ =	shalt  }
.Lfunc_end2:
_tile_overlayer_lowered:
.L_overlay_start_2:
0x117: {  	(tag) =	ssettag $0x2  }
0x118: {  	s0 =	rddreg [dreg:$0x0];
	s2 =	stileid.u32  }
0x119: {  	s1 =	rddreg [dreg:$0x1];
	p0 =	sne.s32 s2, $0x0  }
0x11a: {  	s3 =	rddreg [dreg:$0x2];
	[bflag:$0x3] =	sbarrier.arrive $0xFFFF;
	s2 =	simm.s32 @!p0 $0x1C1E  }
0x11b: {  	[timem:s3], [sflag:s2] =	dma.local @!p0 [hbm:s0], s1  }
0x11c: {  	s0 =	simm.s32 @!p0 $0x1E  }
0x11d: {  	_ =	swait.ge @!p0 [sflag:s0], s1  }
0x11e: {  	s1 =	ssub.s32 @!p0 $0x0, s1;
	[sflag:s0] =	ssyncset.done @!p0 $0x0  }
0x11f: {  	[sflag:s0] =	ssyncadd.s32 @!p0 s1  }
0x120: {  	[bflag:$0x3] =	sbarrier.arrive $0xFFFF  }
0x121: {  	_ =	shalt  }

// kernel: kernel.9.cloned.1.call-start
scs
__scs_entry_jumppad:
0x0: {  	(pc) =	sbr.rel $0x88, $3  }
0x1: {  	(tag) =	ssettag $0x0;
	lr =	simm.s32 $0x1  }
0x2: {  	[smem:$0x3F93] =	sst lr;
	_ =	strace $0xD0000000  }
0x3: {  	_ = 	snop  }
0x4: {  	_ = 	snop  }
0x5: {  	_ = 	snop  }
0x6: {  	_ = 	snop  }
0x7: {  	_ = 	snop  }
__scs_overlays_trampoline_lowered:
0x8: {  	[smem:$0x3FA2] =	sst s0  }
0x9: {  	[smem:$0x3FA3] =	sst s1  }
0xa: {  	[smem:$0x3FA4] =	sst s2  }
0xb: {  	[smem:$0x3FA5] =	sst s3  }
0xc: {  	[smem:$0x3FA6] =	sst s4  }
0xd: {  	[smem:$0x3FA7] =	sst s5  }
0xe: {  	[smem:$0x3FA8] =	sst s6  }
0xf: {  	[smem:$0x3FA9] =	sst s7  }
0x10: {  	[smem:$0x3FAA] =	sst s8  }
0x11: {  	[smem:$0x3FAB] =	sst s9;
	s0 =	simm.s32 @!p0 $0x0  }
0x12: {  	s1 =	sld [smem:$0x3F91];
	s0 =	simm.s32 @p0 $0x1  }
0x13: {  	[smem:$0x3FAC] =	sst s0;
	s0 =	simm.s32 @!p1 $0x0  }
0x14: {  	s2 =	sld [smem:$0x3F90];
	s0 =	simm.s32 @p1 $0x1  }
0x15: {  	[smem:$0x3FAD] =	sst s0;
	s0 =	simm.s32 @!p2 $0x0  }
0x16: {  	s3 =	sld [smem:$0x3FDB];
	s0 =	simm.s32 @p2 $0x1  }
0x17: {  	s4 =	simm.s32 $0x1BF5;
	[smem:$0x3FAF] =	sst s0  }
0x18: {  	s0 =	sld [smem:$0x3F92];
	_ =	swait.ge [sflag:s4], $0x0  }
0x19: {  	s7 =	sld [smem:$0x3F93]  }
0x1a: {  	s8 =	sadd.s32 $0xFFFFE003, lr  }
0x1b: {  	s9 =	sadd.s32 $0xFFFFFEF7, lr;
	s5 =	simm.s32 $0xFFFFFFFF;
	p2 =	slt.u32 s8, $0xFFFFF086  }
0x1c: {  	p1 =	slt.u32 s9, $0xF7A;
	s5 =	simm.s32 @!p2 $0x0  }
0x1d: {  	s5 =	simm.s32 @p1 $0x1;
	p0 =	seq.s32 s7, s2  }
0x1e: {  	s7 =	smul.u32 @!p0 $0xF7A, s2;
	p2 =	seq.s32 @!p0 s5, $0x0  }
0x1f: {  	s9 =	smul.u32 $0xF7A, s1;
	s8 =	simm.s32 @!p0 $0x1BF5;
	p2 =	por !p2, p0  }
0x20: {  	[sflag:s8] =	ssyncset.s32 @!p0 $0xFFFFF086;
	s6 =	sadd.s32 @!p0 s3, s7;
	s7 =	simm.s32 @!p0 $0x108  }
0x21: {  	s3 =	sadd.s32 s3, s9;
	s6 =	sadd.s32 @!p0 $0x88, s6;
	s7 =	simm.s32 @p2 $0x1082  }
0x22: {  	[simem:s7], [sflag:s8] =	dma.local @!p0 [hbm:s6], $0xF7A  }
0x23: {  	s9 =	sor.u32 $0xD0000000, s2;
	s6 =	simm.s32 $0x108;
	_ =	swait.ge @!p0 [sflag:s8], $0x0  }
0x24: {  	s3 =	sadd.s32 $0x88, s3;
	s6 =	simm.s32 @!p1 $0x1082;
	[sflag:s4] =	ssyncset.s32 $0xFFFFF086  }
0x25: {  	[simem:s6], [sflag:s4] =	dma.local [hbm:s3], $0xF7A  }
0x26: {  	[smem:$0x3F93] =	sst s1;
	(tag) =	ssettag s2;
	_ =	strace s9  }
0x27: {  	s1 =	sld [smem:$0x3FA3]  }
0x28: {  	s2 =	sld [smem:$0x3FA4]  }
0x29: {  	s4 =	sld [smem:$0x3FA6]  }
0x2a: {  	p0 =	seq.s32 s5, $0x0;
	s5 =	sld [smem:$0x3FA7]  }
0x2b: {  	s6 =	sld [smem:$0x3FA8]  }
0x2c: {  	s7 =	sld [smem:$0x3FA9]  }
0x2d: {  	s3 =	simm.s32 $0x108;
	s8 =	sld [smem:$0x3FAA]  }
0x2e: {  	s3 =	simm.s32 @!p0 $0x1082;
	s9 =	sld [smem:$0x3FAB]  }
0x2f: {  	lr =	sadd.s32 s0, s3;
	s0 =	sld [smem:$0x3FA2]  }
0x30: {  	s3 =	sld [smem:$0x3FA5]  }
0x31: {  	[smem:$0x3FAE] =	sst s10  }
0x32: {  	s10 =	sld [smem:$0x3FAC];
	_ =	sdelay $0x3  }
0x33: {  	p0 =	seq.s32 s10, $0x1;
	s10 =	sld [smem:$0x3FAE];
	_ =	sdelay $0x3  }
0x34: {  	[smem:$0x3FAE] =	sst s10  }
0x35: {  	s10 =	sld [smem:$0x3FAD];
	_ =	sdelay $0x3  }
0x36: {  	p1 =	seq.s32 s10, $0x1;
	s10 =	sld [smem:$0x3FAE];
	_ =	sdelay $0x3  }
0x37: {  	[smem:$0x3FAE] =	sst s10  }
0x38: {  	s10 =	sld [smem:$0x3FAF]  }
0x39: {  	_ = 	snop;
	(pc) =	sbr.ind lr, $3  }
0x3a: {  	_ = 	snop  }
0x3b: {  	_ = 	snop  }
0x3c: {  	p2 =	seq.s32 s10, $0x1;
	s10 =	sld [smem:$0x3FAE]  }
0x3d: {  	_ =	shalt  }
0x3e: {  	_ =	shalt  }
0x3f: {  	_ =	shalt  }
0x40: {  	_ =	shalt  }
0x41: {  	_ =	shalt  }
0x42: {  	_ =	shalt  }
0x43: {  	_ =	shalt  }
0x44: {  	_ =	shalt  }
0x45: {  	_ =	shalt  }
0x46: {  	_ =	shalt  }
0x47: {  	_ =	shalt  }
0x48: {  	_ =	shalt  }
0x49: {  	_ =	shalt  }
0x4a: {  	_ =	shalt  }
0x4b: {  	_ =	shalt  }
0x4c: {  	_ =	shalt  }
0x4d: {  	_ =	shalt  }
0x4e: {  	_ =	shalt  }
0x4f: {  	_ =	shalt  }
0x50: {  	_ =	shalt  }
0x51: {  	_ =	shalt  }
0x52: {  	_ =	shalt  }
0x53: {  	_ =	shalt  }
0x54: {  	_ =	shalt  }
0x55: {  	_ =	shalt  }
0x56: {  	_ =	shalt  }
0x57: {  	_ =	shalt  }
0x58: {  	_ =	shalt  }
0x59: {  	_ =	shalt  }
0x5a: {  	_ =	shalt  }
0x5b: {  	_ =	shalt  }
0x5c: {  	_ =	shalt  }
0x5d: {  	_ =	shalt  }
0x5e: {  	_ =	shalt  }
0x5f: {  	_ =	shalt  }
0x60: {  	_ =	shalt  }
0x61: {  	_ =	shalt  }
0x62: {  	_ =	shalt  }
0x63: {  	_ =	shalt  }
0x64: {  	_ =	shalt  }
0x65: {  	_ =	shalt  }
0x66: {  	_ =	shalt  }
0x67: {  	_ =	shalt  }
0x68: {  	_ =	shalt  }
0x69: {  	_ =	shalt  }
0x6a: {  	_ =	shalt  }
0x6b: {  	_ =	shalt  }
0x6c: {  	_ =	shalt  }
0x6d: {  	_ =	shalt  }
0x6e: {  	_ =	shalt  }
0x6f: {  	_ =	shalt  }
0x70: {  	_ =	shalt  }
0x71: {  	_ =	shalt  }
0x72: {  	_ =	shalt  }
0x73: {  	_ =	shalt  }
0x74: {  	_ =	shalt  }
0x75: {  	_ =	shalt  }
0x76: {  	_ =	shalt  }
0x77: {  	_ =	shalt  }
0x78: {  	_ =	shalt  }
0x79: {  	_ =	shalt  }
0x7a: {  	_ =	shalt  }
0x7b: {  	_ =	shalt  }
0x7c: {  	_ =	shalt  }
0x7d: {  	_ =	shalt  }
0x7e: {  	_ =	shalt  }
0x7f: {  	_ =	shalt  }
0x80: {  	_ =	shalt  }
0x81: {  	_ =	shalt  }
0x82: {  	_ =	shalt  }
0x83: {  	_ =	shalt  }
0x84: {  	_ =	shalt  }
0x85: {  	_ =	shalt  }
0x86: {  	_ =	shalt  }
0x87: {  	_ =	shalt  }
.Lfunc_end0:
.L_simem_size_0:
called_computation_lowered:
.L_overlay_start_0:
0x88: {  	s2 =	sld [smem:$0x3FD9]  }
0x89: {  	s3 =	sld [smem:$0x3FFE];
	_ =	sdelay $0x1  }
0x8a: {  	s1 =	srdreg.scid  }
0x8b: {  	s0 =	sand.u32 $0x1, s1  }
0x8c: {  	s17 =	sshll.u32 s0, $0xA;
	s2 =	sadd.s32 s3, s2  }
0x8d: {  	s2 =	sadd.s32 s2, s17  }
0x8e: {  	[smem:$0x3FBA] =	sst s2  }
0x8f: {  	_ = 	snop  }
0x90: {  	s2 =	sld [smem:$0x3FD0];
	(tm) =	ssettm $0x1  }
0x91: {  	s18 =	sld [smem:$0x3FFB];
	_ =	sdelay $0x3  }
0x92: {  	_ =	strace s18  }
0x93: {  	s3 =	sld [smem:$0x3FFC];
	_ =	sdelay $0x3  }
0x94: {  	_ =	strace s3  }
0x95: {  	s3 =	sld [smem:$0x3FFD];
	_ =	sdelay $0x3  }
0x96: {  	_ =	strace s3  }
0x97: {  	_ =	strace $0x8FFFFFFF  }
0x98: {  	s19 =	sld [smem:$0x3FDB];
	_ =	sdelay $0x1  }
0x99: {  	s4 =	simm.s32 $_scs_section_size  }
0x9a: {  	s5 =	simm.s32 $_size__tile_overlayer_lowered;
	s6 =	simm.s32 $_tile_overlayer_lowered  }
0x9b: {  	s22 =	simm.s32 $0x1BFF;
	s21 =	sshll.u32 s6, $0x1;
	s3 =	sadd.s32 s4, s19  }
0x9c: {  	s7 =	simm.s32 $0x0;
	s20 =	sshll.u32 s5, $0x1;
	s5 =	sadd.s32 s21, s3  }
0x9d: {  	[timem:s7], [sflag:s22] =	dma.local [hbm:s5], s20  }
0x9e: {  	_ =	swait.ge [sflag:s22], s20  }
0x9f: {  	s4 =	ssub.s32 $0x0, s20;
	[sflag:s22] =	ssyncset.done $0x0  }
0xa0: {  	[sflag:s22] =	ssyncadd.s32 s4;
	_ =	sdelay $0x1  }
0xa1: {  	s23 =	simm.s32 $0x1B8B  }
0xa2: {  	_ =	swait.ge [sflag:s23], $0x1  }
0xa3: {  	[sflag:s23] =	ssyncset.done $0x0  }
0xa4: {  	s25 =	simm.s32 $0x1B8E;
	s24 =	sld [smem:$0x3FFE];
	[sflag:s23] =	ssyncadd.s32 $0xFFFFFFFF  }
0xa5: {  	s26 =	simm.s32 $execute0_lowered;
	[smem:$0x3FD2] =	sst s25  }
0xa6: {  	s5 =	sshll.u32 s26, $0x1;
	_ =	strace $0x80000046;
	[dreg:$0x1] =	wrdreg $0xFFFFFFFF  }
0xa7: {  	s28 =	simm.s32 $_size_execute0_lowered;
	s3 =	sadd.s32 s3, s5;
	[dreg:$0x0] =	wrdreg $0x0  }
0xa8: {  	s5 =	sshll.u32 s28, $0x1;
	[dreg:$0x2] =	wrdreg s3  }
0xa9: {  	[dreg:$0x3] =	wrdreg s5  }
0xaa: {  	[dreg:$0x4] =	wrdreg $0xC0  }
0xab: {  	_ =	task [dreg:s7], $0x5FFFF  }
0xac: {  	[dreg:$0x1] =	wrdreg $0xFFFFFFFF  }
0xad: {  	[dreg:$0x0] =	wrdreg $0x60  }
0xae: {  	[dreg:$0x2] =	wrdreg s24  }
0xaf: {  	[dreg:$0x3] =	wrdreg s2  }
0xb0: {  	[dreg:$0x4] =	wrdreg $0x120200  }
0xb1: {  	[dreg:$0x5] =	wrdreg $0x9  }
0xb2: {  	_ =	task.clear_ibuf [dreg:s7], $0x6FFFF;
	_ =	strace $0x90000046  }
0xb3: {  	s29 =	simm.s32 $0x9;
	_ =	strace $0x80000048  }
0xb4: {  	_ =	swait.ge [sflag:s29], $0x1  }
0xb5: {  	[sflag:s29] =	ssyncadd.s32 $0xFFFFFFFF  }
0xb6: {  	_ =	strace $0x90000048  }
0xb7: {  	_ =	sfence  }
0xb8: {  	s30 =	sld [smem:$0x0];
	_ =	sdelay $0x2  }
0xb9: {  	s31 =	sshll.u32 s1, $0xD;
	s1 =	sshrl.u32 s1, $0x2  }
0xba: {  	s3 =	sand.u32 $0x4000, s31;
	s1 =	sadd.s32 s1, s30  }
0xbb: {  	s0 =	sor.u32 s3, s0;
	s1 =	sshll.u32 s1, $0x11  }
0xbc: {  	s0 =	sor.u32 s1, s0  }
0xbd: {  	s0 =	sadd.s32 $0x8F2B, s0  }
0xbe: {  	[sflag:s0] =	ssyncadd.remote.s32 $0x1  }
0xbf: {  	_ =	sfence.sel $0xFFFF  }
0xc0: {  	[dreg:$0x0] =	wrdreg $0xFFFFFFFF;
	(pc) =	sbr.abs _section_cstart, $3  }
0xc1: {  	[dreg:$0x1] =	wrdreg $0xFFFFFFFF  }
0xc2: {  	_ =	task.clear_ibuf [dreg:s7], $0x2FFFF;
	_ =	strace $0x9FFFFFFF  }
0xc3: {  	(tm) =	ssettm $0x7FFFFFFF  }
tec
execute0_lowered:
.L_overlay_start_1:
0x0: {  	(tag) =	ssettag $0x1  }
0x1: {  	s0 =	rddreg [dreg:$0x0]  }
0x2: {  	s1 =	rddreg [dreg:$0x1]  }
0x3: {  	s2 =	rddreg [dreg:$0x2]  }
0x4: {  	s4 =	srdreg.scid;
	s12 =	stileid.u32;
	s3 =	simm.s32 $0x0  }
0x5: {  	s16 =	simm.s32 $0x80;
	s13 =	simm.s32 $0xBE20;
	s15 =	simm.s32 $0xCE20  }
0x6: {  	s17 =	simm.s32 $0xDE20;
	s18 =	simm.s32 $0xEE20;
	s28 =	simm.s32 $0x3  }
0x7: {  	s29 =	simm.s32 $0x16;
	s31 =	simm.s32 $0x17;
	s30 =	simm.s32 $0x1B  }
0x8: {  	s5 =	sand.u32 $0x1, s4;
	s6 =	smul.u32 $0x4F00, s12;
	[smem:$0x7FF] =	sst s3  }
0x9: {  	s4 =	sadd.s32 $0x15C00, s0;
	s9 =	sadd.s32 $0x2200, s0;
	s11 =	smul.u32 $0x2710, s12  }
0xa: {  	s22 =	sshll.u32 s12, $0x6;
	s7 =	smul.u32 $0x4F000, s5;
	s8 =	sshll.u32 s5, $0x4  }
0xb: {  	_ =	strace $0x80000047;
	s10 =	ssub.s32 $0x2, s5;
	s5 =	smul.u32 $0x27100, s5  }
0xc: {  	[dreg:$0x5] =	wrdreg s22;
	s24 =	sor.u32 $0x1C01, s22;
	s22 =	simm.s32 $0x10E20  }
0xd: {  	s8 =	sor.u32 s12, s8;
	s19 =	sshrl.u32 s10, $0x1;
	s20 =	sadd.s32 s6, s2  }
0xe: {  	[dreg:$0x7] =	wrdreg s24;
	s24 =	simm.s32 $0x11E20;
	s7 =	sadd.s32 s6, s7  }
0xf: {  	s8 =	smul.u32 $0x2710, s8;
	s6 =	sshrl.u32 s6, $0x3;
	s5 =	sadd.s32 s11, s5  }
0x10: {  	s14 =	sshrl.u32 s20, $0x3;
	s11 =	simm.s32 $0xAE20;
	s20 =	simm.s32 $0xFE20  }
0x11: {  	s7 =	sshrl.u32 s7, $0x3;
	s1 =	sadd.s32 s1, s6;
	s23 =	sadd.s32 $0x4E200, s5  }
0x12: {  	s6 =	simm.s32 $0x6E20;
	s5 =	simm.s32 $0x9E20;
	[dreg:$0xb] =	wrdreg s14  }
0x13: {  	s0 =	sadd.s32 s7, s0;
	s7 =	ssub.s32 s10, s19;
	[dreg:$0x4] =	wrdreg s1  }
0x14: {  	s21 =	sshrl.u32 s8, $0x3;
	s1 =	sshrl.u32 s23, $0x3;
	s19 =	simm.s32 $0x1C  }
0x15: {  	s10 =	simm.s32 $0x0;
	s8 =	sadd.s32 s9, s21;
	s0 =	sadd.s32 $0x1FA00, s0  }
.Ltmp0:
0x16: {  	s26 =	smax.u32 s7, $0x1;
	s12 =	sadd.s32 s1, s9;
	(pc) =	sbr.rel .LBB2_1-.Ltmp0, $4  }
0x17: {  	s7 =	simm.s32 $0x7E20;
	s1 =	simm.s32 $0x18;
	[dreg:$0x6] =	wrdreg s8  }
0x18: {  	s21 =	simm.s32 $0x19;
	s25 =	sadd.s32 $0xA120, s8;
	[dreg:$0x9] =	wrdreg s0  }
0x19: {  	[dreg:$0xa] =	wrdreg s26;
	s0 =	simm.s32 $0x8E20;
	s26 =	simm.s32 $0x10  }
0x1a: {  	s8 =	simm.s32 $0x1D;
	[dreg:$0x8] =	wrdreg s25;
	s25 =	simm.s32 $0x1A  }
.LBB2_8:
0x1b: {  	s9 =	simm.s32 $0x2  }
0x1c: {  	_ =	swait.ge [sflag:s9], $0x200  }
0x1d: {  	s13 =	simm.s32 $0x4E10;
	[sflag:s9] =	ssyncset.done $0x0  }
0x1e: {  	s24 =	simm.s32 $0x11E20;
	s5 =	simm.s32 $0x1E;
	[sflag:s9] =	ssyncadd.s32 $0xFFFFFE00  }
0x1f: {  	[spmem:s2] =	stream.indirect.scatter.add.f32 [tilespmem:s24], [sflag:$0x1E], $0x20, s13, s26, $0xb8;
	[tilespmem:$0x16F20] =	vst v63  }
0x20: {  	_ =	swait.ge [sflag:s5], $0x200  }
0x21: {  	[sflag:s5] =	ssyncset.done $0x0  }
0x22: {  	s0 =	simm.s32 $0x11;
	[sflag:s5] =	ssyncadd.s32 $0xFFFFFE00  }
0x23: {  	_ =	swait.ge [sflag:s0], $0x1000  }
0x24: {  	[sflag:s0] =	ssyncset.done $0x0  }
0x25: {  	s14 =	simm.s32 $0x12;
	[sflag:s0] =	ssyncadd.s32 $0xFFFFF000  }
0x26: {  	_ =	swait.ge [sflag:s14], $0x1000  }
0x27: {  	[sflag:s14] =	ssyncset.done $0x0  }
0x28: {  	s15 =	simm.s32 $0x13;
	[sflag:s14] =	ssyncadd.s32 $0xFFFFF000  }
0x29: {  	_ =	swait.ge [sflag:s15], $0x1000  }
0x2a: {  	[sflag:s15] =	ssyncset.done $0x0  }
0x2b: {  	s17 =	simm.s32 $0x14;
	[sflag:s15] =	ssyncadd.s32 $0xFFFFF000  }
0x2c: {  	_ =	swait.ge [sflag:s17], $0x1000  }
0x2d: {  	[sflag:s17] =	ssyncset.done $0x0  }
0x2e: {  	s18 =	simm.s32 $0x15;
	[sflag:s17] =	ssyncadd.s32 $0xFFFFF000  }
0x2f: {  	_ =	swait.ge [sflag:s18], $0x1000  }
0x30: {  	[sflag:s18] =	ssyncset.done $0x0  }
0x31: {  	[sflag:s18] =	ssyncadd.s32 $0xFFFFF000  }
0x32: {  	_ =	swait.ge [sflag:s29], $0x1000  }
0x33: {  	[sflag:s29] =	ssyncset.done $0x0  }
0x34: {  	[sflag:s29] =	ssyncadd.s32 $0xFFFFF000  }
0x35: {  	_ =	swait.ge [sflag:s31], $0x1000  }
0x36: {  	[sflag:s31] =	ssyncset.done $0x0  }
0x37: {  	[sflag:s31] =	ssyncadd.s32 $0xFFFFF000  }
0x38: {  	_ =	swait.ge [sflag:s1], $0x1000  }
0x39: {  	[sflag:s1] =	ssyncset.done $0x0  }
0x3a: {  	[sflag:s1] =	ssyncadd.s32 $0xFFFFF000  }
0x3b: {  	_ =	swait.ge [sflag:s21], $0x1000  }
0x3c: {  	[sflag:s21] =	ssyncset.done $0x0  }
0x3d: {  	[sflag:s21] =	ssyncadd.s32 $0xFFFFF000  }
0x3e: {  	_ =	swait.ge [sflag:s25], $0x1000  }
0x3f: {  	[sflag:s25] =	ssyncset.done $0x0  }
0x40: {  	[sflag:s25] =	ssyncadd.s32 $0xFFFFF000  }
0x41: {  	_ =	swait.ge [sflag:s30], $0x1000  }
0x42: {  	[sflag:s30] =	ssyncset.done $0x0  }
0x43: {  	[sflag:s30] =	ssyncadd.s32 $0xFFFFF000  }
0x44: {  	_ =	swait.ge [sflag:s19], $0x1000  }
0x45: {  	[sflag:s19] =	ssyncset.done $0x0  }
0x46: {  	[sflag:s19] =	ssyncadd.s32 $0xFFFFF000  }
0x47: {  	_ =	swait.ge [sflag:s8], $0x1000  }
0x48: {  	[sflag:s8] =	ssyncset.done $0x0  }
0x49: {  	[sflag:s8] =	ssyncadd.s32 $0xFFFFF000  }
0x4a: {  	[bflag:$0x0] =	sbarrier.arrive $0xFFFF  }
0x4b: {  	s20 =	rddreg [dreg:$0x5]  }
0x4c: {  	s10 =	rddreg [dreg:$0x9]  }
0x4d: {  	s14 =	rddreg [dreg:$0xb];
	s9 =	sor.u32 $0x1C1E, s20  }
0x4e: {  	[hbm:s10], [sflag:s9] =	dma.local [spmem:s14], $0x9E0  }
0x4f: {  	_ =	swait.ge [sflag:s5], $0x9E0  }
0x50: {  	s22 =	rddreg [dreg:$0xc]  }
0x51: {  	s23 =	rddreg [dreg:$0xa];
	s10 =	sadd.s32 $0x1, s22  }
0x52: {  	p0 =	sne.s32 s10, s23  }
.Ltmp1:
0x53: {  	s6 =	simm.s32 $0x6E20;
	(pc) =	sbr.rel @!p0 .LBB2_9-.Ltmp1, $4  }
0x54: {  	s7 =	simm.s32 $0x7E20;
	s11 =	simm.s32 $0xAE20;
	s13 =	simm.s32 $0xBE20  }
0x55: {  	s0 =	simm.s32 $0x8E20;
	s15 =	simm.s32 $0xCE20;
	s17 =	simm.s32 $0xDE20  }
0x56: {  	s18 =	simm.s32 $0xEE20;
	s20 =	simm.s32 $0xFE20;
	[sflag:s5] =	ssyncset.done $0x0  }
0x57: {  	[sflag:s5] =	ssyncadd.s32 $0xFFFFF620;
	s5 =	simm.s32 $0x9E20;
	s22 =	simm.s32 $0x10E20  }
.LBB2_1:
0x58: {  	[dreg:$0xc] =	wrdreg s10  }
0x59: {  	s9 =	rddreg [dreg:$0x4]  }
0x5a: {  	s23 =	rddreg [dreg:$0x7]  }
0x5b: {  	[spmem:s14], [sflag:s23] =	dma.local [hbm:s9], $0x9E0  }
0x5c: {  	s10 =	sadd.s32 $0x0, s12;
	s9 =	rddreg [dreg:$0x6]  }
0x5d: {  	[tilespmem:s3], [sflag:$0x2] =	stream.linear.gather [hbm4b:s9+s3], $0x2710, $0x38;
	[tilespmem:$0x16F20] =	vst v63  }
0x5e: {  	s23 =	simm.s32 $0x10;
	s14 =	simm.s32 $0x2790;
	s9 =	simm.s32 $0x2710  }
.LBB2_2:
0x5f: {  	[tilespmem:s9], [sflag:$0x3] =	stream.linear.gather [hbm4b:s10+s3], $0x80, $0x38;
	[tilespmem:$0x16F20] =	vst v63  }
0x60: {  	s10 =	smov.u32 s23;
	s9 =	smov.u32 s14;
	p0 =	sne.s32 s23, $0x4D0  }
.Ltmp2:
0x61: {  	s23 =	sadd.s32 $0x10, s23;
	(pc) =	sbr.rel @p0 .LBB2_2-.Ltmp2, $2  }
0x62: {  	_ =	sdelay $0x2  }
0x63: {  	s14 =	sadd.s32 $0x80, s14;
	s10 =	sadd.s32 s10, s12  }
0x64: {  	[tilespmem:s9], [sflag:$0x3] =	stream.linear.gather [hbm4b:s10+s3], $0x80, $0x38;
	[tilespmem:$0x16F20] =	vst v63  }
0x65: {  	s14 =	rddreg [dreg:$0x8];
	s23 =	simm.s32 $0x4E10  }
0x66: {  	[tilespmem:s23], [sflag:$0x3] =	stream.linear.gather [hbm4b:s14+s3], $0x10, $0x38;
	[tilespmem:$0x16F20] =	vst v63  }
0x67: {  	s14 =	simm.s32 $0x2  }
0x68: {  	_ =	swait.ge [sflag:s14], $0x2710  }
0x69: {  	[sflag:s14] =	ssyncset.done $0x0  }
0x6a: {  	s23 =	simm.s32 $0x4E20;
	[sflag:s14] =	ssyncadd.s32 $0xFFFFD8F0  }
0x6b: {  	[tilespmem:s23], [sflag:$0x4] =	stream.indirect.gather [hbm4b:s4+s16], $0x20, s3, s16, $0xb8;
	[tilespmem:$0x16F20] =	vst v63  }
0x6c: {  	s10 =	simm.s32 $0x5E20  }
0x6d: {  	[tilespmem:s10], [sflag:$0x5] =	stream.indirect.gather [hbm4b:s4+s16], $0x20, s16, s16, $0xb8;
	[tilespmem:$0x16F20] =	vst v63  }
0x6e: {  	s14 =	simm.s32 $0x100  }
0x6f: {  	[tilespmem:s6], [sflag:$0x6] =	stream.indirect.gather [hbm4b:s4+s16], $0x20, s14, s16, $0xb8;
	[tilespmem:$0x16F20] =	vst v63  }
0x70: {  	s23 =	simm.s32 $0x180  }
0x71: {  	[tilespmem:s7], [sflag:$0x7] =	stream.indirect.gather [hbm4b:s4+s16], $0x20, s23, s16, $0xb8;
	[tilespmem:$0x16F20] =	vst v63  }
0x72: {  	s7 =	simm.s32 $0x200  }
0x73: {  	[tilespmem:s0], [sflag:$0x8] =	stream.indirect.gather [hbm4b:s4+s16], $0x20, s7, s16, $0xb8;
	[tilespmem:$0x16F20] =	vst v63  }
0x74: {  	s9 =	simm.s32 $0x280  }
0x75: {  	[tilespmem:s5], [sflag:$0x9] =	stream.indirect.gather [hbm4b:s4+s16], $0x20, s9, s16, $0xb8;
	[tilespmem:$0x16F20] =	vst v63  }
0x76: {  	s10 =	simm.s32 $0x300  }
0x77: {  	[tilespmem:s11], [sflag:$0xA] =	stream.indirect.gather [hbm4b:s4+s16], $0x20, s10, s16, $0xb8;
	[tilespmem:$0x16F20] =	vst v63  }
0x78: {  	s11 =	simm.s32 $0x380  }
0x79: {  	[tilespmem:s13], [sflag:$0xB] =	stream.indirect.gather [hbm4b:s4+s16], $0x20, s11, s16, $0xb8;
	[tilespmem:$0x16F20] =	vst v63  }
0x7a: {  	s14 =	simm.s32 $0x400  }
0x7b: {  	[tilespmem:s15], [sflag:$0xC] =	stream.indirect.gather [hbm4b:s4+s16], $0x20, s14, s16, $0xb8;
	[tilespmem:$0x16F20] =	vst v63  }
0x7c: {  	s15 =	simm.s32 $0x480  }
0x7d: {  	[tilespmem:s17], [sflag:$0xD] =	stream.indirect.gather [hbm4b:s4+s16], $0x20, s15, s16, $0xb8;
	[tilespmem:$0x16F20] =	vst v63  }
0x7e: {  	s17 =	simm.s32 $0x500  }
0x7f: {  	[tilespmem:s18], [sflag:$0xE] =	stream.indirect.gather [hbm4b:s4+s16], $0x20, s17, s16, $0xb8;
	[tilespmem:$0x16F20] =	vst v63  }
0x80: {  	s18 =	simm.s32 $0x580  }
0x81: {  	[tilespmem:s20], [sflag:$0xF] =	stream.indirect.gather [hbm4b:s4+s16], $0x20, s18, s16, $0xb8;
	[tilespmem:$0x16F20] =	vst v63  }
0x82: {  	s20 =	simm.s32 $0x600  }
0x83: {  	[tilespmem:s22], [sflag:$0x10] =	stream.indirect.gather [hbm4b:s4+s16], $0x20, s20, s16, $0xb8;
	[tilespmem:$0x16F20] =	vst v63  }
0x84: {  	s23 =	simm.s32 $0x2700  }
0x85: {  	[tilespmem:s24], [sflag:$0x2] =	stream.indirect.gather [hbm4b:s4+s26], $0x20, s23, s26, $0xb8;
	[tilespmem:$0x16F20] =	vst v63  }
0x86: {  	_ =	swait.ge [sflag:s28], $0x80  }
0x87: {  	s9 =	simm.s32 $0x4D;
	[sflag:s28] =	ssyncset.done $0x0  }
.LBB2_4:
0x88: {  	p0 =	sne.s32 s9, $0x1;
	s9 =	sadd.s32 $0xFFFFFFFF, s9;
	[sflag:s28] =	ssyncadd.s32 $0xFFFFFF80  }
.Ltmp3:
0x89: {  	(pc) =	sbr.rel @p0 .LBB2_4-.Ltmp3, $3  }
0x8a: {  	_ =	sdelay $0x1  }
0x8b: {  	_ =	swait.ge [sflag:s28], $0x80  }
0x8c: {  	[sflag:s28] =	ssyncset.done $0x0  }
0x8d: {  	[sflag:s28] =	ssyncadd.s32 $0xFFFFFF80;
	s0 =	simm.s32 $0x1  }
0x8e: {  	s9 =	simm.s32 $0x0;
	s14 =	simm.s32 $0x4E20;
	_ =	swait.ge [sflag:s28], $0x10  }
0x8f: {  	s11 =	simm.s32 $0x5E20;
	s6 =	simm.s32 $0x6E20;
	[sflag:s28] =	ssyncset.done $0x0  }
0x90: {  	s7 =	simm.s32 $0x7E20;
	s5 =	simm.s32 $0x9E20;
	[sflag:s28] =	ssyncadd.s32 $0xFFFFFFF0  }
0x91: {  	s13 =	simm.s32 $0xAE20;
	s15 =	simm.s32 $0xBE20;
	_ =	swait.ge [sflag:s0], $0x9E0  }
0x92: {  	s17 =	simm.s32 $0xCE20;
	s18 =	simm.s32 $0xDE20;
	[sflag:s0] =	ssyncset.done $0x0  }
0x93: {  	s20 =	simm.s32 $0xEE20;
	s22 =	simm.s32 $0xFE20;
	[sflag:s0] =	ssyncadd.s32 $0xFFFFF620  }
0x94: {  	s24 =	simm.s32 $0x10E20;
	s0 =	simm.s32 $0x8E20;
	[bflag:$0x0] =	sbarrier.arrive $0xFFFF  }
.LBB2_6:
0x95: {  	s10 =	simm.s32 $0x4  }
0x96: {  	_ =	swait.ge [sflag:s10], $0x1000  }
0x97: {  	s23 =	sshra.s32 s9, $0x2;
	[sflag:s10] =	ssyncset.done $0x0  }
0x98: {  	s26 =	sadd.s32 $0x2710, s23;
	[sflag:s10] =	ssyncadd.s32 $0xFFFFF000  }
0x99: {  	[spmem:s2] =	stream.indirect.scatter.add.f32 [tilespmem:s14], [sflag:$0x11], $0x20, s26, s16, $0xb8;
	[tilespmem:$0x16F20] =	vst v63  }
0x9a: {  	s26 =	simm.s32 $0x5  }
0x9b: {  	_ =	swait.ge [sflag:s26], $0x1000  }
0x9c: {  	[sflag:s26] =	ssyncset.done $0x0  }
0x9d: {  	[sflag:s26] =	ssyncadd.s32 $0xFFFFF000;
	s26 =	sadd.s32 $0x2790, s23  }
0x9e: {  	[spmem:s2] =	stream.indirect.scatter.add.f32 [tilespmem:s11], [sflag:$0x12], $0x20, s26, s16, $0xb8;
	[tilespmem:$0x16F20] =	vst v63  }
0x9f: {  	s26 =	simm.s32 $0x6  }
0xa0: {  	_ =	swait.ge [sflag:s26], $0x1000  }
0xa1: {  	[sflag:s26] =	ssyncset.done $0x0  }
0xa2: {  	[sflag:s26] =	ssyncadd.s32 $0xFFFFF000;
	s26 =	sadd.s32 $0x2810, s23  }
0xa3: {  	[spmem:s2] =	stream.indirect.scatter.add.f32 [tilespmem:s6], [sflag:$0x13], $0x20, s26, s16, $0xb8;
	[tilespmem:$0x16F20] =	vst v63  }
0xa4: {  	s26 =	simm.s32 $0x7  }
0xa5: {  	_ =	swait.ge [sflag:s26], $0x1000  }
0xa6: {  	[sflag:s26] =	ssyncset.done $0x0  }
0xa7: {  	[sflag:s26] =	ssyncadd.s32 $0xFFFFF000;
	s26 =	sadd.s32 $0x2890, s23  }
0xa8: {  	[spmem:s2] =	stream.indirect.scatter.add.f32 [tilespmem:s7], [sflag:$0x14], $0x20, s26, s16, $0xb8;
	[tilespmem:$0x16F20] =	vst v63  }
0xa9: {  	s26 =	simm.s32 $0x8  }
0xaa: {  	_ =	swait.ge [sflag:s26], $0x1000  }
0xab: {  	[sflag:s26] =	ssyncset.done $0x0  }
0xac: {  	[sflag:s26] =	ssyncadd.s32 $0xFFFFF000;
	s26 =	sadd.s32 $0x2910, s23  }
0xad: {  	[spmem:s2] =	stream.indirect.scatter.add.f32 [tilespmem:s0], [sflag:$0x15], $0x20, s26, s16, $0xb8;
	[tilespmem:$0x16F20] =	vst v63  }
0xae: {  	s26 =	simm.s32 $0x9  }
0xaf: {  	_ =	swait.ge [sflag:s26], $0x1000  }
0xb0: {  	[sflag:s26] =	ssyncset.done $0x0  }
0xb1: {  	[sflag:s26] =	ssyncadd.s32 $0xFFFFF000;
	s26 =	sadd.s32 $0x2990, s23  }
0xb2: {  	[spmem:s2] =	stream.indirect.scatter.add.f32 [tilespmem:s5], [sflag:$0x16], $0x20, s26, s16, $0xb8;
	[tilespmem:$0x16F20] =	vst v63  }
0xb3: {  	s26 =	simm.s32 $0xA  }
0xb4: {  	_ =	swait.ge [sflag:s26], $0x1000  }
0xb5: {  	[sflag:s26] =	ssyncset.done $0x0  }
0xb6: {  	[sflag:s26] =	ssyncadd.s32 $0xFFFFF000;
	s26 =	sadd.s32 $0x2A10, s23  }
0xb7: {  	[spmem:s2] =	stream.indirect.scatter.add.f32 [tilespmem:s13], [sflag:$0x17], $0x20, s26, s16, $0xb8;
	[tilespmem:$0x16F20] =	vst v63  }
0xb8: {  	s26 =	simm.s32 $0xB  }
0xb9: {  	_ =	swait.ge [sflag:s26], $0x1000  }
0xba: {  	[sflag:s26] =	ssyncset.done $0x0  }
0xbb: {  	[sflag:s26] =	ssyncadd.s32 $0xFFFFF000;
	s26 =	sadd.s32 $0x2A90, s23  }
0xbc: {  	[spmem:s2] =	stream.indirect.scatter.add.f32 [tilespmem:s15], [sflag:$0x18], $0x20, s26, s16, $0xb8;
	[tilespmem:$0x16F20] =	vst v63  }
0xbd: {  	s26 =	simm.s32 $0xC  }
0xbe: {  	_ =	swait.ge [sflag:s26], $0x1000  }
0xbf: {  	[sflag:s26] =	ssyncset.done $0x0  }
0xc0: {  	[sflag:s26] =	ssyncadd.s32 $0xFFFFF000;
	s26 =	sadd.s32 $0x2B10, s23  }
0xc1: {  	[spmem:s2] =	stream.indirect.scatter.add.f32 [tilespmem:s17], [sflag:$0x19], $0x20, s26, s16, $0xb8;
	[tilespmem:$0x16F20] =	vst v63  }
0xc2: {  	s26 =	simm.s32 $0xD  }
0xc3: {  	_ =	swait.ge [sflag:s26], $0x1000  }
0xc4: {  	[sflag:s26] =	ssyncset.done $0x0  }
0xc5: {  	[sflag:s26] =	ssyncadd.s32 $0xFFFFF000;
	s26 =	sadd.s32 $0x2B90, s23  }
0xc6: {  	[spmem:s2] =	stream.indirect.scatter.add.f32 [tilespmem:s18], [sflag:$0x1A], $0x20, s26, s16, $0xb8;
	[tilespmem:$0x16F20] =	vst v63  }
0xc7: {  	s26 =	simm.s32 $0xE  }
0xc8: {  	_ =	swait.ge [sflag:s26], $0x1000  }
0xc9: {  	[sflag:s26] =	ssyncset.done $0x0  }
0xca: {  	[sflag:s26] =	ssyncadd.s32 $0xFFFFF000;
	s26 =	sadd.s32 $0x2C10, s23  }
0xcb: {  	[spmem:s2] =	stream.indirect.scatter.add.f32 [tilespmem:s20], [sflag:$0x1B], $0x20, s26, s16, $0xb8;
	[tilespmem:$0x16F20] =	vst v63  }
0xcc: {  	s26 =	simm.s32 $0xF  }
0xcd: {  	_ =	swait.ge [sflag:s26], $0x1000  }
0xce: {  	[sflag:s26] =	ssyncset.done $0x0  }
0xcf: {  	p0 =	seq.s32 s9, $0x8200;
	[sflag:s26] =	ssyncadd.s32 $0xFFFFF000;
	s26 =	sadd.s32 $0x2C90, s23  }
0xd0: {  	[spmem:s2] =	stream.indirect.scatter.add.f32 [tilespmem:s22], [sflag:$0x1C], $0x20, s26, s16, $0xb8;
	[tilespmem:$0x16F20] =	vst v63  }
.Ltmp4:
0xd1: {  	s10 =	simm.s32 $0x10;
	(pc) =	sbr.rel @p0 .LBB2_8-.Ltmp4, $4  }
0xd2: {  	_ =	swait.ge [sflag:s10], $0x1000  }
0xd3: {  	[sflag:s10] =	ssyncset.done $0x0  }
0xd4: {  	s26 =	simm.s32 $0x10;
	[sflag:s10] =	ssyncadd.s32 $0xFFFFF000;
	s10 =	sadd.s32 $0x2D10, s23  }
0xd5: {  	[spmem:s2] =	stream.indirect.scatter.add.f32 [tilespmem:s24], [sflag:$0x1D], $0x20, s10, s16, $0xb8;
	[tilespmem:$0x16F20] =	vst v63  }
0xd6: {  	s10 =	simm.s32 $0x11  }
0xd7: {  	_ =	swait.ge [sflag:s10], $0x1000  }
0xd8: {  	[sflag:s10] =	ssyncset.done $0x0  }
0xd9: {  	s26 =	sadd.s32 $0x680, s23;
	[sflag:s10] =	ssyncadd.s32 $0xFFFFF000  }
0xda: {  	[tilespmem:s14], [sflag:$0x4] =	stream.indirect.gather [hbm4b:s4+s16], $0x20, s26, s16, $0xb8;
	[tilespmem:$0x16F20] =	vst v63  }
0xdb: {  	s26 =	simm.s32 $0x12  }
0xdc: {  	_ =	swait.ge [sflag:s26], $0x1000  }
0xdd: {  	[sflag:s26] =	ssyncset.done $0x0  }
0xde: {  	[sflag:s26] =	ssyncadd.s32 $0xFFFFF000;
	s26 =	sadd.s32 $0x700, s23  }
0xdf: {  	[tilespmem:s11], [sflag:$0x5] =	stream.indirect.gather [hbm4b:s4+s16], $0x20, s26, s16, $0xb8;
	[tilespmem:$0x16F20] =	vst v63  }
0xe0: {  	s26 =	simm.s32 $0x13  }
0xe1: {  	_ =	swait.ge [sflag:s26], $0x1000  }
0xe2: {  	[sflag:s26] =	ssyncset.done $0x0  }
0xe3: {  	[sflag:s26] =	ssyncadd.s32 $0xFFFFF000;
	s26 =	sadd.s32 $0x780, s23  }
0xe4: {  	[tilespmem:s6], [sflag:$0x6] =	stream.indirect.gather [hbm4b:s4+s16], $0x20, s26, s16, $0xb8;
	[tilespmem:$0x16F20] =	vst v63  }
0xe5: {  	s26 =	simm.s32 $0x14  }
0xe6: {  	_ =	swait.ge [sflag:s26], $0x1000  }
0xe7: {  	[sflag:s26] =	ssyncset.done $0x0  }
0xe8: {  	[sflag:s26] =	ssyncadd.s32 $0xFFFFF000;
	s26 =	sadd.s32 $0x800, s23  }
0xe9: {  	[tilespmem:s7], [sflag:$0x7] =	stream.indirect.gather [hbm4b:s4+s16], $0x20, s26, s16, $0xb8;
	[tilespmem:$0x16F20] =	vst v63  }
0xea: {  	s26 =	simm.s32 $0x15  }
0xeb: {  	_ =	swait.ge [sflag:s26], $0x1000  }
0xec: {  	[sflag:s26] =	ssyncset.done $0x0  }
0xed: {  	[sflag:s26] =	ssyncadd.s32 $0xFFFFF000;
	s26 =	sadd.s32 $0x880, s23  }
0xee: {  	[tilespmem:s0], [sflag:$0x8] =	stream.indirect.gather [hbm4b:s4+s16], $0x20, s26, s16, $0xb8;
	[tilespmem:$0x16F20] =	vst v63  }
0xef: {  	_ =	swait.ge [sflag:s29], $0x1000  }
0xf0: {  	[sflag:s29] =	ssyncset.done $0x0  }
0xf1: {  	s26 =	sadd.s32 $0x900, s23;
	[sflag:s29] =	ssyncadd.s32 $0xFFFFF000  }
0xf2: {  	[tilespmem:s5], [sflag:$0x9] =	stream.indirect.gather [hbm4b:s4+s16], $0x20, s26, s16, $0xb8;
	[tilespmem:$0x16F20] =	vst v63  }
0xf3: {  	_ =	swait.ge [sflag:s31], $0x1000  }
0xf4: {  	[sflag:s31] =	ssyncset.done $0x0  }
0xf5: {  	s26 =	sadd.s32 $0x980, s23;
	[sflag:s31] =	ssyncadd.s32 $0xFFFFF000  }
0xf6: {  	[tilespmem:s13], [sflag:$0xA] =	stream.indirect.gather [hbm4b:s4+s16], $0x20, s26, s16, $0xb8;
	[tilespmem:$0x16F20] =	vst v63  }
0xf7: {  	_ =	swait.ge [sflag:s1], $0x1000  }
0xf8: {  	[sflag:s1] =	ssyncset.done $0x0  }
0xf9: {  	s26 =	sadd.s32 $0xA00, s23;
	[sflag:s1] =	ssyncadd.s32 $0xFFFFF000  }
0xfa: {  	[tilespmem:s15], [sflag:$0xB] =	stream.indirect.gather [hbm4b:s4+s16], $0x20, s26, s16, $0xb8;
	[tilespmem:$0x16F20] =	vst v63  }
0xfb: {  	_ =	swait.ge [sflag:s21], $0x1000  }
0xfc: {  	[sflag:s21] =	ssyncset.done $0x0  }
0xfd: {  	s26 =	sadd.s32 $0xA80, s23;
	[sflag:s21] =	ssyncadd.s32 $0xFFFFF000  }
0xfe: {  	[tilespmem:s17], [sflag:$0xC] =	stream.indirect.gather [hbm4b:s4+s16], $0x20, s26, s16, $0xb8;
	[tilespmem:$0x16F20] =	vst v63  }
0xff: {  	_ =	swait.ge [sflag:s25], $0x1000  }
0x100: {  	[sflag:s25] =	ssyncset.done $0x0  }
0x101: {  	s26 =	sadd.s32 $0xB00, s23;
	[sflag:s25] =	ssyncadd.s32 $0xFFFFF000  }
0x102: {  	[tilespmem:s18], [sflag:$0xD] =	stream.indirect.gather [hbm4b:s4+s16], $0x20, s26, s16, $0xb8;
	[tilespmem:$0x16F20] =	vst v63  }
0x103: {  	_ =	swait.ge [sflag:s30], $0x1000  }
0x104: {  	[sflag:s30] =	ssyncset.done $0x0  }
0x105: {  	s26 =	sadd.s32 $0xB80, s23;
	[sflag:s30] =	ssyncadd.s32 $0xFFFFF000  }
0x106: {  	[tilespmem:s20], [sflag:$0xE] =	stream.indirect.gather [hbm4b:s4+s16], $0x20, s26, s16, $0xb8;
	[tilespmem:$0x16F20] =	vst v63  }
0x107: {  	_ =	swait.ge [sflag:s19], $0x1000  }
0x108: {  	[sflag:s19] =	ssyncset.done $0x0  }
0x109: {  	s26 =	sadd.s32 $0xC00, s23;
	[sflag:s19] =	ssyncadd.s32 $0xFFFFF000  }
0x10a: {  	[tilespmem:s22], [sflag:$0xF] =	stream.indirect.gather [hbm4b:s4+s16], $0x20, s26, s16, $0xb8;
	[tilespmem:$0x16F20] =	vst v63  }
.Ltmp5:
0x10b: {  	_ = 	snop;
	(pc) =	sbr.rel .LBB2_6-.Ltmp5, $4  }
0x10c: {  	_ =	swait.ge [sflag:s8], $0x1000  }
0x10d: {  	[sflag:s8] =	ssyncset.done $0x0  }
0x10e: {  	s9 =	sadd.s32 $0x1A00, s9;
	s26 =	sadd.s32 $0xC80, s23;
	[sflag:s8] =	ssyncadd.s32 $0xFFFFF000  }
0x10f: {  	[tilespmem:s24], [sflag:$0x10] =	stream.indirect.gather [hbm4b:s4+s16], $0x20, s26, s16, $0xb8;
	[tilespmem:$0x16F20] =	vst v63  }
.LBB2_9:
0x110: {  	_ =	sfence.sel $0x180000  }
0x111: {  	[bflag:$0x0] =	sbarrier.arrive $0xFFFF  }
0x112: {  	_ =	strace $0x90000047  }
0x113: {  	s0 =	stileid.u32;
	[bflag:$0x2] =	sbarrier.arrive $0xFFFF  }
0x114: {  	p0 =	sne.s32 s0, $0x0;
	s0 =	rddreg [dreg:$0x3]  }
0x115: {  	s0 =	sadd.s32 @!p0 $0x100000, s0  }
0x116: {  	[sflag:s0] =	ssyncadd.tile.s32 @!p0 $0x1;
	_ =	shalt  }
.Lfunc_end2:
_tile_overlayer_lowered:
.L_overlay_start_2:
0x117: {  	(tag) =	ssettag $0x2  }
0x118: {  	s0 =	rddreg [dreg:$0x0];
	s2 =	stileid.u32  }
0x119: {  	s1 =	rddreg [dreg:$0x1];
	p0 =	sne.s32 s2, $0x0  }
0x11a: {  	s3 =	rddreg [dreg:$0x2];
	[bflag:$0x3] =	sbarrier.arrive $0xFFFF;
	s2 =	simm.s32 @!p0 $0x1C1E  }
0x11b: {  	[timem:s3], [sflag:s2] =	dma.local @!p0 [hbm:s0], s1  }
0x11c: {  	s0 =	simm.s32 @!p0 $0x1E  }
0x11d: {  	_ =	swait.ge @!p0 [sflag:s0], s1  }
0x11e: {  	s1 =	ssub.s32 @!p0 $0x0, s1;
	[sflag:s0] =	ssyncset.done @!p0 $0x0  }
0x11f: {  	[sflag:s0] =	ssyncadd.s32 @!p0 s1  }
0x120: {  	[bflag:$0x3] =	sbarrier.arrive $0xFFFF  }
0x121: {  	_ =	shalt  }

</sc_bundles>
